<compile_context>
chip_gen: v7x
topology: tpu7x:2x2x1
jax: 0.10.2.dev20260603
libtpu: 0.0.44.dev20260713+nightly
codegen_flags: <defaults>
</compile_context>

<pallas_src>
import functools

import jax
import jax.numpy as jnp
from jax import lax
from jax.experimental import pallas as pl
from jax.experimental.pallas import tpu as pltpu
from jax.experimental.pallas import tpu_sc as plsc

_N = 100000
_E = 3200000
_F = 128
_H = 16
_C = 40
_G = 128

_NC = 2
_NS = 16
_NW = _NC * _NS

_L = 128
_K = 8
_EROWS = _E // _L
_EROWS_PAD = 25088
_WROWS = _EROWS_PAD // _NW
_NCH = _WROWS // _K

_NP = 100096
_RPT = _NP // _NS


def _seg_kernel(with_deg):
  mesh = plsc.VectorSubcoreMesh(core_axis_name="c", subcore_axis_name="s")
  out_type = [jax.ShapeDtypeStruct((_NC, _NP, _H), jnp.float32)]
  if with_deg:
    out_type.append(jax.ShapeDtypeStruct((_NC * _NP,), jnp.float32))
  _EC = _K * _L
  _EH = _EC // 2
  scratch = [
      pltpu.VMEM((2, 2, _EH), jnp.int32),
      pltpu.VMEM((2, 2, _EH), jnp.int32),
      pltpu.VMEM((2, _EH, _H), jnp.float32),
      pltpu.VMEM_SHARED((_NP, _H), jnp.float32),
      pltpu.SemaphoreType.DMA,
      pltpu.SemaphoreType.DMA,
      pltpu.SemaphoreType.DMA,
      pltpu.SemaphoreType.DMA,
  ]
  if with_deg:
    scratch += [
        pltpu.VMEM((_EH,), jnp.float32),
        pltpu.VMEM_SHARED((_NP,), jnp.float32),
        pltpu.SemaphoreType.DMA,
    ]

  def body(h_hbm, src_hbm, dst_hbm, z2d_hbm, z3d_hbm, *rest):
    if with_deg:
      (z1d_hbm, zs_hbm, acc_out, deg_out, srcv, dstv, rows, acc_sh,
       gsem, isem, ssemA, ssemB, onesv, deg_sh, dsem) = rest
    else:
      acc_out, srcv, dstv, rows, acc_sh, gsem, isem, ssemA, ssemB = rest
    cid = lax.axis_index("c")
    sid = lax.axis_index("s")
    wid = sid * _NC + cid

    tile_r0 = sid * _RPT
    pltpu.sync_copy(z2d_hbm.at[pl.ds(tile_r0, _RPT)],
                    acc_sh.at[pl.ds(tile_r0, _RPT)])
    if with_deg:
      pltpu.sync_copy(z1d_hbm.at[pl.ds(tile_r0, _RPT)],
                      deg_sh.at[pl.ds(tile_r0, _RPT)])
      for j in range(_EH // _H):
        onesv[pl.ds(j * _H, _H)] = jnp.ones((_H,), jnp.float32)
    plsc.subcore_barrier()

    chunk0 = wid * _NCH

    def chunk(c, carry):
      par = lax.rem(c, 2)
      pltpu.make_async_copy(src_hbm.at[0], srcv.at[par], isem).wait()
      pltpu.make_async_copy(dst_hbm.at[0], dstv.at[par], isem).wait()

      @pl.when(c + 1 < _NCH)
      def _():
        pltpu.async_copy(src_hbm.at[chunk0 + c + 1], srcv.at[1 - par], isem)
        pltpu.async_copy(dst_hbm.at[chunk0 + c + 1], dstv.at[1 - par], isem)

      @pl.when(c > 0)
      def _():
        pltpu.make_async_copy(z3d_hbm, rows.at[0], ssemA).wait()
        pltpu.make_async_copy(z3d_hbm, rows.at[1], ssemB).wait()
        if with_deg:
          pltpu.make_async_copy(zs_hbm, onesv, dsem).wait()
          pltpu.make_async_copy(zs_hbm, onesv, dsem).wait()
      if with_deg:
        pltpu.async_copy(onesv, deg_sh.at[dstv.at[par, 0]], dsem, add=True)
        pltpu.async_copy(onesv, deg_sh.at[dstv.at[par, 1]], dsem, add=True)
      gA = pltpu.async_copy(h_hbm.at[srcv.at[par, 0]], rows.at[0], gsem)
      gA.wait()
      pltpu.async_copy(rows.at[0], acc_sh.at[dstv.at[par, 0]], ssemA, add=True)
      gB = pltpu.async_copy(h_hbm.at[srcv.at[par, 1]], rows.at[1], gsem)
      gB.wait()
      pltpu.async_copy(rows.at[1], acc_sh.at[dstv.at[par, 1]], ssemB, add=True)
      return carry

    pltpu.async_copy(src_hbm.at[chunk0], srcv.at[0], isem)
    pltpu.async_copy(dst_hbm.at[chunk0], dstv.at[0], isem)
    lax.fori_loop(0, _NCH, chunk, 0)

    pltpu.make_async_copy(z3d_hbm, rows.at[0], ssemA).wait()
    pltpu.make_async_copy(z3d_hbm, rows.at[1], ssemB).wait()
    if with_deg:
      pltpu.make_async_copy(zs_hbm, onesv, dsem).wait()
      pltpu.make_async_copy(zs_hbm, onesv, dsem).wait()

    plsc.subcore_barrier()

    pltpu.sync_copy(acc_sh.at[pl.ds(tile_r0, _RPT)],
                    acc_out.at[cid, pl.ds(tile_r0, _RPT)])
    if with_deg:
      pltpu.sync_copy(deg_sh.at[pl.ds(tile_r0, _RPT)],
                      deg_out.at[pl.ds(cid * _NP + tile_r0, _RPT)])

  return pl.kernel(
      body, out_type=out_type, mesh=mesh, scratch_types=scratch,
      compiler_params=pltpu.CompilerParams(use_tc_tiling_on_sc=False))


_BT = 2048
_NBLK = (_N + _BT - 1) // _BT


_EB = 256


def _embed_body(x_ref, embb_ref, out_ref):
  xr = x_ref[...].reshape(_EB, 8, _F)
  m = jnp.max(xr, axis=2, keepdims=True)
  iota = lax.broadcasted_iota(jnp.int32, (_EB, 8, _F), 2)
  idx = jnp.min(jnp.where(xr >= m, iota, _F), axis=2, keepdims=True)
  onehot = (iota == idx).astype(jnp.float32).reshape(_EB, 8 * _F)
  out_ref[...] = jnp.dot(onehot, embb_ref[...],
                         preferred_element_type=jnp.float32)


def _embed(xb, embb):
  nblk = (_NPR + _EB - 1) // _EB
  return pl.pallas_call(
      _embed_body,
      grid=(nblk,),
      in_specs=[
          pl.BlockSpec((_EB, 8 * _F), lambda i: (i, 0)),
          pl.BlockSpec((8 * _F, _L), lambda i: (0, 0)),
      ],
      out_specs=pl.BlockSpec((_EB, _L), lambda i: (i, 0)),
      out_shape=jax.ShapeDtypeStruct((_NPR, _L), jnp.float32),
  )(xb, embb)


_PK = 8
_PB = _BT // _PK
_NPR = _N // _PK
_NPPR = _NP * _H // _L


def _layer_body(relu, acc_ref, icnt_ref, h_ref, wl_ref, bl_ref, wr_ref,
                ones_ref, out_ref):
  agg = acc_ref[0] + acc_ref[1]
  z = (jnp.dot(agg, wl_ref[...], preferred_element_type=jnp.float32)
       * icnt_ref[...]
       + bl_ref[...]
       + jnp.dot(h_ref[...], wr_ref[...], preferred_element_type=jnp.float32))
  nrm2 = jnp.dot(z * z, ones_ref[...], preferred_element_type=jnp.float32)
  z = z * lax.rsqrt(jnp.maximum(nrm2, 1e-24))
  if relu:
    z = jnp.maximum(z, 0.0)
  out_ref[...] = z


def _layer(acc, icnt, h, wlb, blb, wrb, onesb, co, relu):
  cop = co * _PK
  return pl.pallas_call(
      functools.partial(_layer_body, relu),
      grid=(_NBLK,),
      in_specs=[
          pl.BlockSpec((_NC, _PB, _L), lambda i: (0, i, 0)),
          pl.BlockSpec((_PB, cop), lambda i: (i, 0)),
          pl.BlockSpec((_PB, _L), lambda i: (i, 0)),
          pl.BlockSpec((_L, cop), lambda i: (0, 0)),
          pl.BlockSpec((1, cop), lambda i: (0, 0)),
          pl.BlockSpec((_L, cop), lambda i: (0, 0)),
          pl.BlockSpec((cop, cop), lambda i: (0, 0)),
      ],
      out_specs=pl.BlockSpec((_PB, cop), lambda i: (i, 0)),
      out_shape=jax.ShapeDtypeStruct((_NPR, cop), jnp.float32),
  )(acc, icnt, h, wlb, blb, wrb, onesb)


def _pool_body(nblk, h_ref, batch_ref, out_ref, acc_ref):
  i = pl.program_id(0)

  @pl.when(i == 0)
  def _():
    acc_ref[...] = jnp.zeros((_G, _C + 1), jnp.float32)

  hb = h_ref[...].reshape(_EB, 8, _C)
  iota = lax.broadcasted_iota(jnp.int32, (_EB, 8, _G), 2)
  rowid = (i * _EB + lax.broadcasted_iota(jnp.int32, (_EB, 8, _G), 0)) * 8 \
      + lax.broadcasted_iota(jnp.int32, (_EB, 8, _G), 1)
  onehot = ((batch_ref[...][:, :, None] == iota)
            & (rowid < _N)).astype(jnp.float32)
  ext = jnp.concatenate(
      [hb, jnp.ones((_EB, 8, 1), jnp.float32)], axis=2)
  part = lax.dot_general(
      onehot[:, 0, :], ext[:, 0, :], (((0,), (0,)), ((), ())),
      preferred_element_type=jnp.float32)
  for a in range(1, 8):
    part += lax.dot_general(
        onehot[:, a, :], ext[:, a, :], (((0,), (0,)), ((), ())),
        preferred_element_type=jnp.float32)
  acc_ref[...] += part

  @pl.when(i == nblk - 1)
  def _():
    a = acc_ref[...]
    pooled = a[:, :_C] / jnp.maximum(a[:, _C:], 1.0)
    m = jnp.max(pooled, axis=1, keepdims=True)
    e = jnp.exp(pooled - m)
    out_ref[...] = e / jnp.sum(e, axis=1, keepdims=True)


def _pool(h3p, batchp):
  nblk = (_NPR + _EB - 1) // _EB
  return pl.pallas_call(
      functools.partial(_pool_body, nblk),
      grid=(nblk,),
      in_specs=[
          pl.BlockSpec((_EB, _C * 8), lambda i: (i, 0)),
          pl.BlockSpec((_EB, 8), lambda i: (i, 0)),
      ],
      out_specs=pl.BlockSpec((_G, _C), lambda i: (0, 0)),
      out_shape=jax.ShapeDtypeStruct((_G, _C), jnp.float32),
      scratch_shapes=[pltpu.VMEM((_G, _C + 1), jnp.float32)],
  )(h3p, batchp)


def kernel(x, edge_index, batch, emb, Wl1, bl1, Wr1, Wl2, bl2, Wr2,
           Wl3, bl3, Wr3):
  src2d = edge_index[0].reshape(_EROWS, _L)
  dst2d = edge_index[1].reshape(_EROWS, _L)
  pad_rows = _EROWS_PAD - _EROWS
  ec = _K * _L
  src3d = jnp.concatenate(
      [src2d, jnp.zeros((pad_rows, _L), jnp.int32)], axis=0
  ).reshape(_EROWS_PAD * _L // ec, 2, ec // 2)
  dst3d = jnp.concatenate(
      [dst2d, jnp.full((pad_rows, _L), _N, jnp.int32)], axis=0
  ).reshape(_EROWS_PAD * _L // ec, 2, ec // 2)

  seg_deg = _seg_kernel(with_deg=True)
  seg = _seg_kernel(with_deg=False)
  z2d = jnp.zeros((_NP, _H), jnp.float32)
  z1d = jnp.zeros((_NP,), jnp.float32)
  z3d = jnp.zeros((ec // 2, _H), jnp.float32)
  zs = jnp.zeros((ec // 2,), jnp.float32)

  eye8 = jnp.eye(_PK, dtype=jnp.float32)
  wl1b = jnp.kron(eye8, Wl1)
  wr1b = jnp.kron(eye8, Wr1)
  wl2b = jnp.kron(eye8, Wl2)
  wr2b = jnp.kron(eye8, Wr2)
  wl3b = jnp.kron(eye8, Wl3)
  wr3b = jnp.kron(eye8, Wr3)
  bl1b = jnp.tile(bl1, _PK).reshape(1, _L)
  bl2b = jnp.tile(bl2, _PK).reshape(1, _L)
  bl3b = jnp.tile(bl3, _PK).reshape(1, _C * _PK)
  ones16b = jnp.kron(eye8, jnp.ones((_H, _H), jnp.float32))
  ones40b = jnp.kron(eye8, jnp.ones((_C, _C), jnp.float32))

  h0p = _embed(x.reshape(_NPR, 8 * _F), jnp.kron(eye8, emb))
  acc1, deg = seg_deg(h0p.reshape(_N, _H), src3d, dst3d, z2d, z3d, z1d, zs)
  d = deg[:_NP] + deg[_NP:]
  icn = 1.0 / jnp.maximum(d[:_N], 1.0)
  icnt16 = jnp.repeat(icn, _H).reshape(_NPR, _L)
  icnt40 = jnp.repeat(icn, _C).reshape(_NPR, _C * _PK)
  h1p = _layer(acc1.reshape(_NC, _NPPR, _L), icnt16, h0p, wl1b, bl1b, wr1b,
               ones16b, _H, relu=True)
  [acc2] = seg(h1p.reshape(_N, _H), src3d, dst3d, z2d, z3d)
  h2p = _layer(acc2.reshape(_NC, _NPPR, _L), icnt16, h1p, wl2b, bl2b, wr2b,
               ones16b, _H, relu=True)
  [acc3] = seg(h2p.reshape(_N, _H), src3d, dst3d, z2d, z3d)
  h3p = _layer(acc3.reshape(_NC, _NPPR, _L), icnt40, h2p, wl3b, bl3b, wr3b,
               ones40b, _C, relu=False)
  return _pool(h3p, batch.reshape(_NPR, _PK))

# --- scband reference (transcript-rebuilt; emitter-appended) ---
"""Pipeline reference for scband-sage-3255585210654 (READ-ONLY COPY).

The authoritative reference and input builder live on the scoring server;
editing this copy changes nothing except your own understanding.
"""

import jax, jax.numpy as jnp
import numpy as np

N = 100000
E = 3200000
F_IN = 128
H = 16
C = 40
G = 128


def setup_inputs(seed: int = 0) -> dict:
    key = jax.random.key(seed)
    ks = jax.random.split(key, 16)
    x = jax.random.normal(ks[0], (N, F_IN), dtype=jnp.float32)
    edge_index = jax.random.randint(ks[1], (2, E), 0, N, dtype=jnp.int32)
    batch = jnp.sort(jax.random.randint(ks[2], (N,), 0, G, dtype=jnp.int32))
    emb = jax.random.normal(ks[3], (F_IN, H), dtype=jnp.float32) * 0.1
    Wl1 = jax.random.normal(ks[4], (H, H), dtype=jnp.float32) * 0.1
    bl1 = jnp.zeros((H,), dtype=jnp.float32)
    Wr1 = jax.random.normal(ks[5], (H, H), dtype=jnp.float32) * 0.1
    Wl2 = jax.random.normal(ks[6], (H, H), dtype=jnp.float32) * 0.1
    bl2 = jnp.zeros((H,), dtype=jnp.float32)
    Wr2 = jax.random.normal(ks[7], (H, H), dtype=jnp.float32) * 0.1
    Wl3 = jax.random.normal(ks[8], (H, C), dtype=jnp.float32) * 0.1
    bl3 = jnp.zeros((C,), dtype=jnp.float32)
    Wr3 = jax.random.normal(ks[9], (H, C), dtype=jnp.float32) * 0.1
    return {"x": x, "edge_index": edge_index, "batch": batch, "emb": emb,
            "Wl1": Wl1, "bl1": bl1, "Wr1": Wr1,
            "Wl2": Wl2, "bl2": bl2, "Wr2": Wr2,
            "Wl3": Wl3, "bl3": bl3, "Wr3": Wr3}


def _sage_conv(h, edge_index, Wl, bl, Wr, normalize=True):
    # PyG SAGEConv with mean aggregation:
    # out = lin_l(mean_{j in N(i)} x_j) + lin_r(x_i); optional L2 normalize
    src = edge_index[0]
    dst = edge_index[1]
    msg = h[src]  # gather over edges (memory-bound)
    agg = jax.ops.segment_sum(msg, dst, num_segments=N)
    cnt = jax.ops.segment_sum(jnp.ones((edge_index.shape[1],), h.dtype), dst, num_segments=N)
    mean = agg / jnp.clip(cnt, 1.0)[:, None]
    out = mean @ Wl + bl + h @ Wr
    if normalize:
        nrm = jnp.linalg.norm(out, axis=-1, keepdims=True)
        out = out / jnp.maximum(nrm, 1e-12)
    return out


def reference(x, edge_index, batch, emb, Wl1, bl1, Wr1, Wl2, bl2, Wr2, Wl3, bl3, Wr3):
    idx = jnp.argmax(x, axis=1)
    h = emb[idx]  # embedding lookup
    h = _sage_conv(h, edge_index, Wl1, bl1, Wr1)
    h = jax.nn.relu(h)
    # dropout is identity in eval mode
    h = _sage_conv(h, edge_index, Wl2, bl2, Wr2)
    h = jax.nn.relu(h)
    h = _sage_conv(h, edge_index, Wl3, bl3, Wr3)
    # global mean pool over graph assignment `batch`
    s = jax.ops.segment_sum(h, batch, num_segments=G)
    c = jax.ops.segment_sum(jnp.ones((N,), h.dtype), batch, num_segments=G)
    pooled = s / jnp.clip(c, 1.0)[:, None]
    return jax.nn.softmax(pooled, axis=1)

if __name__ == "__main__":
    import jax
    _d = setup_inputs()
    print(jax.jit(kernel)(*tuple(_d.values())))

</pallas_src>

<mosaic_0001>
#map = affine_map<(d0, d1) -> (0, 0)>
#map1 = affine_map<(d0, d1) -> (0, 0, 0)>
module attributes {stable_mosaic.version = 14 : i64} {
  func.func @body(%arg0: i32, %arg1: i32, %arg2: memref<100000x16xf32, #tpu.memory_space<hbm>>, %arg3: memref<3136x2x512xi32, #tpu.memory_space<hbm>>, %arg4: memref<3136x2x512xi32, #tpu.memory_space<hbm>>, %arg5: memref<100096x16xf32, #tpu.memory_space<hbm>>, %arg6: memref<512x16xf32, #tpu.memory_space<hbm>>, %arg7: memref<2x100096x16xf32, #tpu.memory_space<hbm>>, %arg8: memref<2x2x512xi32, #tpu.memory_space<vmem>>, %arg9: memref<2x2x512xi32, #tpu.memory_space<vmem>>, %arg10: memref<2x512x16xf32, #tpu.memory_space<vmem>>, %arg11: memref<100096x16xf32, #tpu.memory_space<vmem_shared>>, %arg12: memref<!tpu.dma_semaphore, #tpu.memory_space<semaphore_mem>>, %arg13: memref<!tpu.dma_semaphore, #tpu.memory_space<semaphore_mem>>, %arg14: memref<!tpu.dma_semaphore, #tpu.memory_space<semaphore_mem>>, %arg15: memref<!tpu.dma_semaphore, #tpu.memory_space<semaphore_mem>>) attributes {dimension_semantics = [#tpu.dimension_semantics<core_parallel>, #tpu.dimension_semantics<subcore_parallel>], iteration_bounds = array<i64: 2, 16>, scalar_prefetch = 0 : i64, scratch_operands = 8 : i64, tpu.core_type = #tpu.core_type<sc_vector_subcore>, window_params = [{transform_indices = #map}, {transform_indices = #map1}, {transform_indices = #map1}, {transform_indices = #map}, {transform_indices = #map}, {transform_indices = #map1}]} {
    %mul3A = arith.constant 2 : i32
    %mul3A_0 = arith.muli %arg1, %mul3A : i32
    %add3A = arith.addi %mul3A_0, %arg0 : i32
    %mul3A_1 = arith.constant 6256 : i32
    %mul3A_2 = arith.muli %arg1, %mul3A_1 : i32
    "tpu.region"() ({
      %run_scoped3A = tpu.sem_alloc : memref<!tpu.dma_semaphore, #tpu.memory_space<semaphore_mem>>
      %dma_start3A_61 = arith.constant 0 : i32
      %dma_start3A_62 = tpu.memref_slice %arg11[%mul3A_2, %dma_start3A_61] : memref<100096x16xf32, #tpu.memory_space<vmem_shared>> -> memref<6256x16xf32, #tpu.memory_space<vmem_shared>>
      %dma_start3A_63 = arith.constant 0 : i32
      %dma_start3A_64 = tpu.memref_slice %arg5[%mul3A_2, %dma_start3A_63] : memref<100096x16xf32, #tpu.memory_space<hbm>> -> memref<6256x16xf32, #tpu.memory_space<hbm>>
      tpu.enqueue_dma source(%dma_start3A_64 : memref<6256x16xf32, #tpu.memory_space<hbm>>) target(%dma_start3A_62 : memref<6256x16xf32, #tpu.memory_space<vmem_shared>>) target_semaphore(%run_scoped3A : memref<!tpu.dma_semaphore, #tpu.memory_space<semaphore_mem>>)
      %dma_wait3A_65 = arith.constant 0 : i32
      %dma_wait3A_66 = tpu.memref_slice %arg11[%mul3A_2, %dma_wait3A_65] : memref<100096x16xf32, #tpu.memory_space<vmem_shared>> -> memref<6256x16xf32, #tpu.memory_space<vmem_shared>>
      %dma_wait3A_67 = arith.constant 0 : i32
      %dma_wait3A_68 = tpu.memref_slice %arg5[%mul3A_2, %dma_wait3A_67] : memref<100096x16xf32, #tpu.memory_space<hbm>> -> memref<6256x16xf32, #tpu.memory_space<hbm>>
      tpu.wait_dma2 semaphore(%run_scoped3A : memref<!tpu.dma_semaphore, #tpu.memory_space<semaphore_mem>>) src(%dma_wait3A_68 : memref<6256x16xf32, #tpu.memory_space<hbm>>) dst(%dma_wait3A_66 : memref<6256x16xf32, #tpu.memory_space<vmem_shared>>)
      tpu.yield
    }) : () -> ()
    %barrier3A = arith.constant 0 : index
    tpu.barrier barrier_id(%barrier3A)
    %mul3A_3 = arith.constant 98 : i32
    %mul3A_4 = arith.muli %add3A, %mul3A_3 : i32
    %dma_start3A = arith.constant 0 : i32
    %dma_start3A_5 = arith.constant 0 : i32
    %dma_start3A_6 = arith.constant 0 : i32
    %dma_start3A_7 = tpu.memref_slice %arg8[%dma_start3A, %dma_start3A_5, %dma_start3A_6] : memref<2x2x512xi32, #tpu.memory_space<vmem>> -> memref<1x2x512xi32, #tpu.memory_space<vmem>>
    %dma_start3A_8 = tpu.memref_squeeze %dma_start3A_7 : memref<1x2x512xi32, #tpu.memory_space<vmem>> -> memref<2x512xi32, #tpu.memory_space<vmem>>
    %dma_start3A_9 = arith.constant 0 : i32
    %dma_start3A_10 = arith.constant 0 : i32
    %dma_start3A_11 = tpu.memref_slice %arg3[%mul3A_4, %dma_start3A_9, %dma_start3A_10] : memref<3136x2x512xi32, #tpu.memory_space<hbm>> -> memref<1x2x512xi32, #tpu.memory_space<hbm>>
    %dma_start3A_12 = tpu.memref_squeeze %dma_start3A_11 : memref<1x2x512xi32, #tpu.memory_space<hbm>> -> memref<2x512xi32, #tpu.memory_space<hbm>>
    %dma_start3A_13 = arith.constant 0 : i32
    %dma_start3A_14 = arith.constant 0 : i32
    %dma_start3A_15 = tpu.memref_slice %arg8[%dma_start3A, %dma_start3A_13, %dma_start3A_14] : memref<2x2x512xi32, #tpu.memory_space<vmem>> -> memref<1x2x512xi32, #tpu.memory_space<vmem>>
    %dma_start3A_16 = tpu.memref_squeeze %dma_start3A_15 : memref<1x2x512xi32, #tpu.memory_space<vmem>> -> memref<2x512xi32, #tpu.memory_space<vmem>>
    %dma_start3A_17 = arith.constant 0 : i32
    %dma_start3A_18 = arith.constant 0 : i32
    %dma_start3A_19 = tpu.memref_slice %arg3[%mul3A_4, %dma_start3A_17, %dma_start3A_18] : memref<3136x2x512xi32, #tpu.memory_space<hbm>> -> memref<1x2x512xi32, #tpu.memory_space<hbm>>
    %dma_start3A_20 = tpu.memref_squeeze %dma_start3A_19 : memref<1x2x512xi32, #tpu.memory_space<hbm>> -> memref<2x512xi32, #tpu.memory_space<hbm>>
    tpu.enqueue_dma source(%dma_start3A_20 : memref<2x512xi32, #tpu.memory_space<hbm>>) target(%dma_start3A_16 : memref<2x512xi32, #tpu.memory_space<vmem>>) target_semaphore(%arg13 : memref<!tpu.dma_semaphore, #tpu.memory_space<semaphore_mem>>)
    %dma_start3A_21 = arith.constant 0 : i32
    %dma_start3A_22 = arith.constant 0 : i32
    %dma_start3A_23 = arith.constant 0 : i32
    %dma_start3A_24 = tpu.memref_slice %arg9[%dma_start3A_21, %dma_start3A_22, %dma_start3A_23] : memref<2x2x512xi32, #tpu.memory_space<vmem>> -> memref<1x2x512xi32, #tpu.memory_space<vmem>>
    %dma_start3A_25 = tpu.memref_squeeze %dma_start3A_24 : memref<1x2x512xi32, #tpu.memory_space<vmem>> -> memref<2x512xi32, #tpu.memory_space<vmem>>
    %dma_start3A_26 = arith.constant 0 : i32
    %dma_start3A_27 = arith.constant 0 : i32
    %dma_start3A_28 = tpu.memref_slice %arg4[%mul3A_4, %dma_start3A_26, %dma_start3A_27] : memref<3136x2x512xi32, #tpu.memory_space<hbm>> -> memref<1x2x512xi32, #tpu.memory_space<hbm>>
    %dma_start3A_29 = tpu.memref_squeeze %dma_start3A_28 : memref<1x2x512xi32, #tpu.memory_space<hbm>> -> memref<2x512xi32, #tpu.memory_space<hbm>>
    %dma_start3A_30 = arith.constant 0 : i32
    %dma_start3A_31 = arith.constant 0 : i32
    %dma_start3A_32 = tpu.memref_slice %arg9[%dma_start3A_21, %dma_start3A_30, %dma_start3A_31] : memref<2x2x512xi32, #tpu.memory_space<vmem>> -> memref<1x2x512xi32, #tpu.memory_space<vmem>>
    %dma_start3A_33 = tpu.memref_squeeze %dma_start3A_32 : memref<1x2x512xi32, #tpu.memory_space<vmem>> -> memref<2x512xi32, #tpu.memory_space<vmem>>
    %dma_start3A_34 = arith.constant 0 : i32
    %dma_start3A_35 = arith.constant 0 : i32
    %dma_start3A_36 = tpu.memref_slice %arg4[%mul3A_4, %dma_start3A_34, %dma_start3A_35] : memref<3136x2x512xi32, #tpu.memory_space<hbm>> -> memref<1x2x512xi32, #tpu.memory_space<hbm>>
    %dma_start3A_37 = tpu.memref_squeeze %dma_start3A_36 : memref<1x2x512xi32, #tpu.memory_space<hbm>> -> memref<2x512xi32, #tpu.memory_space<hbm>>
    tpu.enqueue_dma source(%dma_start3A_37 : memref<2x512xi32, #tpu.memory_space<hbm>>) target(%dma_start3A_33 : memref<2x512xi32, #tpu.memory_space<vmem>>) target_semaphore(%arg13 : memref<!tpu.dma_semaphore, #tpu.memory_space<semaphore_mem>>)
    %scan3A = arith.constant 0 : i32
    %scan3A_38 = arith.constant 0 : i32
    %scan3A_39 = arith.constant 98 : i32
    %scan3A_40 = arith.addi %scan3A_38, %scan3A_39 : i32
    %scan3A_41 = arith.constant 1 : i32
    scf.for %scan3A_61 = %scan3A_38 to %scan3A_40 step %scan3A_41  : i32 {
      %rem3A = arith.constant 2 : i32
      %rem3A_62 = arith.remsi %scan3A_61, %rem3A : i32
      %dma_wait3A_63 = arith.constant 0 : i32
      %dma_wait3A_64 = arith.constant 0 : i32
      %dma_wait3A_65 = arith.constant 0 : i32
      %dma_wait3A_66 = tpu.memref_slice %arg8[%rem3A_62, %dma_wait3A_64, %dma_wait3A_65] : memref<2x2x512xi32, #tpu.memory_space<vmem>> -> memref<1x2x512xi32, #tpu.memory_space<vmem>>
      %dma_wait3A_67 = tpu.memref_squeeze %dma_wait3A_66 : memref<1x2x512xi32, #tpu.memory_space<vmem>> -> memref<2x512xi32, #tpu.memory_space<vmem>>
      %dma_wait3A_68 = arith.constant 0 : i32
      %dma_wait3A_69 = arith.constant 0 : i32
      %dma_wait3A_70 = tpu.memref_slice %arg3[%dma_wait3A_63, %dma_wait3A_68, %dma_wait3A_69] : memref<3136x2x512xi32, #tpu.memory_space<hbm>> -> memref<1x2x512xi32, #tpu.memory_space<hbm>>
      %dma_wait3A_71 = tpu.memref_squeeze %dma_wait3A_70 : memref<1x2x512xi32, #tpu.memory_space<hbm>> -> memref<2x512xi32, #tpu.memory_space<hbm>>
      %dma_wait3A_72 = arith.constant 0 : i32
      %dma_wait3A_73 = arith.constant 0 : i32
      %dma_wait3A_74 = tpu.memref_slice %arg8[%rem3A_62, %dma_wait3A_72, %dma_wait3A_73] : memref<2x2x512xi32, #tpu.memory_space<vmem>> -> memref<1x2x512xi32, #tpu.memory_space<vmem>>
      %dma_wait3A_75 = tpu.memref_squeeze %dma_wait3A_74 : memref<1x2x512xi32, #tpu.memory_space<vmem>> -> memref<2x512xi32, #tpu.memory_space<vmem>>
      %dma_wait3A_76 = arith.constant 0 : i32
      %dma_wait3A_77 = arith.constant 0 : i32
      %dma_wait3A_78 = tpu.memref_slice %arg3[%dma_wait3A_63, %dma_wait3A_76, %dma_wait3A_77] : memref<3136x2x512xi32, #tpu.memory_space<hbm>> -> memref<1x2x512xi32, #tpu.memory_space<hbm>>
      %dma_wait3A_79 = tpu.memref_squeeze %dma_wait3A_78 : memref<1x2x512xi32, #tpu.memory_space<hbm>> -> memref<2x512xi32, #tpu.memory_space<hbm>>
      tpu.wait_dma2 semaphore(%arg13 : memref<!tpu.dma_semaphore, #tpu.memory_space<semaphore_mem>>) src(%dma_wait3A_79 : memref<2x512xi32, #tpu.memory_space<hbm>>) dst(%dma_wait3A_75 : memref<2x512xi32, #tpu.memory_space<vmem>>)
      %dma_wait3A_80 = arith.constant 0 : i32
      %dma_wait3A_81 = arith.constant 0 : i32
      %dma_wait3A_82 = arith.constant 0 : i32
      %dma_wait3A_83 = tpu.memref_slice %arg9[%rem3A_62, %dma_wait3A_81, %dma_wait3A_82] : memref<2x2x512xi32, #tpu.memory_space<vmem>> -> memref<1x2x512xi32, #tpu.memory_space<vmem>>
      %dma_wait3A_84 = tpu.memref_squeeze %dma_wait3A_83 : memref<1x2x512xi32, #tpu.memory_space<vmem>> -> memref<2x512xi32, #tpu.memory_space<vmem>>
      %dma_wait3A_85 = arith.constant 0 : i32
      %dma_wait3A_86 = arith.constant 0 : i32
      %dma_wait3A_87 = tpu.memref_slice %arg4[%dma_wait3A_80, %dma_wait3A_85, %dma_wait3A_86] : memref<3136x2x512xi32, #tpu.memory_space<hbm>> -> memref<1x2x512xi32, #tpu.memory_space<hbm>>
      %dma_wait3A_88 = tpu.memref_squeeze %dma_wait3A_87 : memref<1x2x512xi32, #tpu.memory_space<hbm>> -> memref<2x512xi32, #tpu.memory_space<hbm>>
      %dma_wait3A_89 = arith.constant 0 : i32
      %dma_wait3A_90 = arith.constant 0 : i32
      %dma_wait3A_91 = tpu.memref_slice %arg9[%rem3A_62, %dma_wait3A_89, %dma_wait3A_90] : memref<2x2x512xi32, #tpu.memory_space<vmem>> -> memref<1x2x512xi32, #tpu.memory_space<vmem>>
      %dma_wait3A_92 = tpu.memref_squeeze %dma_wait3A_91 : memref<1x2x512xi32, #tpu.memory_space<vmem>> -> memref<2x512xi32, #tpu.memory_space<vmem>>
      %dma_wait3A_93 = arith.constant 0 : i32
      %dma_wait3A_94 = arith.constant 0 : i32
      %dma_wait3A_95 = tpu.memref_slice %arg4[%dma_wait3A_80, %dma_wait3A_93, %dma_wait3A_94] : memref<3136x2x512xi32, #tpu.memory_space<hbm>> -> memref<1x2x512xi32, #tpu.memory_space<hbm>>
      %dma_wait3A_96 = tpu.memref_squeeze %dma_wait3A_95 : memref<1x2x512xi32, #tpu.memory_space<hbm>> -> memref<2x512xi32, #tpu.memory_space<hbm>>
      tpu.wait_dma2 semaphore(%arg13 : memref<!tpu.dma_semaphore, #tpu.memory_space<semaphore_mem>>) src(%dma_wait3A_96 : memref<2x512xi32, #tpu.memory_space<hbm>>) dst(%dma_wait3A_92 : memref<2x512xi32, #tpu.memory_space<vmem>>)
      %add3A_97 = arith.constant 1 : i32
      %add3A_98 = arith.addi %scan3A_61, %add3A_97 : i32
      %lt3A = arith.constant 98 : i32
      %lt3A_99 = arith.cmpi slt, %add3A_98, %lt3A : i32
      %convert_element_type3A = arith.extui %lt3A_99 : i1 to i32
      %cond3A = arith.constant 0 : i32
      %cond3A_100 = arith.cmpi ne, %convert_element_type3A, %cond3A : i32
      scf.if %cond3A_100 {
        %add3A_177 = arith.addi %mul3A_4, %scan3A_61 : i32
        %add3A_178 = arith.constant 1 : i32
        %add3A_179 = arith.addi %add3A_177, %add3A_178 : i32
        %sub3A = arith.constant 1 : i32
        %sub3A_180 = arith.subi %sub3A, %rem3A_62 : i32
        %dma_start3A_181 = arith.constant 0 : i32
        %dma_start3A_182 = arith.constant 0 : i32
        %dma_start3A_183 = tpu.memref_slice %arg8[%sub3A_180, %dma_start3A_181, %dma_start3A_182] : memref<2x2x512xi32, #tpu.memory_space<vmem>> -> memref<1x2x512xi32, #tpu.memory_space<vmem>>
        %dma_start3A_184 = tpu.memref_squeeze %dma_start3A_183 : memref<1x2x512xi32, #tpu.memory_space<vmem>> -> memref<2x512xi32, #tpu.memory_space<vmem>>
        %dma_start3A_185 = arith.constant 0 : i32
        %dma_start3A_186 = arith.constant 0 : i32
        %dma_start3A_187 = tpu.memref_slice %arg3[%add3A_179, %dma_start3A_185, %dma_start3A_186] : memref<3136x2x512xi32, #tpu.memory_space<hbm>> -> memref<1x2x512xi32, #tpu.memory_space<hbm>>
        %dma_start3A_188 = tpu.memref_squeeze %dma_start3A_187 : memref<1x2x512xi32, #tpu.memory_space<hbm>> -> memref<2x512xi32, #tpu.memory_space<hbm>>
        %dma_start3A_189 = arith.constant 0 : i32
        %dma_start3A_190 = arith.constant 0 : i32
        %dma_start3A_191 = tpu.memref_slice %arg8[%sub3A_180, %dma_start3A_189, %dma_start3A_190] : memref<2x2x512xi32, #tpu.memory_space<vmem>> -> memref<1x2x512xi32, #tpu.memory_space<vmem>>
        %dma_start3A_192 = tpu.memref_squeeze %dma_start3A_191 : memref<1x2x512xi32, #tpu.memory_space<vmem>> -> memref<2x512xi32, #tpu.memory_space<vmem>>
        %dma_start3A_193 = arith.constant 0 : i32
        %dma_start3A_194 = arith.constant 0 : i32
        %dma_start3A_195 = tpu.memref_slice %arg3[%add3A_179, %dma_start3A_193, %dma_start3A_194] : memref<3136x2x512xi32, #tpu.memory_space<hbm>> -> memref<1x2x512xi32, #tpu.memory_space<hbm>>
        %dma_start3A_196 = tpu.memref_squeeze %dma_start3A_195 : memref<1x2x512xi32, #tpu.memory_space<hbm>> -> memref<2x512xi32, #tpu.memory_space<hbm>>
        tpu.enqueue_dma source(%dma_start3A_196 : memref<2x512xi32, #tpu.memory_space<hbm>>) target(%dma_start3A_192 : memref<2x512xi32, #tpu.memory_space<vmem>>) target_semaphore(%arg13 : memref<!tpu.dma_semaphore, #tpu.memory_space<semaphore_mem>>)
        %add3A_197 = arith.addi %mul3A_4, %scan3A_61 : i32
        %add3A_198 = arith.constant 1 : i32
        %add3A_199 = arith.addi %add3A_197, %add3A_198 : i32
        %sub3A_200 = arith.constant 1 : i32
        %sub3A_201 = arith.subi %sub3A_200, %rem3A_62 : i32
        %dma_start3A_202 = arith.constant 0 : i32
        %dma_start3A_203 = arith.constant 0 : i32
        %dma_start3A_204 = tpu.memref_slice %arg9[%sub3A_201, %dma_start3A_202, %dma_start3A_203] : memref<2x2x512xi32, #tpu.memory_space<vmem>> -> memref<1x2x512xi32, #tpu.memory_space<vmem>>
        %dma_start3A_205 = tpu.memref_squeeze %dma_start3A_204 : memref<1x2x512xi32, #tpu.memory_space<vmem>> -> memref<2x512xi32, #tpu.memory_space<vmem>>
        %dma_start3A_206 = arith.constant 0 : i32
        %dma_start3A_207 = arith.constant 0 : i32
        %dma_start3A_208 = tpu.memref_slice %arg4[%add3A_199, %dma_start3A_206, %dma_start3A_207] : memref<3136x2x512xi32, #tpu.memory_space<hbm>> -> memref<1x2x512xi32, #tpu.memory_space<hbm>>
        %dma_start3A_209 = tpu.memref_squeeze %dma_start3A_208 : memref<1x2x512xi32, #tpu.memory_space<hbm>> -> memref<2x512xi32, #tpu.memory_space<hbm>>
        %dma_start3A_210 = arith.constant 0 : i32
        %dma_start3A_211 = arith.constant 0 : i32
        %dma_start3A_212 = tpu.memref_slice %arg9[%sub3A_201, %dma_start3A_210, %dma_start3A_211] : memref<2x2x512xi32, #tpu.memory_space<vmem>> -> memref<1x2x512xi32, #tpu.memory_space<vmem>>
        %dma_start3A_213 = tpu.memref_squeeze %dma_start3A_212 : memref<1x2x512xi32, #tpu.memory_space<vmem>> -> memref<2x512xi32, #tpu.memory_space<vmem>>
        %dma_start3A_214 = arith.constant 0 : i32
        %dma_start3A_215 = arith.constant 0 : i32
        %dma_start3A_216 = tpu.memref_slice %arg4[%add3A_199, %dma_start3A_214, %dma_start3A_215] : memref<3136x2x512xi32, #tpu.memory_space<hbm>> -> memref<1x2x512xi32, #tpu.memory_space<hbm>>
        %dma_start3A_217 = tpu.memref_squeeze %dma_start3A_216 : memref<1x2x512xi32, #tpu.memory_space<hbm>> -> memref<2x512xi32, #tpu.memory_space<hbm>>
        tpu.enqueue_dma source(%dma_start3A_217 : memref<2x512xi32, #tpu.memory_space<hbm>>) target(%dma_start3A_213 : memref<2x512xi32, #tpu.memory_space<vmem>>) target_semaphore(%arg13 : memref<!tpu.dma_semaphore, #tpu.memory_space<semaphore_mem>>)
      } else {
      }
      %gt3A = arith.constant 0 : i32
      %gt3A_101 = arith.cmpi sgt, %scan3A_61, %gt3A : i32
      %convert_element_type3A_102 = arith.extui %gt3A_101 : i1 to i32
      %cond3A_103 = arith.constant 0 : i32
      %cond3A_104 = arith.cmpi ne, %convert_element_type3A_102, %cond3A_103 : i32
      scf.if %cond3A_104 {
        %dma_wait3A_177 = arith.constant 0 : i32
        %dma_wait3A_178 = arith.constant 0 : i32
        %dma_wait3A_179 = arith.constant 0 : i32
        %dma_wait3A_180 = tpu.memref_slice %arg10[%dma_wait3A_177, %dma_wait3A_178, %dma_wait3A_179] : memref<2x512x16xf32, #tpu.memory_space<vmem>> -> memref<1x512x16xf32, #tpu.memory_space<vmem>>
        %dma_wait3A_181 = tpu.memref_squeeze %dma_wait3A_180 : memref<1x512x16xf32, #tpu.memory_space<vmem>> -> memref<512x16xf32, #tpu.memory_space<vmem>>
        %dma_wait3A_182 = arith.constant 0 : i32
        %dma_wait3A_183 = arith.constant 0 : i32
        %dma_wait3A_184 = tpu.memref_slice %arg10[%dma_wait3A_177, %dma_wait3A_182, %dma_wait3A_183] : memref<2x512x16xf32, #tpu.memory_space<vmem>> -> memref<1x512x16xf32, #tpu.memory_space<vmem>>
        %dma_wait3A_185 = tpu.memref_squeeze %dma_wait3A_184 : memref<1x512x16xf32, #tpu.memory_space<vmem>> -> memref<512x16xf32, #tpu.memory_space<vmem>>
        tpu.wait_dma2 semaphore(%arg14 : memref<!tpu.dma_semaphore, #tpu.memory_space<semaphore_mem>>) src(%arg6 : memref<512x16xf32, #tpu.memory_space<hbm>>) dst(%dma_wait3A_185 : memref<512x16xf32, #tpu.memory_space<vmem>>)
        %dma_wait3A_186 = arith.constant 1 : i32
        %dma_wait3A_187 = arith.constant 0 : i32
        %dma_wait3A_188 = arith.constant 0 : i32
        %dma_wait3A_189 = tpu.memref_slice %arg10[%dma_wait3A_186, %dma_wait3A_187, %dma_wait3A_188] : memref<2x512x16xf32, #tpu.memory_space<vmem>> -> memref<1x512x16xf32, #tpu.memory_space<vmem>>
        %dma_wait3A_190 = tpu.memref_squeeze %dma_wait3A_189 : memref<1x512x16xf32, #tpu.memory_space<vmem>> -> memref<512x16xf32, #tpu.memory_space<vmem>>
        %dma_wait3A_191 = arith.constant 0 : i32
        %dma_wait3A_192 = arith.constant 0 : i32
        %dma_wait3A_193 = tpu.memref_slice %arg10[%dma_wait3A_186, %dma_wait3A_191, %dma_wait3A_192] : memref<2x512x16xf32, #tpu.memory_space<vmem>> -> memref<1x512x16xf32, #tpu.memory_space<vmem>>
        %dma_wait3A_194 = tpu.memref_squeeze %dma_wait3A_193 : memref<1x512x16xf32, #tpu.memory_space<vmem>> -> memref<512x16xf32, #tpu.memory_space<vmem>>
        tpu.wait_dma2 semaphore(%arg15 : memref<!tpu.dma_semaphore, #tpu.memory_space<semaphore_mem>>) src(%arg6 : memref<512x16xf32, #tpu.memory_space<hbm>>) dst(%dma_wait3A_194 : memref<512x16xf32, #tpu.memory_space<vmem>>)
      } else {
      }
      %dma_start3A_105 = arith.constant 0 : i32
      %dma_start3A_106 = arith.constant 0 : i32
      %dma_start3A_107 = arith.constant 0 : i32
      %dma_start3A_108 = arith.constant 0 : i32
      %dma_start3A_109 = tpu.memref_slice %arg10[%dma_start3A_106, %dma_start3A_107, %dma_start3A_108] : memref<2x512x16xf32, #tpu.memory_space<vmem>> -> memref<1x512x16xf32, #tpu.memory_space<vmem>>
      %dma_start3A_110 = tpu.memref_squeeze %dma_start3A_109 : memref<1x512x16xf32, #tpu.memory_space<vmem>> -> memref<512x16xf32, #tpu.memory_space<vmem>>
      %dma_start3A_111 = arith.constant 0 : i32
      %dma_start3A_112 = tpu.memref_slice %arg8[%rem3A_62, %dma_start3A_105, %dma_start3A_111] : memref<2x2x512xi32, #tpu.memory_space<vmem>> -> memref<1x1x512xi32, #tpu.memory_space<vmem>>
      %dma_start3A_113 = tpu.memref_squeeze %dma_start3A_112 : memref<1x1x512xi32, #tpu.memory_space<vmem>> -> memref<512xi32, #tpu.memory_space<vmem>>
      %dma_start3A_114 = arith.constant 0 : i32
      %dma_start3A_115 = arith.constant 0 : i32
      %dma_start3A_116 = tpu.memref_slice %arg2[%dma_start3A_114, %dma_start3A_115] : memref<100000x16xf32, #tpu.memory_space<hbm>> -> memref<100000x16xf32, #tpu.memory_space<hbm>>
      tpu.enqueue_indirect_dma source(%dma_start3A_116 : memref<100000x16xf32, #tpu.memory_space<hbm>>) target(%dma_start3A_110 : memref<512x16xf32, #tpu.memory_space<vmem>>) offsets(%dma_start3A_113 : memref<512xi32, #tpu.memory_space<vmem>>) semaphore(%arg12 : memref<!tpu.dma_semaphore, #tpu.memory_space<semaphore_mem>>)
      %dma_wait3A_117 = arith.constant 0 : i32
      %dma_wait3A_118 = arith.constant 0 : i32
      %dma_wait3A_119 = arith.constant 0 : i32
      %dma_wait3A_120 = arith.constant 0 : i32
      %dma_wait3A_121 = tpu.memref_slice %arg10[%dma_wait3A_118, %dma_wait3A_119, %dma_wait3A_120] : memref<2x512x16xf32, #tpu.memory_space<vmem>> -> memref<1x512x16xf32, #tpu.memory_space<vmem>>
      %dma_wait3A_122 = tpu.memref_squeeze %dma_wait3A_121 : memref<1x512x16xf32, #tpu.memory_space<vmem>> -> memref<512x16xf32, #tpu.memory_space<vmem>>
      %dma_wait3A_123 = arith.constant 0 : i32
      %dma_wait3A_124 = tpu.memref_slice %arg8[%rem3A_62, %dma_wait3A_117, %dma_wait3A_123] : memref<2x2x512xi32, #tpu.memory_space<vmem>> -> memref<1x1x512xi32, #tpu.memory_space<vmem>>
      %dma_wait3A_125 = tpu.memref_squeeze %dma_wait3A_124 : memref<1x1x512xi32, #tpu.memory_space<vmem>> -> memref<512xi32, #tpu.memory_space<vmem>>
      %dma_wait3A_126 = arith.constant 0 : i32
      %dma_wait3A_127 = arith.constant 0 : i32
      %dma_wait3A_128 = tpu.memref_slice %arg2[%dma_wait3A_126, %dma_wait3A_127] : memref<100000x16xf32, #tpu.memory_space<hbm>> -> memref<100000x16xf32, #tpu.memory_space<hbm>>
      tpu.wait_indirect_dma semaphore(%arg12 : memref<!tpu.dma_semaphore, #tpu.memory_space<semaphore_mem>>) src(%dma_wait3A_128 : memref<100000x16xf32, #tpu.memory_space<hbm>>) dst(%dma_wait3A_122 : memref<512x16xf32, #tpu.memory_space<vmem>>)
      %dma_start3A_129 = arith.constant 0 : i32
      %dma_start3A_130 = arith.constant 0 : i32
      %dma_start3A_131 = arith.constant 0 : i32
      %dma_start3A_132 = arith.constant 0 : i32
      %dma_start3A_133 = tpu.memref_slice %arg10[%dma_start3A_129, %dma_start3A_131, %dma_start3A_132] : memref<2x512x16xf32, #tpu.memory_space<vmem>> -> memref<1x512x16xf32, #tpu.memory_space<vmem>>
      %dma_start3A_134 = tpu.memref_squeeze %dma_start3A_133 : memref<1x512x16xf32, #tpu.memory_space<vmem>> -> memref<512x16xf32, #tpu.memory_space<vmem>>
      %dma_start3A_135 = arith.constant 0 : i32
      %dma_start3A_136 = tpu.memref_slice %arg9[%rem3A_62, %dma_start3A_130, %dma_start3A_135] : memref<2x2x512xi32, #tpu.memory_space<vmem>> -> memref<1x1x512xi32, #tpu.memory_space<vmem>>
      %dma_start3A_137 = tpu.memref_squeeze %dma_start3A_136 : memref<1x1x512xi32, #tpu.memory_space<vmem>> -> memref<512xi32, #tpu.memory_space<vmem>>
      %dma_start3A_138 = arith.constant 0 : i32
      %dma_start3A_139 = arith.constant 0 : i32
      %dma_start3A_140 = tpu.memref_slice %arg11[%dma_start3A_138, %dma_start3A_139] : memref<100096x16xf32, #tpu.memory_space<vmem_shared>> -> memref<100096x16xf32, #tpu.memory_space<vmem_shared>>
      tpu.enqueue_indirect_dma source(%dma_start3A_134 : memref<512x16xf32, #tpu.memory_space<vmem>>) target(%dma_start3A_140 : memref<100096x16xf32, #tpu.memory_space<vmem_shared>>) offsets(%dma_start3A_137 : memref<512xi32, #tpu.memory_space<vmem>>) semaphore(%arg14 : memref<!tpu.dma_semaphore, #tpu.memory_space<semaphore_mem>>) {add = true}
      %dma_start3A_141 = arith.constant 1 : i32
      %dma_start3A_142 = arith.constant 1 : i32
      %dma_start3A_143 = arith.constant 0 : i32
      %dma_start3A_144 = arith.constant 0 : i32
      %dma_start3A_145 = tpu.memref_slice %arg10[%dma_start3A_142, %dma_start3A_143, %dma_start3A_144] : memref<2x512x16xf32, #tpu.memory_space<vmem>> -> memref<1x512x16xf32, #tpu.memory_space<vmem>>
      %dma_start3A_146 = tpu.memref_squeeze %dma_start3A_145 : memref<1x512x16xf32, #tpu.memory_space<vmem>> -> memref<512x16xf32, #tpu.memory_space<vmem>>
      %dma_start3A_147 = arith.constant 0 : i32
      %dma_start3A_148 = tpu.memref_slice %arg8[%rem3A_62, %dma_start3A_141, %dma_start3A_147] : memref<2x2x512xi32, #tpu.memory_space<vmem>> -> memref<1x1x512xi32, #tpu.memory_space<vmem>>
      %dma_start3A_149 = tpu.memref_squeeze %dma_start3A_148 : memref<1x1x512xi32, #tpu.memory_space<vmem>> -> memref<512xi32, #tpu.memory_space<vmem>>
      %dma_start3A_150 = arith.constant 0 : i32
      %dma_start3A_151 = arith.constant 0 : i32
      %dma_start3A_152 = tpu.memref_slice %arg2[%dma_start3A_150, %dma_start3A_151] : memref<100000x16xf32, #tpu.memory_space<hbm>> -> memref<100000x16xf32, #tpu.memory_space<hbm>>
      tpu.enqueue_indirect_dma source(%dma_start3A_152 : memref<100000x16xf32, #tpu.memory_space<hbm>>) target(%dma_start3A_146 : memref<512x16xf32, #tpu.memory_space<vmem>>) offsets(%dma_start3A_149 : memref<512xi32, #tpu.memory_space<vmem>>) semaphore(%arg12 : memref<!tpu.dma_semaphore, #tpu.memory_space<semaphore_mem>>)
      %dma_wait3A_153 = arith.constant 1 : i32
      %dma_wait3A_154 = arith.constant 1 : i32
      %dma_wait3A_155 = arith.constant 0 : i32
      %dma_wait3A_156 = arith.constant 0 : i32
      %dma_wait3A_157 = tpu.memref_slice %arg10[%dma_wait3A_154, %dma_wait3A_155, %dma_wait3A_156] : memref<2x512x16xf32, #tpu.memory_space<vmem>> -> memref<1x512x16xf32, #tpu.memory_space<vmem>>
      %dma_wait3A_158 = tpu.memref_squeeze %dma_wait3A_157 : memref<1x512x16xf32, #tpu.memory_space<vmem>> -> memref<512x16xf32, #tpu.memory_space<vmem>>
      %dma_wait3A_159 = arith.constant 0 : i32
      %dma_wait3A_160 = tpu.memref_slice %arg8[%rem3A_62, %dma_wait3A_153, %dma_wait3A_159] : memref<2x2x512xi32, #tpu.memory_space<vmem>> -> memref<1x1x512xi32, #tpu.memory_space<vmem>>
      %dma_wait3A_161 = tpu.memref_squeeze %dma_wait3A_160 : memref<1x1x512xi32, #tpu.memory_space<vmem>> -> memref<512xi32, #tpu.memory_space<vmem>>
      %dma_wait3A_162 = arith.constant 0 : i32
      %dma_wait3A_163 = arith.constant 0 : i32
      %dma_wait3A_164 = tpu.memref_slice %arg2[%dma_wait3A_162, %dma_wait3A_163] : memref<100000x16xf32, #tpu.memory_space<hbm>> -> memref<100000x16xf32, #tpu.memory_space<hbm>>
      tpu.wait_indirect_dma semaphore(%arg12 : memref<!tpu.dma_semaphore, #tpu.memory_space<semaphore_mem>>) src(%dma_wait3A_164 : memref<100000x16xf32, #tpu.memory_space<hbm>>) dst(%dma_wait3A_158 : memref<512x16xf32, #tpu.memory_space<vmem>>)
      %dma_start3A_165 = arith.constant 1 : i32
      %dma_start3A_166 = arith.constant 1 : i32
      %dma_start3A_167 = arith.constant 0 : i32
      %dma_start3A_168 = arith.constant 0 : i32
      %dma_start3A_169 = tpu.memref_slice %arg10[%dma_start3A_165, %dma_start3A_167, %dma_start3A_168] : memref<2x512x16xf32, #tpu.memory_space<vmem>> -> memref<1x512x16xf32, #tpu.memory_space<vmem>>
      %dma_start3A_170 = tpu.memref_squeeze %dma_start3A_169 : memref<1x512x16xf32, #tpu.memory_space<vmem>> -> memref<512x16xf32, #tpu.memory_space<vmem>>
      %dma_start3A_171 = arith.constant 0 : i32
      %dma_start3A_172 = tpu.memref_slice %arg9[%rem3A_62, %dma_start3A_166, %dma_start3A_171] : memref<2x2x512xi32, #tpu.memory_space<vmem>> -> memref<1x1x512xi32, #tpu.memory_space<vmem>>
      %dma_start3A_173 = tpu.memref_squeeze %dma_start3A_172 : memref<1x1x512xi32, #tpu.memory_space<vmem>> -> memref<512xi32, #tpu.memory_space<vmem>>
      %dma_start3A_174 = arith.constant 0 : i32
      %dma_start3A_175 = arith.constant 0 : i32
      %dma_start3A_176 = tpu.memref_slice %arg11[%dma_start3A_174, %dma_start3A_175] : memref<100096x16xf32, #tpu.memory_space<vmem_shared>> -> memref<100096x16xf32, #tpu.memory_space<vmem_shared>>
      tpu.enqueue_indirect_dma source(%dma_start3A_170 : memref<512x16xf32, #tpu.memory_space<vmem>>) target(%dma_start3A_176 : memref<100096x16xf32, #tpu.memory_space<vmem_shared>>) offsets(%dma_start3A_173 : memref<512xi32, #tpu.memory_space<vmem>>) semaphore(%arg15 : memref<!tpu.dma_semaphore, #tpu.memory_space<semaphore_mem>>) {add = true}
    }
    %scan3A_42 = arith.constant 98 : i32
    %dma_wait3A = arith.constant 0 : i32
    %dma_wait3A_43 = arith.constant 0 : i32
    %dma_wait3A_44 = arith.constant 0 : i32
    %dma_wait3A_45 = tpu.memref_slice %arg10[%dma_wait3A, %dma_wait3A_43, %dma_wait3A_44] : memref<2x512x16xf32, #tpu.memory_space<vmem>> -> memref<1x512x16xf32, #tpu.memory_space<vmem>>
    %dma_wait3A_46 = tpu.memref_squeeze %dma_wait3A_45 : memref<1x512x16xf32, #tpu.memory_space<vmem>> -> memref<512x16xf32, #tpu.memory_space<vmem>>
    %dma_wait3A_47 = arith.constant 0 : i32
    %dma_wait3A_48 = arith.constant 0 : i32
    %dma_wait3A_49 = tpu.memref_slice %arg10[%dma_wait3A, %dma_wait3A_47, %dma_wait3A_48] : memref<2x512x16xf32, #tpu.memory_space<vmem>> -> memref<1x512x16xf32, #tpu.memory_space<vmem>>
    %dma_wait3A_50 = tpu.memref_squeeze %dma_wait3A_49 : memref<1x512x16xf32, #tpu.memory_space<vmem>> -> memref<512x16xf32, #tpu.memory_space<vmem>>
    tpu.wait_dma2 semaphore(%arg14 : memref<!tpu.dma_semaphore, #tpu.memory_space<semaphore_mem>>) src(%arg6 : memref<512x16xf32, #tpu.memory_space<hbm>>) dst(%dma_wait3A_50 : memref<512x16xf32, #tpu.memory_space<vmem>>)
    %dma_wait3A_51 = arith.constant 1 : i32
    %dma_wait3A_52 = arith.constant 0 : i32
    %dma_wait3A_53 = arith.constant 0 : i32
    %dma_wait3A_54 = tpu.memref_slice %arg10[%dma_wait3A_51, %dma_wait3A_52, %dma_wait3A_53] : memref<2x512x16xf32, #tpu.memory_space<vmem>> -> memref<1x512x16xf32, #tpu.memory_space<vmem>>
    %dma_wait3A_55 = tpu.memref_squeeze %dma_wait3A_54 : memref<1x512x16xf32, #tpu.memory_space<vmem>> -> memref<512x16xf32, #tpu.memory_space<vmem>>
    %dma_wait3A_56 = arith.constant 0 : i32
    %dma_wait3A_57 = arith.constant 0 : i32
    %dma_wait3A_58 = tpu.memref_slice %arg10[%dma_wait3A_51, %dma_wait3A_56, %dma_wait3A_57] : memref<2x512x16xf32, #tpu.memory_space<vmem>> -> memref<1x512x16xf32, #tpu.memory_space<vmem>>
    %dma_wait3A_59 = tpu.memref_squeeze %dma_wait3A_58 : memref<1x512x16xf32, #tpu.memory_space<vmem>> -> memref<512x16xf32, #tpu.memory_space<vmem>>
    tpu.wait_dma2 semaphore(%arg15 : memref<!tpu.dma_semaphore, #tpu.memory_space<semaphore_mem>>) src(%arg6 : memref<512x16xf32, #tpu.memory_space<hbm>>) dst(%dma_wait3A_59 : memref<512x16xf32, #tpu.memory_space<vmem>>)
    %barrier3A_60 = arith.constant 0 : index
    tpu.barrier barrier_id(%barrier3A_60)
    "tpu.region"() ({
      %run_scoped3A = tpu.sem_alloc : memref<!tpu.dma_semaphore, #tpu.memory_space<semaphore_mem>>
      %dma_start3A_61 = arith.constant 0 : i32
      %dma_start3A_62 = tpu.memref_slice %arg7[%arg0, %mul3A_2, %dma_start3A_61] : memref<2x100096x16xf32, #tpu.memory_space<hbm>> -> memref<1x6256x16xf32, #tpu.memory_space<hbm>>
      %dma_start3A_63 = tpu.memref_squeeze %dma_start3A_62 : memref<1x6256x16xf32, #tpu.memory_space<hbm>> -> memref<6256x16xf32, #tpu.memory_space<hbm>>
      %dma_start3A_64 = arith.constant 0 : i32
      %dma_start3A_65 = tpu.memref_slice %arg11[%mul3A_2, %dma_start3A_64] : memref<100096x16xf32, #tpu.memory_space<vmem_shared>> -> memref<6256x16xf32, #tpu.memory_space<vmem_shared>>
      tpu.enqueue_dma source(%dma_start3A_65 : memref<6256x16xf32, #tpu.memory_space<vmem_shared>>) target(%dma_start3A_63 : memref<6256x16xf32, #tpu.memory_space<hbm>>) target_semaphore(%run_scoped3A : memref<!tpu.dma_semaphore, #tpu.memory_space<semaphore_mem>>)
      %dma_wait3A_66 = arith.constant 0 : i32
      %dma_wait3A_67 = tpu.memref_slice %arg7[%arg0, %mul3A_2, %dma_wait3A_66] : memref<2x100096x16xf32, #tpu.memory_space<hbm>> -> memref<1x6256x16xf32, #tpu.memory_space<hbm>>
      %dma_wait3A_68 = tpu.memref_squeeze %dma_wait3A_67 : memref<1x6256x16xf32, #tpu.memory_space<hbm>> -> memref<6256x16xf32, #tpu.memory_space<hbm>>
      %dma_wait3A_69 = arith.constant 0 : i32
      %dma_wait3A_70 = tpu.memref_slice %arg11[%mul3A_2, %dma_wait3A_69] : memref<100096x16xf32, #tpu.memory_space<vmem_shared>> -> memref<6256x16xf32, #tpu.memory_space<vmem_shared>>
      tpu.wait_dma2 semaphore(%run_scoped3A : memref<!tpu.dma_semaphore, #tpu.memory_space<semaphore_mem>>) src(%dma_wait3A_70 : memref<6256x16xf32, #tpu.memory_space<vmem_shared>>) dst(%dma_wait3A_68 : memref<6256x16xf32, #tpu.memory_space<hbm>>)
      tpu.yield
    }) : () -> ()
    return
  }
}

#map = affine_map<(d0, d1) -> (0, 0)>
#map1 = affine_map<(d0, d1) -> (0, 0, 0)>
#map2 = affine_map<(d0, d1) -> (0)>
module attributes {stable_mosaic.version = 14 : i64} {
  func.func @body(%arg0: i32, %arg1: i32, %arg2: memref<100000x16xf32, #tpu.memory_space<hbm>>, %arg3: memref<3136x2x512xi32, #tpu.memory_space<hbm>>, %arg4: memref<3136x2x512xi32, #tpu.memory_space<hbm>>, %arg5: memref<100096x16xf32, #tpu.memory_space<hbm>>, %arg6: memref<512x16xf32, #tpu.memory_space<hbm>>, %arg7: memref<100096xf32, #tpu.memory_space<hbm>>, %arg8: memref<512xf32, #tpu.memory_space<hbm>>, %arg9: memref<2x100096x16xf32, #tpu.memory_space<hbm>>, %arg10: memref<200192xf32, #tpu.memory_space<hbm>>, %arg11: memref<2x2x512xi32, #tpu.memory_space<vmem>>, %arg12: memref<2x2x512xi32, #tpu.memory_space<vmem>>, %arg13: memref<2x512x16xf32, #tpu.memory_space<vmem>>, %arg14: memref<100096x16xf32, #tpu.memory_space<vmem_shared>>, %arg15: memref<!tpu.dma_semaphore, #tpu.memory_space<semaphore_mem>>, %arg16: memref<!tpu.dma_semaphore, #tpu.memory_space<semaphore_mem>>, %arg17: memref<!tpu.dma_semaphore, #tpu.memory_space<semaphore_mem>>, %arg18: memref<!tpu.dma_semaphore, #tpu.memory_space<semaphore_mem>>, %arg19: memref<512xf32, #tpu.memory_space<vmem>>, %arg20: memref<100096xf32, #tpu.memory_space<vmem_shared>>, %arg21: memref<!tpu.dma_semaphore, #tpu.memory_space<semaphore_mem>>) attributes {dimension_semantics = [#tpu.dimension_semantics<core_parallel>, #tpu.dimension_semantics<subcore_parallel>], iteration_bounds = array<i64: 2, 16>, scalar_prefetch = 0 : i64, scratch_operands = 11 : i64, tpu.core_type = #tpu.core_type<sc_vector_subcore>, window_params = [{transform_indices = #map}, {transform_indices = #map1}, {transform_indices = #map1}, {transform_indices = #map}, {transform_indices = #map}, {transform_indices = #map2}, {transform_indices = #map2}, {transform_indices = #map1}, {transform_indices = #map2}]} {
    %mul3A = arith.constant 2 : i32
    %mul3A_0 = arith.muli %arg1, %mul3A : i32
    %add3A = arith.addi %mul3A_0, %arg0 : i32
    %mul3A_1 = arith.constant 6256 : i32
    %mul3A_2 = arith.muli %arg1, %mul3A_1 : i32
    "tpu.region"() ({
      %run_scoped3A = tpu.sem_alloc : memref<!tpu.dma_semaphore, #tpu.memory_space<semaphore_mem>>
      %dma_start3A_254 = arith.constant 0 : i32
      %dma_start3A_255 = tpu.memref_slice %arg14[%mul3A_2, %dma_start3A_254] : memref<100096x16xf32, #tpu.memory_space<vmem_shared>> -> memref<6256x16xf32, #tpu.memory_space<vmem_shared>>
      %dma_start3A_256 = arith.constant 0 : i32
      %dma_start3A_257 = tpu.memref_slice %arg5[%mul3A_2, %dma_start3A_256] : memref<100096x16xf32, #tpu.memory_space<hbm>> -> memref<6256x16xf32, #tpu.memory_space<hbm>>
      tpu.enqueue_dma source(%dma_start3A_257 : memref<6256x16xf32, #tpu.memory_space<hbm>>) target(%dma_start3A_255 : memref<6256x16xf32, #tpu.memory_space<vmem_shared>>) target_semaphore(%run_scoped3A : memref<!tpu.dma_semaphore, #tpu.memory_space<semaphore_mem>>)
      %dma_wait3A_258 = arith.constant 0 : i32
      %dma_wait3A_259 = tpu.memref_slice %arg14[%mul3A_2, %dma_wait3A_258] : memref<100096x16xf32, #tpu.memory_space<vmem_shared>> -> memref<6256x16xf32, #tpu.memory_space<vmem_shared>>
      %dma_wait3A_260 = arith.constant 0 : i32
      %dma_wait3A_261 = tpu.memref_slice %arg5[%mul3A_2, %dma_wait3A_260] : memref<100096x16xf32, #tpu.memory_space<hbm>> -> memref<6256x16xf32, #tpu.memory_space<hbm>>
      tpu.wait_dma2 semaphore(%run_scoped3A : memref<!tpu.dma_semaphore, #tpu.memory_space<semaphore_mem>>) src(%dma_wait3A_261 : memref<6256x16xf32, #tpu.memory_space<hbm>>) dst(%dma_wait3A_259 : memref<6256x16xf32, #tpu.memory_space<vmem_shared>>)
      tpu.yield
    }) : () -> ()
    "tpu.region"() ({
      %run_scoped3A = tpu.sem_alloc : memref<!tpu.dma_semaphore, #tpu.memory_space<semaphore_mem>>
      %dma_start3A_254 = tpu.memref_slice %arg20[%mul3A_2] : memref<100096xf32, #tpu.memory_space<vmem_shared>> -> memref<6256xf32, #tpu.memory_space<vmem_shared>>
      %dma_start3A_255 = tpu.memref_slice %arg7[%mul3A_2] : memref<100096xf32, #tpu.memory_space<hbm>> -> memref<6256xf32, #tpu.memory_space<hbm>>
      tpu.enqueue_dma source(%dma_start3A_255 : memref<6256xf32, #tpu.memory_space<hbm>>) target(%dma_start3A_254 : memref<6256xf32, #tpu.memory_space<vmem_shared>>) target_semaphore(%run_scoped3A : memref<!tpu.dma_semaphore, #tpu.memory_space<semaphore_mem>>)
      %dma_wait3A_256 = tpu.memref_slice %arg20[%mul3A_2] : memref<100096xf32, #tpu.memory_space<vmem_shared>> -> memref<6256xf32, #tpu.memory_space<vmem_shared>>
      %dma_wait3A_257 = tpu.memref_slice %arg7[%mul3A_2] : memref<100096xf32, #tpu.memory_space<hbm>> -> memref<6256xf32, #tpu.memory_space<hbm>>
      tpu.wait_dma2 semaphore(%run_scoped3A : memref<!tpu.dma_semaphore, #tpu.memory_space<semaphore_mem>>) src(%dma_wait3A_257 : memref<6256xf32, #tpu.memory_space<hbm>>) dst(%dma_wait3A_256 : memref<6256xf32, #tpu.memory_space<vmem_shared>>)
      tpu.yield
    }) : () -> ()
    %broadcast_in_dim3A = arith.constant 1.000000e+00 : f32
    %broadcast_in_dim3A_3 = vector.broadcast %broadcast_in_dim3A : f32 to vector<16xf32>
    %swap3A = arith.constant 0 : index
    %swap3A_4 = tpu.vector_load %arg19[%swap3A] {strides = array<i32>} : memref<512xf32, #tpu.memory_space<vmem>>, vector<16xf32>,
    %swap3A_5 = vector.shape_cast %swap3A_4 : vector<16xf32> to vector<16xf32>
    %swap3A_6 = vector.shape_cast %broadcast_in_dim3A_3 : vector<16xf32> to vector<16xf32>
    tpu.vector_store %arg19[%swap3A], %swap3A_6 {strides = array<i32>} : memref<512xf32, #tpu.memory_space<vmem>>, vector<16xf32>,
    %broadcast_in_dim3A_7 = arith.constant 1.000000e+00 : f32
    %broadcast_in_dim3A_8 = vector.broadcast %broadcast_in_dim3A_7 : f32 to vector<16xf32>
    %swap3A_9 = arith.constant 16 : index
    %swap3A_10 = tpu.vector_load %arg19[%swap3A_9] {strides = array<i32>} : memref<512xf32, #tpu.memory_space<vmem>>, vector<16xf32>,
    %swap3A_11 = vector.shape_cast %swap3A_10 : vector<16xf32> to vector<16xf32>
    %swap3A_12 = vector.shape_cast %broadcast_in_dim3A_8 : vector<16xf32> to vector<16xf32>
    tpu.vector_store %arg19[%swap3A_9], %swap3A_12 {strides = array<i32>} : memref<512xf32, #tpu.memory_space<vmem>>, vector<16xf32>,
    %broadcast_in_dim3A_13 = arith.constant 1.000000e+00 : f32
    %broadcast_in_dim3A_14 = vector.broadcast %broadcast_in_dim3A_13 : f32 to vector<16xf32>
    %swap3A_15 = arith.constant 32 : index
    %swap3A_16 = tpu.vector_load %arg19[%swap3A_15] {strides = array<i32>} : memref<512xf32, #tpu.memory_space<vmem>>, vector<16xf32>,
    %swap3A_17 = vector.shape_cast %swap3A_16 : vector<16xf32> to vector<16xf32>
    %swap3A_18 = vector.shape_cast %broadcast_in_dim3A_14 : vector<16xf32> to vector<16xf32>
    tpu.vector_store %arg19[%swap3A_15], %swap3A_18 {strides = array<i32>} : memref<512xf32, #tpu.memory_space<vmem>>, vector<16xf32>,
    %broadcast_in_dim3A_19 = arith.constant 1.000000e+00 : f32
    %broadcast_in_dim3A_20 = vector.broadcast %broadcast_in_dim3A_19 : f32 to vector<16xf32>
    %swap3A_21 = arith.constant 48 : index
    %swap3A_22 = tpu.vector_load %arg19[%swap3A_21] {strides = array<i32>} : memref<512xf32, #tpu.memory_space<vmem>>, vector<16xf32>,
    %swap3A_23 = vector.shape_cast %swap3A_22 : vector<16xf32> to vector<16xf32>
    %swap3A_24 = vector.shape_cast %broadcast_in_dim3A_20 : vector<16xf32> to vector<16xf32>
    tpu.vector_store %arg19[%swap3A_21], %swap3A_24 {strides = array<i32>} : memref<512xf32, #tpu.memory_space<vmem>>, vector<16xf32>,
    %broadcast_in_dim3A_25 = arith.constant 1.000000e+00 : f32
    %broadcast_in_dim3A_26 = vector.broadcast %broadcast_in_dim3A_25 : f32 to vector<16xf32>
    %swap3A_27 = arith.constant 64 : index
    %swap3A_28 = tpu.vector_load %arg19[%swap3A_27] {strides = array<i32>} : memref<512xf32, #tpu.memory_space<vmem>>, vector<16xf32>,
    %swap3A_29 = vector.shape_cast %swap3A_28 : vector<16xf32> to vector<16xf32>
    %swap3A_30 = vector.shape_cast %broadcast_in_dim3A_26 : vector<16xf32> to vector<16xf32>
    tpu.vector_store %arg19[%swap3A_27], %swap3A_30 {strides = array<i32>} : memref<512xf32, #tpu.memory_space<vmem>>, vector<16xf32>,
    %broadcast_in_dim3A_31 = arith.constant 1.000000e+00 : f32
    %broadcast_in_dim3A_32 = vector.broadcast %broadcast_in_dim3A_31 : f32 to vector<16xf32>
    %swap3A_33 = arith.constant 80 : index
    %swap3A_34 = tpu.vector_load %arg19[%swap3A_33] {strides = array<i32>} : memref<512xf32, #tpu.memory_space<vmem>>, vector<16xf32>,
    %swap3A_35 = vector.shape_cast %swap3A_34 : vector<16xf32> to vector<16xf32>
    %swap3A_36 = vector.shape_cast %broadcast_in_dim3A_32 : vector<16xf32> to vector<16xf32>
    tpu.vector_store %arg19[%swap3A_33], %swap3A_36 {strides = array<i32>} : memref<512xf32, #tpu.memory_space<vmem>>, vector<16xf32>,
    %broadcast_in_dim3A_37 = arith.constant 1.000000e+00 : f32
    %broadcast_in_dim3A_38 = vector.broadcast %broadcast_in_dim3A_37 : f32 to vector<16xf32>
    %swap3A_39 = arith.constant 96 : index
    %swap3A_40 = tpu.vector_load %arg19[%swap3A_39] {strides = array<i32>} : memref<512xf32, #tpu.memory_space<vmem>>, vector<16xf32>,
    %swap3A_41 = vector.shape_cast %swap3A_40 : vector<16xf32> to vector<16xf32>
    %swap3A_42 = vector.shape_cast %broadcast_in_dim3A_38 : vector<16xf32> to vector<16xf32>
    tpu.vector_store %arg19[%swap3A_39], %swap3A_42 {strides = array<i32>} : memref<512xf32, #tpu.memory_space<vmem>>, vector<16xf32>,
    %broadcast_in_dim3A_43 = arith.constant 1.000000e+00 : f32
    %broadcast_in_dim3A_44 = vector.broadcast %broadcast_in_dim3A_43 : f32 to vector<16xf32>
    %swap3A_45 = arith.constant 112 : index
    %swap3A_46 = tpu.vector_load %arg19[%swap3A_45] {strides = array<i32>} : memref<512xf32, #tpu.memory_space<vmem>>, vector<16xf32>,
    %swap3A_47 = vector.shape_cast %swap3A_46 : vector<16xf32> to vector<16xf32>
    %swap3A_48 = vector.shape_cast %broadcast_in_dim3A_44 : vector<16xf32> to vector<16xf32>
    tpu.vector_store %arg19[%swap3A_45], %swap3A_48 {strides = array<i32>} : memref<512xf32, #tpu.memory_space<vmem>>, vector<16xf32>,
    %broadcast_in_dim3A_49 = arith.constant 1.000000e+00 : f32
    %broadcast_in_dim3A_50 = vector.broadcast %broadcast_in_dim3A_49 : f32 to vector<16xf32>
    %swap3A_51 = arith.constant 128 : index
    %swap3A_52 = tpu.vector_load %arg19[%swap3A_51] {strides = array<i32>} : memref<512xf32, #tpu.memory_space<vmem>>, vector<16xf32>,
    %swap3A_53 = vector.shape_cast %swap3A_52 : vector<16xf32> to vector<16xf32>
    %swap3A_54 = vector.shape_cast %broadcast_in_dim3A_50 : vector<16xf32> to vector<16xf32>
    tpu.vector_store %arg19[%swap3A_51], %swap3A_54 {strides = array<i32>} : memref<512xf32, #tpu.memory_space<vmem>>, vector<16xf32>,
    %broadcast_in_dim3A_55 = arith.constant 1.000000e+00 : f32
    %broadcast_in_dim3A_56 = vector.broadcast %broadcast_in_dim3A_55 : f32 to vector<16xf32>
    %swap3A_57 = arith.constant 144 : index
    %swap3A_58 = tpu.vector_load %arg19[%swap3A_57] {strides = array<i32>} : memref<512xf32, #tpu.memory_space<vmem>>, vector<16xf32>,
    %swap3A_59 = vector.shape_cast %swap3A_58 : vector<16xf32> to vector<16xf32>
    %swap3A_60 = vector.shape_cast %broadcast_in_dim3A_56 : vector<16xf32> to vector<16xf32>
    tpu.vector_store %arg19[%swap3A_57], %swap3A_60 {strides = array<i32>} : memref<512xf32, #tpu.memory_space<vmem>>, vector<16xf32>,
    %broadcast_in_dim3A_61 = arith.constant 1.000000e+00 : f32
    %broadcast_in_dim3A_62 = vector.broadcast %broadcast_in_dim3A_61 : f32 to vector<16xf32>
    %swap3A_63 = arith.constant 160 : index
    %swap3A_64 = tpu.vector_load %arg19[%swap3A_63] {strides = array<i32>} : memref<512xf32, #tpu.memory_space<vmem>>, vector<16xf32>,
    %swap3A_65 = vector.shape_cast %swap3A_64 : vector<16xf32> to vector<16xf32>
    %swap3A_66 = vector.shape_cast %broadcast_in_dim3A_62 : vector<16xf32> to vector<16xf32>
    tpu.vector_store %arg19[%swap3A_63], %swap3A_66 {strides = array<i32>} : memref<512xf32, #tpu.memory_space<vmem>>, vector<16xf32>,
    %broadcast_in_dim3A_67 = arith.constant 1.000000e+00 : f32
    %broadcast_in_dim3A_68 = vector.broadcast %broadcast_in_dim3A_67 : f32 to vector<16xf32>
    %swap3A_69 = arith.constant 176 : index
    %swap3A_70 = tpu.vector_load %arg19[%swap3A_69] {strides = array<i32>} : memref<512xf32, #tpu.memory_space<vmem>>, vector<16xf32>,
    %swap3A_71 = vector.shape_cast %swap3A_70 : vector<16xf32> to vector<16xf32>
    %swap3A_72 = vector.shape_cast %broadcast_in_dim3A_68 : vector<16xf32> to vector<16xf32>
    tpu.vector_store %arg19[%swap3A_69], %swap3A_72 {strides = array<i32>} : memref<512xf32, #tpu.memory_space<vmem>>, vector<16xf32>,
    %broadcast_in_dim3A_73 = arith.constant 1.000000e+00 : f32
    %broadcast_in_dim3A_74 = vector.broadcast %broadcast_in_dim3A_73 : f32 to vector<16xf32>
    %swap3A_75 = arith.constant 192 : index
    %swap3A_76 = tpu.vector_load %arg19[%swap3A_75] {strides = array<i32>} : memref<512xf32, #tpu.memory_space<vmem>>, vector<16xf32>,
    %swap3A_77 = vector.shape_cast %swap3A_76 : vector<16xf32> to vector<16xf32>
    %swap3A_78 = vector.shape_cast %broadcast_in_dim3A_74 : vector<16xf32> to vector<16xf32>
    tpu.vector_store %arg19[%swap3A_75], %swap3A_78 {strides = array<i32>} : memref<512xf32, #tpu.memory_space<vmem>>, vector<16xf32>,
    %broadcast_in_dim3A_79 = arith.constant 1.000000e+00 : f32
    %broadcast_in_dim3A_80 = vector.broadcast %broadcast_in_dim3A_79 : f32 to vector<16xf32>
    %swap3A_81 = arith.constant 208 : index
    %swap3A_82 = tpu.vector_load %arg19[%swap3A_81] {strides = array<i32>} : memref<512xf32, #tpu.memory_space<vmem>>, vector<16xf32>,
    %swap3A_83 = vector.shape_cast %swap3A_82 : vector<16xf32> to vector<16xf32>
    %swap3A_84 = vector.shape_cast %broadcast_in_dim3A_80 : vector<16xf32> to vector<16xf32>
    tpu.vector_store %arg19[%swap3A_81], %swap3A_84 {strides = array<i32>} : memref<512xf32, #tpu.memory_space<vmem>>, vector<16xf32>,
    %broadcast_in_dim3A_85 = arith.constant 1.000000e+00 : f32
    %broadcast_in_dim3A_86 = vector.broadcast %broadcast_in_dim3A_85 : f32 to vector<16xf32>
    %swap3A_87 = arith.constant 224 : index
    %swap3A_88 = tpu.vector_load %arg19[%swap3A_87] {strides = array<i32>} : memref<512xf32, #tpu.memory_space<vmem>>, vector<16xf32>,
    %swap3A_89 = vector.shape_cast %swap3A_88 : vector<16xf32> to vector<16xf32>
    %swap3A_90 = vector.shape_cast %broadcast_in_dim3A_86 : vector<16xf32> to vector<16xf32>
    tpu.vector_store %arg19[%swap3A_87], %swap3A_90 {strides = array<i32>} : memref<512xf32, #tpu.memory_space<vmem>>, vector<16xf32>,
    %broadcast_in_dim3A_91 = arith.constant 1.000000e+00 : f32
    %broadcast_in_dim3A_92 = vector.broadcast %broadcast_in_dim3A_91 : f32 to vector<16xf32>
    %swap3A_93 = arith.constant 240 : index
    %swap3A_94 = tpu.vector_load %arg19[%swap3A_93] {strides = array<i32>} : memref<512xf32, #tpu.memory_space<vmem>>, vector<16xf32>,
    %swap3A_95 = vector.shape_cast %swap3A_94 : vector<16xf32> to vector<16xf32>
    %swap3A_96 = vector.shape_cast %broadcast_in_dim3A_92 : vector<16xf32> to vector<16xf32>
    tpu.vector_store %arg19[%swap3A_93], %swap3A_96 {strides = array<i32>} : memref<512xf32, #tpu.memory_space<vmem>>, vector<16xf32>,
    %broadcast_in_dim3A_97 = arith.constant 1.000000e+00 : f32
    %broadcast_in_dim3A_98 = vector.broadcast %broadcast_in_dim3A_97 : f32 to vector<16xf32>
    %swap3A_99 = arith.constant 256 : index
    %swap3A_100 = tpu.vector_load %arg19[%swap3A_99] {strides = array<i32>} : memref<512xf32, #tpu.memory_space<vmem>>, vector<16xf32>,
    %swap3A_101 = vector.shape_cast %swap3A_100 : vector<16xf32> to vector<16xf32>
    %swap3A_102 = vector.shape_cast %broadcast_in_dim3A_98 : vector<16xf32> to vector<16xf32>
    tpu.vector_store %arg19[%swap3A_99], %swap3A_102 {strides = array<i32>} : memref<512xf32, #tpu.memory_space<vmem>>, vector<16xf32>,
    %broadcast_in_dim3A_103 = arith.constant 1.000000e+00 : f32
    %broadcast_in_dim3A_104 = vector.broadcast %broadcast_in_dim3A_103 : f32 to vector<16xf32>
    %swap3A_105 = arith.constant 272 : index
    %swap3A_106 = tpu.vector_load %arg19[%swap3A_105] {strides = array<i32>} : memref<512xf32, #tpu.memory_space<vmem>>, vector<16xf32>,
    %swap3A_107 = vector.shape_cast %swap3A_106 : vector<16xf32> to vector<16xf32>
    %swap3A_108 = vector.shape_cast %broadcast_in_dim3A_104 : vector<16xf32> to vector<16xf32>
    tpu.vector_store %arg19[%swap3A_105], %swap3A_108 {strides = array<i32>} : memref<512xf32, #tpu.memory_space<vmem>>, vector<16xf32>,
    %broadcast_in_dim3A_109 = arith.constant 1.000000e+00 : f32
    %broadcast_in_dim3A_110 = vector.broadcast %broadcast_in_dim3A_109 : f32 to vector<16xf32>
    %swap3A_111 = arith.constant 288 : index
    %swap3A_112 = tpu.vector_load %arg19[%swap3A_111] {strides = array<i32>} : memref<512xf32, #tpu.memory_space<vmem>>, vector<16xf32>,
    %swap3A_113 = vector.shape_cast %swap3A_112 : vector<16xf32> to vector<16xf32>
    %swap3A_114 = vector.shape_cast %broadcast_in_dim3A_110 : vector<16xf32> to vector<16xf32>
    tpu.vector_store %arg19[%swap3A_111], %swap3A_114 {strides = array<i32>} : memref<512xf32, #tpu.memory_space<vmem>>, vector<16xf32>,
    %broadcast_in_dim3A_115 = arith.constant 1.000000e+00 : f32
    %broadcast_in_dim3A_116 = vector.broadcast %broadcast_in_dim3A_115 : f32 to vector<16xf32>
    %swap3A_117 = arith.constant 304 : index
    %swap3A_118 = tpu.vector_load %arg19[%swap3A_117] {strides = array<i32>} : memref<512xf32, #tpu.memory_space<vmem>>, vector<16xf32>,
    %swap3A_119 = vector.shape_cast %swap3A_118 : vector<16xf32> to vector<16xf32>
    %swap3A_120 = vector.shape_cast %broadcast_in_dim3A_116 : vector<16xf32> to vector<16xf32>
    tpu.vector_store %arg19[%swap3A_117], %swap3A_120 {strides = array<i32>} : memref<512xf32, #tpu.memory_space<vmem>>, vector<16xf32>,
    %broadcast_in_dim3A_121 = arith.constant 1.000000e+00 : f32
    %broadcast_in_dim3A_122 = vector.broadcast %broadcast_in_dim3A_121 : f32 to vector<16xf32>
    %swap3A_123 = arith.constant 320 : index
    %swap3A_124 = tpu.vector_load %arg19[%swap3A_123] {strides = array<i32>} : memref<512xf32, #tpu.memory_space<vmem>>, vector<16xf32>,
    %swap3A_125 = vector.shape_cast %swap3A_124 : vector<16xf32> to vector<16xf32>
    %swap3A_126 = vector.shape_cast %broadcast_in_dim3A_122 : vector<16xf32> to vector<16xf32>
    tpu.vector_store %arg19[%swap3A_123], %swap3A_126 {strides = array<i32>} : memref<512xf32, #tpu.memory_space<vmem>>, vector<16xf32>,
    %broadcast_in_dim3A_127 = arith.constant 1.000000e+00 : f32
    %broadcast_in_dim3A_128 = vector.broadcast %broadcast_in_dim3A_127 : f32 to vector<16xf32>
    %swap3A_129 = arith.constant 336 : index
    %swap3A_130 = tpu.vector_load %arg19[%swap3A_129] {strides = array<i32>} : memref<512xf32, #tpu.memory_space<vmem>>, vector<16xf32>,
    %swap3A_131 = vector.shape_cast %swap3A_130 : vector<16xf32> to vector<16xf32>
    %swap3A_132 = vector.shape_cast %broadcast_in_dim3A_128 : vector<16xf32> to vector<16xf32>
    tpu.vector_store %arg19[%swap3A_129], %swap3A_132 {strides = array<i32>} : memref<512xf32, #tpu.memory_space<vmem>>, vector<16xf32>,
    %broadcast_in_dim3A_133 = arith.constant 1.000000e+00 : f32
    %broadcast_in_dim3A_134 = vector.broadcast %broadcast_in_dim3A_133 : f32 to vector<16xf32>
    %swap3A_135 = arith.constant 352 : index
    %swap3A_136 = tpu.vector_load %arg19[%swap3A_135] {strides = array<i32>} : memref<512xf32, #tpu.memory_space<vmem>>, vector<16xf32>,
    %swap3A_137 = vector.shape_cast %swap3A_136 : vector<16xf32> to vector<16xf32>
    %swap3A_138 = vector.shape_cast %broadcast_in_dim3A_134 : vector<16xf32> to vector<16xf32>
    tpu.vector_store %arg19[%swap3A_135], %swap3A_138 {strides = array<i32>} : memref<512xf32, #tpu.memory_space<vmem>>, vector<16xf32>,
    %broadcast_in_dim3A_139 = arith.constant 1.000000e+00 : f32
    %broadcast_in_dim3A_140 = vector.broadcast %broadcast_in_dim3A_139 : f32 to vector<16xf32>
    %swap3A_141 = arith.constant 368 : index
    %swap3A_142 = tpu.vector_load %arg19[%swap3A_141] {strides = array<i32>} : memref<512xf32, #tpu.memory_space<vmem>>, vector<16xf32>,
    %swap3A_143 = vector.shape_cast %swap3A_142 : vector<16xf32> to vector<16xf32>
    %swap3A_144 = vector.shape_cast %broadcast_in_dim3A_140 : vector<16xf32> to vector<16xf32>
    tpu.vector_store %arg19[%swap3A_141], %swap3A_144 {strides = array<i32>} : memref<512xf32, #tpu.memory_space<vmem>>, vector<16xf32>,
    %broadcast_in_dim3A_145 = arith.constant 1.000000e+00 : f32
    %broadcast_in_dim3A_146 = vector.broadcast %broadcast_in_dim3A_145 : f32 to vector<16xf32>
    %swap3A_147 = arith.constant 384 : index
    %swap3A_148 = tpu.vector_load %arg19[%swap3A_147] {strides = array<i32>} : memref<512xf32, #tpu.memory_space<vmem>>, vector<16xf32>,
    %swap3A_149 = vector.shape_cast %swap3A_148 : vector<16xf32> to vector<16xf32>
    %swap3A_150 = vector.shape_cast %broadcast_in_dim3A_146 : vector<16xf32> to vector<16xf32>
    tpu.vector_store %arg19[%swap3A_147], %swap3A_150 {strides = array<i32>} : memref<512xf32, #tpu.memory_space<vmem>>, vector<16xf32>,
    %broadcast_in_dim3A_151 = arith.constant 1.000000e+00 : f32
    %broadcast_in_dim3A_152 = vector.broadcast %broadcast_in_dim3A_151 : f32 to vector<16xf32>
    %swap3A_153 = arith.constant 400 : index
    %swap3A_154 = tpu.vector_load %arg19[%swap3A_153] {strides = array<i32>} : memref<512xf32, #tpu.memory_space<vmem>>, vector<16xf32>,
    %swap3A_155 = vector.shape_cast %swap3A_154 : vector<16xf32> to vector<16xf32>
    %swap3A_156 = vector.shape_cast %broadcast_in_dim3A_152 : vector<16xf32> to vector<16xf32>
    tpu.vector_store %arg19[%swap3A_153], %swap3A_156 {strides = array<i32>} : memref<512xf32, #tpu.memory_space<vmem>>, vector<16xf32>,
    %broadcast_in_dim3A_157 = arith.constant 1.000000e+00 : f32
    %broadcast_in_dim3A_158 = vector.broadcast %broadcast_in_dim3A_157 : f32 to vector<16xf32>
    %swap3A_159 = arith.constant 416 : index
    %swap3A_160 = tpu.vector_load %arg19[%swap3A_159] {strides = array<i32>} : memref<512xf32, #tpu.memory_space<vmem>>, vector<16xf32>,
    %swap3A_161 = vector.shape_cast %swap3A_160 : vector<16xf32> to vector<16xf32>
    %swap3A_162 = vector.shape_cast %broadcast_in_dim3A_158 : vector<16xf32> to vector<16xf32>
    tpu.vector_store %arg19[%swap3A_159], %swap3A_162 {strides = array<i32>} : memref<512xf32, #tpu.memory_space<vmem>>, vector<16xf32>,
    %broadcast_in_dim3A_163 = arith.constant 1.000000e+00 : f32
    %broadcast_in_dim3A_164 = vector.broadcast %broadcast_in_dim3A_163 : f32 to vector<16xf32>
    %swap3A_165 = arith.constant 432 : index
    %swap3A_166 = tpu.vector_load %arg19[%swap3A_165] {strides = array<i32>} : memref<512xf32, #tpu.memory_space<vmem>>, vector<16xf32>,
    %swap3A_167 = vector.shape_cast %swap3A_166 : vector<16xf32> to vector<16xf32>
    %swap3A_168 = vector.shape_cast %broadcast_in_dim3A_164 : vector<16xf32> to vector<16xf32>
    tpu.vector_store %arg19[%swap3A_165], %swap3A_168 {strides = array<i32>} : memref<512xf32, #tpu.memory_space<vmem>>, vector<16xf32>,
    %broadcast_in_dim3A_169 = arith.constant 1.000000e+00 : f32
    %broadcast_in_dim3A_170 = vector.broadcast %broadcast_in_dim3A_169 : f32 to vector<16xf32>
    %swap3A_171 = arith.constant 448 : index
    %swap3A_172 = tpu.vector_load %arg19[%swap3A_171] {strides = array<i32>} : memref<512xf32, #tpu.memory_space<vmem>>, vector<16xf32>,
    %swap3A_173 = vector.shape_cast %swap3A_172 : vector<16xf32> to vector<16xf32>
    %swap3A_174 = vector.shape_cast %broadcast_in_dim3A_170 : vector<16xf32> to vector<16xf32>
    tpu.vector_store %arg19[%swap3A_171], %swap3A_174 {strides = array<i32>} : memref<512xf32, #tpu.memory_space<vmem>>, vector<16xf32>,
    %broadcast_in_dim3A_175 = arith.constant 1.000000e+00 : f32
    %broadcast_in_dim3A_176 = vector.broadcast %broadcast_in_dim3A_175 : f32 to vector<16xf32>
    %swap3A_177 = arith.constant 464 : index
    %swap3A_178 = tpu.vector_load %arg19[%swap3A_177] {strides = array<i32>} : memref<512xf32, #tpu.memory_space<vmem>>, vector<16xf32>,
    %swap3A_179 = vector.shape_cast %swap3A_178 : vector<16xf32> to vector<16xf32>
    %swap3A_180 = vector.shape_cast %broadcast_in_dim3A_176 : vector<16xf32> to vector<16xf32>
    tpu.vector_store %arg19[%swap3A_177], %swap3A_180 {strides = array<i32>} : memref<512xf32, #tpu.memory_space<vmem>>, vector<16xf32>,
    %broadcast_in_dim3A_181 = arith.constant 1.000000e+00 : f32
    %broadcast_in_dim3A_182 = vector.broadcast %broadcast_in_dim3A_181 : f32 to vector<16xf32>
    %swap3A_183 = arith.constant 480 : index
    %swap3A_184 = tpu.vector_load %arg19[%swap3A_183] {strides = array<i32>} : memref<512xf32, #tpu.memory_space<vmem>>, vector<16xf32>,
    %swap3A_185 = vector.shape_cast %swap3A_184 : vector<16xf32> to vector<16xf32>
    %swap3A_186 = vector.shape_cast %broadcast_in_dim3A_182 : vector<16xf32> to vector<16xf32>
    tpu.vector_store %arg19[%swap3A_183], %swap3A_186 {strides = array<i32>} : memref<512xf32, #tpu.memory_space<vmem>>, vector<16xf32>,
    %broadcast_in_dim3A_187 = arith.constant 1.000000e+00 : f32
    %broadcast_in_dim3A_188 = vector.broadcast %broadcast_in_dim3A_187 : f32 to vector<16xf32>
    %swap3A_189 = arith.constant 496 : index
    %swap3A_190 = tpu.vector_load %arg19[%swap3A_189] {strides = array<i32>} : memref<512xf32, #tpu.memory_space<vmem>>, vector<16xf32>,
    %swap3A_191 = vector.shape_cast %swap3A_190 : vector<16xf32> to vector<16xf32>
    %swap3A_192 = vector.shape_cast %broadcast_in_dim3A_188 : vector<16xf32> to vector<16xf32>
    tpu.vector_store %arg19[%swap3A_189], %swap3A_192 {strides = array<i32>} : memref<512xf32, #tpu.memory_space<vmem>>, vector<16xf32>,
    %barrier3A = arith.constant 0 : index
    tpu.barrier barrier_id(%barrier3A)
    %mul3A_193 = arith.constant 98 : i32
    %mul3A_194 = arith.muli %add3A, %mul3A_193 : i32
    %dma_start3A = arith.constant 0 : i32
    %dma_start3A_195 = arith.constant 0 : i32
    %dma_start3A_196 = arith.constant 0 : i32
    %dma_start3A_197 = tpu.memref_slice %arg11[%dma_start3A, %dma_start3A_195, %dma_start3A_196] : memref<2x2x512xi32, #tpu.memory_space<vmem>> -> memref<1x2x512xi32, #tpu.memory_space<vmem>>
    %dma_start3A_198 = tpu.memref_squeeze %dma_start3A_197 : memref<1x2x512xi32, #tpu.memory_space<vmem>> -> memref<2x512xi32, #tpu.memory_space<vmem>>
    %dma_start3A_199 = arith.constant 0 : i32
    %dma_start3A_200 = arith.constant 0 : i32
    %dma_start3A_201 = tpu.memref_slice %arg3[%mul3A_194, %dma_start3A_199, %dma_start3A_200] : memref<3136x2x512xi32, #tpu.memory_space<hbm>> -> memref<1x2x512xi32, #tpu.memory_space<hbm>>
    %dma_start3A_202 = tpu.memref_squeeze %dma_start3A_201 : memref<1x2x512xi32, #tpu.memory_space<hbm>> -> memref<2x512xi32, #tpu.memory_space<hbm>>
    %dma_start3A_203 = arith.constant 0 : i32
    %dma_start3A_204 = arith.constant 0 : i32
    %dma_start3A_205 = tpu.memref_slice %arg11[%dma_start3A, %dma_start3A_203, %dma_start3A_204] : memref<2x2x512xi32, #tpu.memory_space<vmem>> -> memref<1x2x512xi32, #tpu.memory_space<vmem>>
    %dma_start3A_206 = tpu.memref_squeeze %dma_start3A_205 : memref<1x2x512xi32, #tpu.memory_space<vmem>> -> memref<2x512xi32, #tpu.memory_space<vmem>>
    %dma_start3A_207 = arith.constant 0 : i32
    %dma_start3A_208 = arith.constant 0 : i32
    %dma_start3A_209 = tpu.memref_slice %arg3[%mul3A_194, %dma_start3A_207, %dma_start3A_208] : memref<3136x2x512xi32, #tpu.memory_space<hbm>> -> memref<1x2x512xi32, #tpu.memory_space<hbm>>
    %dma_start3A_210 = tpu.memref_squeeze %dma_start3A_209 : memref<1x2x512xi32, #tpu.memory_space<hbm>> -> memref<2x512xi32, #tpu.memory_space<hbm>>
    tpu.enqueue_dma source(%dma_start3A_210 : memref<2x512xi32, #tpu.memory_space<hbm>>) target(%dma_start3A_206 : memref<2x512xi32, #tpu.memory_space<vmem>>) target_semaphore(%arg16 : memref<!tpu.dma_semaphore, #tpu.memory_space<semaphore_mem>>)
    %dma_start3A_211 = arith.constant 0 : i32
    %dma_start3A_212 = arith.constant 0 : i32
    %dma_start3A_213 = arith.constant 0 : i32
    %dma_start3A_214 = tpu.memref_slice %arg12[%dma_start3A_211, %dma_start3A_212, %dma_start3A_213] : memref<2x2x512xi32, #tpu.memory_space<vmem>> -> memref<1x2x512xi32, #tpu.memory_space<vmem>>
    %dma_start3A_215 = tpu.memref_squeeze %dma_start3A_214 : memref<1x2x512xi32, #tpu.memory_space<vmem>> -> memref<2x512xi32, #tpu.memory_space<vmem>>
    %dma_start3A_216 = arith.constant 0 : i32
    %dma_start3A_217 = arith.constant 0 : i32
    %dma_start3A_218 = tpu.memref_slice %arg4[%mul3A_194, %dma_start3A_216, %dma_start3A_217] : memref<3136x2x512xi32, #tpu.memory_space<hbm>> -> memref<1x2x512xi32, #tpu.memory_space<hbm>>
    %dma_start3A_219 = tpu.memref_squeeze %dma_start3A_218 : memref<1x2x512xi32, #tpu.memory_space<hbm>> -> memref<2x512xi32, #tpu.memory_space<hbm>>
    %dma_start3A_220 = arith.constant 0 : i32
    %dma_start3A_221 = arith.constant 0 : i32
    %dma_start3A_222 = tpu.memref_slice %arg12[%dma_start3A_211, %dma_start3A_220, %dma_start3A_221] : memref<2x2x512xi32, #tpu.memory_space<vmem>> -> memref<1x2x512xi32, #tpu.memory_space<vmem>>
    %dma_start3A_223 = tpu.memref_squeeze %dma_start3A_222 : memref<1x2x512xi32, #tpu.memory_space<vmem>> -> memref<2x512xi32, #tpu.memory_space<vmem>>
    %dma_start3A_224 = arith.constant 0 : i32
    %dma_start3A_225 = arith.constant 0 : i32
    %dma_start3A_226 = tpu.memref_slice %arg4[%mul3A_194, %dma_start3A_224, %dma_start3A_225] : memref<3136x2x512xi32, #tpu.memory_space<hbm>> -> memref<1x2x512xi32, #tpu.memory_space<hbm>>
    %dma_start3A_227 = tpu.memref_squeeze %dma_start3A_226 : memref<1x2x512xi32, #tpu.memory_space<hbm>> -> memref<2x512xi32, #tpu.memory_space<hbm>>
    tpu.enqueue_dma source(%dma_start3A_227 : memref<2x512xi32, #tpu.memory_space<hbm>>) target(%dma_start3A_223 : memref<2x512xi32, #tpu.memory_space<vmem>>) target_semaphore(%arg16 : memref<!tpu.dma_semaphore, #tpu.memory_space<semaphore_mem>>)
    %scan3A = arith.constant 0 : i32
    %scan3A_228 = arith.constant 0 : i32
    %scan3A_229 = arith.constant 98 : i32
    %scan3A_230 = arith.addi %scan3A_228, %scan3A_229 : i32
    %scan3A_231 = arith.constant 1 : i32
    scf.for %scan3A_254 = %scan3A_228 to %scan3A_230 step %scan3A_231  : i32 {
      %rem3A = arith.constant 2 : i32
      %rem3A_255 = arith.remsi %scan3A_254, %rem3A : i32
      %dma_wait3A_256 = arith.constant 0 : i32
      %dma_wait3A_257 = arith.constant 0 : i32
      %dma_wait3A_258 = arith.constant 0 : i32
      %dma_wait3A_259 = tpu.memref_slice %arg11[%rem3A_255, %dma_wait3A_257, %dma_wait3A_258] : memref<2x2x512xi32, #tpu.memory_space<vmem>> -> memref<1x2x512xi32, #tpu.memory_space<vmem>>
      %dma_wait3A_260 = tpu.memref_squeeze %dma_wait3A_259 : memref<1x2x512xi32, #tpu.memory_space<vmem>> -> memref<2x512xi32, #tpu.memory_space<vmem>>
      %dma_wait3A_261 = arith.constant 0 : i32
      %dma_wait3A_262 = arith.constant 0 : i32
      %dma_wait3A_263 = tpu.memref_slice %arg3[%dma_wait3A_256, %dma_wait3A_261, %dma_wait3A_262] : memref<3136x2x512xi32, #tpu.memory_space<hbm>> -> memref<1x2x512xi32, #tpu.memory_space<hbm>>
      %dma_wait3A_264 = tpu.memref_squeeze %dma_wait3A_263 : memref<1x2x512xi32, #tpu.memory_space<hbm>> -> memref<2x512xi32, #tpu.memory_space<hbm>>
      %dma_wait3A_265 = arith.constant 0 : i32
      %dma_wait3A_266 = arith.constant 0 : i32
      %dma_wait3A_267 = tpu.memref_slice %arg11[%rem3A_255, %dma_wait3A_265, %dma_wait3A_266] : memref<2x2x512xi32, #tpu.memory_space<vmem>> -> memref<1x2x512xi32, #tpu.memory_space<vmem>>
      %dma_wait3A_268 = tpu.memref_squeeze %dma_wait3A_267 : memref<1x2x512xi32, #tpu.memory_space<vmem>> -> memref<2x512xi32, #tpu.memory_space<vmem>>
      %dma_wait3A_269 = arith.constant 0 : i32
      %dma_wait3A_270 = arith.constant 0 : i32
      %dma_wait3A_271 = tpu.memref_slice %arg3[%dma_wait3A_256, %dma_wait3A_269, %dma_wait3A_270] : memref<3136x2x512xi32, #tpu.memory_space<hbm>> -> memref<1x2x512xi32, #tpu.memory_space<hbm>>
      %dma_wait3A_272 = tpu.memref_squeeze %dma_wait3A_271 : memref<1x2x512xi32, #tpu.memory_space<hbm>> -> memref<2x512xi32, #tpu.memory_space<hbm>>
      tpu.wait_dma2 semaphore(%arg16 : memref<!tpu.dma_semaphore, #tpu.memory_space<semaphore_mem>>) src(%dma_wait3A_272 : memref<2x512xi32, #tpu.memory_space<hbm>>) dst(%dma_wait3A_268 : memref<2x512xi32, #tpu.memory_space<vmem>>)
      %dma_wait3A_273 = arith.constant 0 : i32
      %dma_wait3A_274 = arith.constant 0 : i32
      %dma_wait3A_275 = arith.constant 0 : i32
      %dma_wait3A_276 = tpu.memref_slice %arg12[%rem3A_255, %dma_wait3A_274, %dma_wait3A_275] : memref<2x2x512xi32, #tpu.memory_space<vmem>> -> memref<1x2x512xi32, #tpu.memory_space<vmem>>
      %dma_wait3A_277 = tpu.memref_squeeze %dma_wait3A_276 : memref<1x2x512xi32, #tpu.memory_space<vmem>> -> memref<2x512xi32, #tpu.memory_space<vmem>>
      %dma_wait3A_278 = arith.constant 0 : i32
      %dma_wait3A_279 = arith.constant 0 : i32
      %dma_wait3A_280 = tpu.memref_slice %arg4[%dma_wait3A_273, %dma_wait3A_278, %dma_wait3A_279] : memref<3136x2x512xi32, #tpu.memory_space<hbm>> -> memref<1x2x512xi32, #tpu.memory_space<hbm>>
      %dma_wait3A_281 = tpu.memref_squeeze %dma_wait3A_280 : memref<1x2x512xi32, #tpu.memory_space<hbm>> -> memref<2x512xi32, #tpu.memory_space<hbm>>
      %dma_wait3A_282 = arith.constant 0 : i32
      %dma_wait3A_283 = arith.constant 0 : i32
      %dma_wait3A_284 = tpu.memref_slice %arg12[%rem3A_255, %dma_wait3A_282, %dma_wait3A_283] : memref<2x2x512xi32, #tpu.memory_space<vmem>> -> memref<1x2x512xi32, #tpu.memory_space<vmem>>
      %dma_wait3A_285 = tpu.memref_squeeze %dma_wait3A_284 : memref<1x2x512xi32, #tpu.memory_space<vmem>> -> memref<2x512xi32, #tpu.memory_space<vmem>>
      %dma_wait3A_286 = arith.constant 0 : i32
      %dma_wait3A_287 = arith.constant 0 : i32
      %dma_wait3A_288 = tpu.memref_slice %arg4[%dma_wait3A_273, %dma_wait3A_286, %dma_wait3A_287] : memref<3136x2x512xi32, #tpu.memory_space<hbm>> -> memref<1x2x512xi32, #tpu.memory_space<hbm>>
      %dma_wait3A_289 = tpu.memref_squeeze %dma_wait3A_288 : memref<1x2x512xi32, #tpu.memory_space<hbm>> -> memref<2x512xi32, #tpu.memory_space<hbm>>
      tpu.wait_dma2 semaphore(%arg16 : memref<!tpu.dma_semaphore, #tpu.memory_space<semaphore_mem>>) src(%dma_wait3A_289 : memref<2x512xi32, #tpu.memory_space<hbm>>) dst(%dma_wait3A_285 : memref<2x512xi32, #tpu.memory_space<vmem>>)
      %add3A_290 = arith.constant 1 : i32
      %add3A_291 = arith.addi %scan3A_254, %add3A_290 : i32
      %lt3A = arith.constant 98 : i32
      %lt3A_292 = arith.cmpi slt, %add3A_291, %lt3A : i32
      %convert_element_type3A = arith.extui %lt3A_292 : i1 to i32
      %cond3A = arith.constant 0 : i32
      %cond3A_293 = arith.cmpi ne, %convert_element_type3A, %cond3A : i32
      scf.if %cond3A_293 {
        %add3A_382 = arith.addi %mul3A_194, %scan3A_254 : i32
        %add3A_383 = arith.constant 1 : i32
        %add3A_384 = arith.addi %add3A_382, %add3A_383 : i32
        %sub3A = arith.constant 1 : i32
        %sub3A_385 = arith.subi %sub3A, %rem3A_255 : i32
        %dma_start3A_386 = arith.constant 0 : i32
        %dma_start3A_387 = arith.constant 0 : i32
        %dma_start3A_388 = tpu.memref_slice %arg11[%sub3A_385, %dma_start3A_386, %dma_start3A_387] : memref<2x2x512xi32, #tpu.memory_space<vmem>> -> memref<1x2x512xi32, #tpu.memory_space<vmem>>
        %dma_start3A_389 = tpu.memref_squeeze %dma_start3A_388 : memref<1x2x512xi32, #tpu.memory_space<vmem>> -> memref<2x512xi32, #tpu.memory_space<vmem>>
        %dma_start3A_390 = arith.constant 0 : i32
        %dma_start3A_391 = arith.constant 0 : i32
        %dma_start3A_392 = tpu.memref_slice %arg3[%add3A_384, %dma_start3A_390, %dma_start3A_391] : memref<3136x2x512xi32, #tpu.memory_space<hbm>> -> memref<1x2x512xi32, #tpu.memory_space<hbm>>
        %dma_start3A_393 = tpu.memref_squeeze %dma_start3A_392 : memref<1x2x512xi32, #tpu.memory_space<hbm>> -> memref<2x512xi32, #tpu.memory_space<hbm>>
        %dma_start3A_394 = arith.constant 0 : i32
        %dma_start3A_395 = arith.constant 0 : i32
        %dma_start3A_396 = tpu.memref_slice %arg11[%sub3A_385, %dma_start3A_394, %dma_start3A_395] : memref<2x2x512xi32, #tpu.memory_space<vmem>> -> memref<1x2x512xi32, #tpu.memory_space<vmem>>
        %dma_start3A_397 = tpu.memref_squeeze %dma_start3A_396 : memref<1x2x512xi32, #tpu.memory_space<vmem>> -> memref<2x512xi32, #tpu.memory_space<vmem>>
        %dma_start3A_398 = arith.constant 0 : i32
        %dma_start3A_399 = arith.constant 0 : i32
        %dma_start3A_400 = tpu.memref_slice %arg3[%add3A_384, %dma_start3A_398, %dma_start3A_399] : memref<3136x2x512xi32, #tpu.memory_space<hbm>> -> memref<1x2x512xi32, #tpu.memory_space<hbm>>
        %dma_start3A_401 = tpu.memref_squeeze %dma_start3A_400 : memref<1x2x512xi32, #tpu.memory_space<hbm>> -> memref<2x512xi32, #tpu.memory_space<hbm>>
        tpu.enqueue_dma source(%dma_start3A_401 : memref<2x512xi32, #tpu.memory_space<hbm>>) target(%dma_start3A_397 : memref<2x512xi32, #tpu.memory_space<vmem>>) target_semaphore(%arg16 : memref<!tpu.dma_semaphore, #tpu.memory_space<semaphore_mem>>)
        %add3A_402 = arith.addi %mul3A_194, %scan3A_254 : i32
        %add3A_403 = arith.constant 1 : i32
        %add3A_404 = arith.addi %add3A_402, %add3A_403 : i32
        %sub3A_405 = arith.constant 1 : i32
        %sub3A_406 = arith.subi %sub3A_405, %rem3A_255 : i32
        %dma_start3A_407 = arith.constant 0 : i32
        %dma_start3A_408 = arith.constant 0 : i32
        %dma_start3A_409 = tpu.memref_slice %arg12[%sub3A_406, %dma_start3A_407, %dma_start3A_408] : memref<2x2x512xi32, #tpu.memory_space<vmem>> -> memref<1x2x512xi32, #tpu.memory_space<vmem>>
        %dma_start3A_410 = tpu.memref_squeeze %dma_start3A_409 : memref<1x2x512xi32, #tpu.memory_space<vmem>> -> memref<2x512xi32, #tpu.memory_space<vmem>>
        %dma_start3A_411 = arith.constant 0 : i32
        %dma_start3A_412 = arith.constant 0 : i32
        %dma_start3A_413 = tpu.memref_slice %arg4[%add3A_404, %dma_start3A_411, %dma_start3A_412] : memref<3136x2x512xi32, #tpu.memory_space<hbm>> -> memref<1x2x512xi32, #tpu.memory_space<hbm>>
        %dma_start3A_414 = tpu.memref_squeeze %dma_start3A_413 : memref<1x2x512xi32, #tpu.memory_space<hbm>> -> memref<2x512xi32, #tpu.memory_space<hbm>>
        %dma_start3A_415 = arith.constant 0 : i32
        %dma_start3A_416 = arith.constant 0 : i32
        %dma_start3A_417 = tpu.memref_slice %arg12[%sub3A_406, %dma_start3A_415, %dma_start3A_416] : memref<2x2x512xi32, #tpu.memory_space<vmem>> -> memref<1x2x512xi32, #tpu.memory_space<vmem>>
        %dma_start3A_418 = tpu.memref_squeeze %dma_start3A_417 : memref<1x2x512xi32, #tpu.memory_space<vmem>> -> memref<2x512xi32, #tpu.memory_space<vmem>>
        %dma_start3A_419 = arith.constant 0 : i32
        %dma_start3A_420 = arith.constant 0 : i32
        %dma_start3A_421 = tpu.memref_slice %arg4[%add3A_404, %dma_start3A_419, %dma_start3A_420] : memref<3136x2x512xi32, #tpu.memory_space<hbm>> -> memref<1x2x512xi32, #tpu.memory_space<hbm>>
        %dma_start3A_422 = tpu.memref_squeeze %dma_start3A_421 : memref<1x2x512xi32, #tpu.memory_space<hbm>> -> memref<2x512xi32, #tpu.memory_space<hbm>>
        tpu.enqueue_dma source(%dma_start3A_422 : memref<2x512xi32, #tpu.memory_space<hbm>>) target(%dma_start3A_418 : memref<2x512xi32, #tpu.memory_space<vmem>>) target_semaphore(%arg16 : memref<!tpu.dma_semaphore, #tpu.memory_space<semaphore_mem>>)
      } else {
      }
      %gt3A = arith.constant 0 : i32
      %gt3A_294 = arith.cmpi sgt, %scan3A_254, %gt3A : i32
      %convert_element_type3A_295 = arith.extui %gt3A_294 : i1 to i32
      %cond3A_296 = arith.constant 0 : i32
      %cond3A_297 = arith.cmpi ne, %convert_element_type3A_295, %cond3A_296 : i32
      scf.if %cond3A_297 {
        %dma_wait3A_382 = arith.constant 0 : i32
        %dma_wait3A_383 = arith.constant 0 : i32
        %dma_wait3A_384 = arith.constant 0 : i32
        %dma_wait3A_385 = tpu.memref_slice %arg13[%dma_wait3A_382, %dma_wait3A_383, %dma_wait3A_384] : memref<2x512x16xf32, #tpu.memory_space<vmem>> -> memref<1x512x16xf32, #tpu.memory_space<vmem>>
        %dma_wait3A_386 = tpu.memref_squeeze %dma_wait3A_385 : memref<1x512x16xf32, #tpu.memory_space<vmem>> -> memref<512x16xf32, #tpu.memory_space<vmem>>
        %dma_wait3A_387 = arith.constant 0 : i32
        %dma_wait3A_388 = arith.constant 0 : i32
        %dma_wait3A_389 = tpu.memref_slice %arg13[%dma_wait3A_382, %dma_wait3A_387, %dma_wait3A_388] : memref<2x512x16xf32, #tpu.memory_space<vmem>> -> memref<1x512x16xf32, #tpu.memory_space<vmem>>
        %dma_wait3A_390 = tpu.memref_squeeze %dma_wait3A_389 : memref<1x512x16xf32, #tpu.memory_space<vmem>> -> memref<512x16xf32, #tpu.memory_space<vmem>>
        tpu.wait_dma2 semaphore(%arg17 : memref<!tpu.dma_semaphore, #tpu.memory_space<semaphore_mem>>) src(%arg6 : memref<512x16xf32, #tpu.memory_space<hbm>>) dst(%dma_wait3A_390 : memref<512x16xf32, #tpu.memory_space<vmem>>)
        %dma_wait3A_391 = arith.constant 1 : i32
        %dma_wait3A_392 = arith.constant 0 : i32
        %dma_wait3A_393 = arith.constant 0 : i32
        %dma_wait3A_394 = tpu.memref_slice %arg13[%dma_wait3A_391, %dma_wait3A_392, %dma_wait3A_393] : memref<2x512x16xf32, #tpu.memory_space<vmem>> -> memref<1x512x16xf32, #tpu.memory_space<vmem>>
        %dma_wait3A_395 = tpu.memref_squeeze %dma_wait3A_394 : memref<1x512x16xf32, #tpu.memory_space<vmem>> -> memref<512x16xf32, #tpu.memory_space<vmem>>
        %dma_wait3A_396 = arith.constant 0 : i32
        %dma_wait3A_397 = arith.constant 0 : i32
        %dma_wait3A_398 = tpu.memref_slice %arg13[%dma_wait3A_391, %dma_wait3A_396, %dma_wait3A_397] : memref<2x512x16xf32, #tpu.memory_space<vmem>> -> memref<1x512x16xf32, #tpu.memory_space<vmem>>
        %dma_wait3A_399 = tpu.memref_squeeze %dma_wait3A_398 : memref<1x512x16xf32, #tpu.memory_space<vmem>> -> memref<512x16xf32, #tpu.memory_space<vmem>>
        tpu.wait_dma2 semaphore(%arg18 : memref<!tpu.dma_semaphore, #tpu.memory_space<semaphore_mem>>) src(%arg6 : memref<512x16xf32, #tpu.memory_space<hbm>>) dst(%dma_wait3A_399 : memref<512x16xf32, #tpu.memory_space<vmem>>)
        tpu.wait_dma2 semaphore(%arg21 : memref<!tpu.dma_semaphore, #tpu.memory_space<semaphore_mem>>) src(%arg8 : memref<512xf32, #tpu.memory_space<hbm>>) dst(%arg19 : memref<512xf32, #tpu.memory_space<vmem>>)
        tpu.wait_dma2 semaphore(%arg21 : memref<!tpu.dma_semaphore, #tpu.memory_space<semaphore_mem>>) src(%arg8 : memref<512xf32, #tpu.memory_space<hbm>>) dst(%arg19 : memref<512xf32, #tpu.memory_space<vmem>>)
      } else {
      }
      %dma_start3A_298 = arith.constant 0 : i32
      %dma_start3A_299 = arith.constant 0 : i32
      %dma_start3A_300 = tpu.memref_slice %arg12[%rem3A_255, %dma_start3A_298, %dma_start3A_299] : memref<2x2x512xi32, #tpu.memory_space<vmem>> -> memref<1x1x512xi32, #tpu.memory_space<vmem>>
      %dma_start3A_301 = tpu.memref_squeeze %dma_start3A_300 : memref<1x1x512xi32, #tpu.memory_space<vmem>> -> memref<512xi32, #tpu.memory_space<vmem>>
      %dma_start3A_302 = arith.constant 0 : i32
      %dma_start3A_303 = tpu.memref_slice %arg20[%dma_start3A_302] : memref<100096xf32, #tpu.memory_space<vmem_shared>> -> memref<100096xf32, #tpu.memory_space<vmem_shared>>
      tpu.enqueue_indirect_dma source(%arg19 : memref<512xf32, #tpu.memory_space<vmem>>) target(%dma_start3A_303 : memref<100096xf32, #tpu.memory_space<vmem_shared>>) offsets(%dma_start3A_301 : memref<512xi32, #tpu.memory_space<vmem>>) semaphore(%arg21 : memref<!tpu.dma_semaphore, #tpu.memory_space<semaphore_mem>>) {add = true}
      %dma_start3A_304 = arith.constant 1 : i32
      %dma_start3A_305 = arith.constant 0 : i32
      %dma_start3A_306 = tpu.memref_slice %arg12[%rem3A_255, %dma_start3A_304, %dma_start3A_305] : memref<2x2x512xi32, #tpu.memory_space<vmem>> -> memref<1x1x512xi32, #tpu.memory_space<vmem>>
      %dma_start3A_307 = tpu.memref_squeeze %dma_start3A_306 : memref<1x1x512xi32, #tpu.memory_space<vmem>> -> memref<512xi32, #tpu.memory_space<vmem>>
      %dma_start3A_308 = arith.constant 0 : i32
      %dma_start3A_309 = tpu.memref_slice %arg20[%dma_start3A_308] : memref<100096xf32, #tpu.memory_space<vmem_shared>> -> memref<100096xf32, #tpu.memory_space<vmem_shared>>
      tpu.enqueue_indirect_dma source(%arg19 : memref<512xf32, #tpu.memory_space<vmem>>) target(%dma_start3A_309 : memref<100096xf32, #tpu.memory_space<vmem_shared>>) offsets(%dma_start3A_307 : memref<512xi32, #tpu.memory_space<vmem>>) semaphore(%arg21 : memref<!tpu.dma_semaphore, #tpu.memory_space<semaphore_mem>>) {add = true}
      %dma_start3A_310 = arith.constant 0 : i32
      %dma_start3A_311 = arith.constant 0 : i32
      %dma_start3A_312 = arith.constant 0 : i32
      %dma_start3A_313 = arith.constant 0 : i32
      %dma_start3A_314 = tpu.memref_slice %arg13[%dma_start3A_311, %dma_start3A_312, %dma_start3A_313] : memref<2x512x16xf32, #tpu.memory_space<vmem>> -> memref<1x512x16xf32, #tpu.memory_space<vmem>>
      %dma_start3A_315 = tpu.memref_squeeze %dma_start3A_314 : memref<1x512x16xf32, #tpu.memory_space<vmem>> -> memref<512x16xf32, #tpu.memory_space<vmem>>
      %dma_start3A_316 = arith.constant 0 : i32
      %dma_start3A_317 = tpu.memref_slice %arg11[%rem3A_255, %dma_start3A_310, %dma_start3A_316] : memref<2x2x512xi32, #tpu.memory_space<vmem>> -> memref<1x1x512xi32, #tpu.memory_space<vmem>>
      %dma_start3A_318 = tpu.memref_squeeze %dma_start3A_317 : memref<1x1x512xi32, #tpu.memory_space<vmem>> -> memref<512xi32, #tpu.memory_space<vmem>>
      %dma_start3A_319 = arith.constant 0 : i32
      %dma_start3A_320 = arith.constant 0 : i32
      %dma_start3A_321 = tpu.memref_slice %arg2[%dma_start3A_319, %dma_start3A_320] : memref<100000x16xf32, #tpu.memory_space<hbm>> -> memref<100000x16xf32, #tpu.memory_space<hbm>>
      tpu.enqueue_indirect_dma source(%dma_start3A_321 : memref<100000x16xf32, #tpu.memory_space<hbm>>) target(%dma_start3A_315 : memref<512x16xf32, #tpu.memory_space<vmem>>) offsets(%dma_start3A_318 : memref<512xi32, #tpu.memory_space<vmem>>) semaphore(%arg15 : memref<!tpu.dma_semaphore, #tpu.memory_space<semaphore_mem>>)
      %dma_wait3A_322 = arith.constant 0 : i32
      %dma_wait3A_323 = arith.constant 0 : i32
      %dma_wait3A_324 = arith.constant 0 : i32
      %dma_wait3A_325 = arith.constant 0 : i32
      %dma_wait3A_326 = tpu.memref_slice %arg13[%dma_wait3A_323, %dma_wait3A_324, %dma_wait3A_325] : memref<2x512x16xf32, #tpu.memory_space<vmem>> -> memref<1x512x16xf32, #tpu.memory_space<vmem>>
      %dma_wait3A_327 = tpu.memref_squeeze %dma_wait3A_326 : memref<1x512x16xf32, #tpu.memory_space<vmem>> -> memref<512x16xf32, #tpu.memory_space<vmem>>
      %dma_wait3A_328 = arith.constant 0 : i32
      %dma_wait3A_329 = tpu.memref_slice %arg11[%rem3A_255, %dma_wait3A_322, %dma_wait3A_328] : memref<2x2x512xi32, #tpu.memory_space<vmem>> -> memref<1x1x512xi32, #tpu.memory_space<vmem>>
      %dma_wait3A_330 = tpu.memref_squeeze %dma_wait3A_329 : memref<1x1x512xi32, #tpu.memory_space<vmem>> -> memref<512xi32, #tpu.memory_space<vmem>>
      %dma_wait3A_331 = arith.constant 0 : i32
      %dma_wait3A_332 = arith.constant 0 : i32
      %dma_wait3A_333 = tpu.memref_slice %arg2[%dma_wait3A_331, %dma_wait3A_332] : memref<100000x16xf32, #tpu.memory_space<hbm>> -> memref<100000x16xf32, #tpu.memory_space<hbm>>
      tpu.wait_indirect_dma semaphore(%arg15 : memref<!tpu.dma_semaphore, #tpu.memory_space<semaphore_mem>>) src(%dma_wait3A_333 : memref<100000x16xf32, #tpu.memory_space<hbm>>) dst(%dma_wait3A_327 : memref<512x16xf32, #tpu.memory_space<vmem>>)
      %dma_start3A_334 = arith.constant 0 : i32
      %dma_start3A_335 = arith.constant 0 : i32
      %dma_start3A_336 = arith.constant 0 : i32
      %dma_start3A_337 = arith.constant 0 : i32
      %dma_start3A_338 = tpu.memref_slice %arg13[%dma_start3A_334, %dma_start3A_336, %dma_start3A_337] : memref<2x512x16xf32, #tpu.memory_space<vmem>> -> memref<1x512x16xf32, #tpu.memory_space<vmem>>
      %dma_start3A_339 = tpu.memref_squeeze %dma_start3A_338 : memref<1x512x16xf32, #tpu.memory_space<vmem>> -> memref<512x16xf32, #tpu.memory_space<vmem>>
      %dma_start3A_340 = arith.constant 0 : i32
      %dma_start3A_341 = tpu.memref_slice %arg12[%rem3A_255, %dma_start3A_335, %dma_start3A_340] : memref<2x2x512xi32, #tpu.memory_space<vmem>> -> memref<1x1x512xi32, #tpu.memory_space<vmem>>
      %dma_start3A_342 = tpu.memref_squeeze %dma_start3A_341 : memref<1x1x512xi32, #tpu.memory_space<vmem>> -> memref<512xi32, #tpu.memory_space<vmem>>
      %dma_start3A_343 = arith.constant 0 : i32
      %dma_start3A_344 = arith.constant 0 : i32
      %dma_start3A_345 = tpu.memref_slice %arg14[%dma_start3A_343, %dma_start3A_344] : memref<100096x16xf32, #tpu.memory_space<vmem_shared>> -> memref<100096x16xf32, #tpu.memory_space<vmem_shared>>
      tpu.enqueue_indirect_dma source(%dma_start3A_339 : memref<512x16xf32, #tpu.memory_space<vmem>>) target(%dma_start3A_345 : memref<100096x16xf32, #tpu.memory_space<vmem_shared>>) offsets(%dma_start3A_342 : memref<512xi32, #tpu.memory_space<vmem>>) semaphore(%arg17 : memref<!tpu.dma_semaphore, #tpu.memory_space<semaphore_mem>>) {add = true}
      %dma_start3A_346 = arith.constant 1 : i32
      %dma_start3A_347 = arith.constant 1 : i32
      %dma_start3A_348 = arith.constant 0 : i32
      %dma_start3A_349 = arith.constant 0 : i32
      %dma_start3A_350 = tpu.memref_slice %arg13[%dma_start3A_347, %dma_start3A_348, %dma_start3A_349] : memref<2x512x16xf32, #tpu.memory_space<vmem>> -> memref<1x512x16xf32, #tpu.memory_space<vmem>>
      %dma_start3A_351 = tpu.memref_squeeze %dma_start3A_350 : memref<1x512x16xf32, #tpu.memory_space<vmem>> -> memref<512x16xf32, #tpu.memory_space<vmem>>
      %dma_start3A_352 = arith.constant 0 : i32
      %dma_start3A_353 = tpu.memref_slice %arg11[%rem3A_255, %dma_start3A_346, %dma_start3A_352] : memref<2x2x512xi32, #tpu.memory_space<vmem>> -> memref<1x1x512xi32, #tpu.memory_space<vmem>>
      %dma_start3A_354 = tpu.memref_squeeze %dma_start3A_353 : memref<1x1x512xi32, #tpu.memory_space<vmem>> -> memref<512xi32, #tpu.memory_space<vmem>>
      %dma_start3A_355 = arith.constant 0 : i32
      %dma_start3A_356 = arith.constant 0 : i32
      %dma_start3A_357 = tpu.memref_slice %arg2[%dma_start3A_355, %dma_start3A_356] : memref<100000x16xf32, #tpu.memory_space<hbm>> -> memref<100000x16xf32, #tpu.memory_space<hbm>>
      tpu.enqueue_indirect_dma source(%dma_start3A_357 : memref<100000x16xf32, #tpu.memory_space<hbm>>) target(%dma_start3A_351 : memref<512x16xf32, #tpu.memory_space<vmem>>) offsets(%dma_start3A_354 : memref<512xi32, #tpu.memory_space<vmem>>) semaphore(%arg15 : memref<!tpu.dma_semaphore, #tpu.memory_space<semaphore_mem>>)
      %dma_wait3A_358 = arith.constant 1 : i32
      %dma_wait3A_359 = arith.constant 1 : i32
      %dma_wait3A_360 = arith.constant 0 : i32
      %dma_wait3A_361 = arith.constant 0 : i32
      %dma_wait3A_362 = tpu.memref_slice %arg13[%dma_wait3A_359, %dma_wait3A_360, %dma_wait3A_361] : memref<2x512x16xf32, #tpu.memory_space<vmem>> -> memref<1x512x16xf32, #tpu.memory_space<vmem>>
      %dma_wait3A_363 = tpu.memref_squeeze %dma_wait3A_362 : memref<1x512x16xf32, #tpu.memory_space<vmem>> -> memref<512x16xf32, #tpu.memory_space<vmem>>
      %dma_wait3A_364 = arith.constant 0 : i32
      %dma_wait3A_365 = tpu.memref_slice %arg11[%rem3A_255, %dma_wait3A_358, %dma_wait3A_364] : memref<2x2x512xi32, #tpu.memory_space<vmem>> -> memref<1x1x512xi32, #tpu.memory_space<vmem>>
      %dma_wait3A_366 = tpu.memref_squeeze %dma_wait3A_365 : memref<1x1x512xi32, #tpu.memory_space<vmem>> -> memref<512xi32, #tpu.memory_space<vmem>>
      %dma_wait3A_367 = arith.constant 0 : i32
      %dma_wait3A_368 = arith.constant 0 : i32
      %dma_wait3A_369 = tpu.memref_slice %arg2[%dma_wait3A_367, %dma_wait3A_368] : memref<100000x16xf32, #tpu.memory_space<hbm>> -> memref<100000x16xf32, #tpu.memory_space<hbm>>
      tpu.wait_indirect_dma semaphore(%arg15 : memref<!tpu.dma_semaphore, #tpu.memory_space<semaphore_mem>>) src(%dma_wait3A_369 : memref<100000x16xf32, #tpu.memory_space<hbm>>) dst(%dma_wait3A_363 : memref<512x16xf32, #tpu.memory_space<vmem>>)
      %dma_start3A_370 = arith.constant 1 : i32
      %dma_start3A_371 = arith.constant 1 : i32
      %dma_start3A_372 = arith.constant 0 : i32
      %dma_start3A_373 = arith.constant 0 : i32
      %dma_start3A_374 = tpu.memref_slice %arg13[%dma_start3A_370, %dma_start3A_372, %dma_start3A_373] : memref<2x512x16xf32, #tpu.memory_space<vmem>> -> memref<1x512x16xf32, #tpu.memory_space<vmem>>
      %dma_start3A_375 = tpu.memref_squeeze %dma_start3A_374 : memref<1x512x16xf32, #tpu.memory_space<vmem>> -> memref<512x16xf32, #tpu.memory_space<vmem>>
      %dma_start3A_376 = arith.constant 0 : i32
      %dma_start3A_377 = tpu.memref_slice %arg12[%rem3A_255, %dma_start3A_371, %dma_start3A_376] : memref<2x2x512xi32, #tpu.memory_space<vmem>> -> memref<1x1x512xi32, #tpu.memory_space<vmem>>
      %dma_start3A_378 = tpu.memref_squeeze %dma_start3A_377 : memref<1x1x512xi32, #tpu.memory_space<vmem>> -> memref<512xi32, #tpu.memory_space<vmem>>
      %dma_start3A_379 = arith.constant 0 : i32
      %dma_start3A_380 = arith.constant 0 : i32
      %dma_start3A_381 = tpu.memref_slice %arg14[%dma_start3A_379, %dma_start3A_380] : memref<100096x16xf32, #tpu.memory_space<vmem_shared>> -> memref<100096x16xf32, #tpu.memory_space<vmem_shared>>
      tpu.enqueue_indirect_dma source(%dma_start3A_375 : memref<512x16xf32, #tpu.memory_space<vmem>>) target(%dma_start3A_381 : memref<100096x16xf32, #tpu.memory_space<vmem_shared>>) offsets(%dma_start3A_378 : memref<512xi32, #tpu.memory_space<vmem>>) semaphore(%arg18 : memref<!tpu.dma_semaphore, #tpu.memory_space<semaphore_mem>>) {add = true}
    }
    %scan3A_232 = arith.constant 98 : i32
    %dma_wait3A = arith.constant 0 : i32
    %dma_wait3A_233 = arith.constant 0 : i32
    %dma_wait3A_234 = arith.constant 0 : i32
    %dma_wait3A_235 = tpu.memref_slice %arg13[%dma_wait3A, %dma_wait3A_233, %dma_wait3A_234] : memref<2x512x16xf32, #tpu.memory_space<vmem>> -> memref<1x512x16xf32, #tpu.memory_space<vmem>>
    %dma_wait3A_236 = tpu.memref_squeeze %dma_wait3A_235 : memref<1x512x16xf32, #tpu.memory_space<vmem>> -> memref<512x16xf32, #tpu.memory_space<vmem>>
    %dma_wait3A_237 = arith.constant 0 : i32
    %dma_wait3A_238 = arith.constant 0 : i32
    %dma_wait3A_239 = tpu.memref_slice %arg13[%dma_wait3A, %dma_wait3A_237, %dma_wait3A_238] : memref<2x512x16xf32, #tpu.memory_space<vmem>> -> memref<1x512x16xf32, #tpu.memory_space<vmem>>
    %dma_wait3A_240 = tpu.memref_squeeze %dma_wait3A_239 : memref<1x512x16xf32, #tpu.memory_space<vmem>> -> memref<512x16xf32, #tpu.memory_space<vmem>>
    tpu.wait_dma2 semaphore(%arg17 : memref<!tpu.dma_semaphore, #tpu.memory_space<semaphore_mem>>) src(%arg6 : memref<512x16xf32, #tpu.memory_space<hbm>>) dst(%dma_wait3A_240 : memref<512x16xf32, #tpu.memory_space<vmem>>)
    %dma_wait3A_241 = arith.constant 1 : i32
    %dma_wait3A_242 = arith.constant 0 : i32
    %dma_wait3A_243 = arith.constant 0 : i32
    %dma_wait3A_244 = tpu.memref_slice %arg13[%dma_wait3A_241, %dma_wait3A_242, %dma_wait3A_243] : memref<2x512x16xf32, #tpu.memory_space<vmem>> -> memref<1x512x16xf32, #tpu.memory_space<vmem>>
    %dma_wait3A_245 = tpu.memref_squeeze %dma_wait3A_244 : memref<1x512x16xf32, #tpu.memory_space<vmem>> -> memref<512x16xf32, #tpu.memory_space<vmem>>
    %dma_wait3A_246 = arith.constant 0 : i32
    %dma_wait3A_247 = arith.constant 0 : i32
    %dma_wait3A_248 = tpu.memref_slice %arg13[%dma_wait3A_241, %dma_wait3A_246, %dma_wait3A_247] : memref<2x512x16xf32, #tpu.memory_space<vmem>> -> memref<1x512x16xf32, #tpu.memory_space<vmem>>
    %dma_wait3A_249 = tpu.memref_squeeze %dma_wait3A_248 : memref<1x512x16xf32, #tpu.memory_space<vmem>> -> memref<512x16xf32, #tpu.memory_space<vmem>>
    tpu.wait_dma2 semaphore(%arg18 : memref<!tpu.dma_semaphore, #tpu.memory_space<semaphore_mem>>) src(%arg6 : memref<512x16xf32, #tpu.memory_space<hbm>>) dst(%dma_wait3A_249 : memref<512x16xf32, #tpu.memory_space<vmem>>)
    tpu.wait_dma2 semaphore(%arg21 : memref<!tpu.dma_semaphore, #tpu.memory_space<semaphore_mem>>) src(%arg8 : memref<512xf32, #tpu.memory_space<hbm>>) dst(%arg19 : memref<512xf32, #tpu.memory_space<vmem>>)
    tpu.wait_dma2 semaphore(%arg21 : memref<!tpu.dma_semaphore, #tpu.memory_space<semaphore_mem>>) src(%arg8 : memref<512xf32, #tpu.memory_space<hbm>>) dst(%arg19 : memref<512xf32, #tpu.memory_space<vmem>>)
    %barrier3A_250 = arith.constant 0 : index
    tpu.barrier barrier_id(%barrier3A_250)
    "tpu.region"() ({
      %run_scoped3A = tpu.sem_alloc : memref<!tpu.dma_semaphore, #tpu.memory_space<semaphore_mem>>
      %dma_start3A_254 = arith.constant 0 : i32
      %dma_start3A_255 = tpu.memref_slice %arg9[%arg0, %mul3A_2, %dma_start3A_254] : memref<2x100096x16xf32, #tpu.memory_space<hbm>> -> memref<1x6256x16xf32, #tpu.memory_space<hbm>>
      %dma_start3A_256 = tpu.memref_squeeze %dma_start3A_255 : memref<1x6256x16xf32, #tpu.memory_space<hbm>> -> memref<6256x16xf32, #tpu.memory_space<hbm>>
      %dma_start3A_257 = arith.constant 0 : i32
      %dma_start3A_258 = tpu.memref_slice %arg14[%mul3A_2, %dma_start3A_257] : memref<100096x16xf32, #tpu.memory_space<vmem_shared>> -> memref<6256x16xf32, #tpu.memory_space<vmem_shared>>
      tpu.enqueue_dma source(%dma_start3A_258 : memref<6256x16xf32, #tpu.memory_space<vmem_shared>>) target(%dma_start3A_256 : memref<6256x16xf32, #tpu.memory_space<hbm>>) target_semaphore(%run_scoped3A : memref<!tpu.dma_semaphore, #tpu.memory_space<semaphore_mem>>)
      %dma_wait3A_259 = arith.constant 0 : i32
      %dma_wait3A_260 = tpu.memref_slice %arg9[%arg0, %mul3A_2, %dma_wait3A_259] : memref<2x100096x16xf32, #tpu.memory_space<hbm>> -> memref<1x6256x16xf32, #tpu.memory_space<hbm>>
      %dma_wait3A_261 = tpu.memref_squeeze %dma_wait3A_260 : memref<1x6256x16xf32, #tpu.memory_space<hbm>> -> memref<6256x16xf32, #tpu.memory_space<hbm>>
      %dma_wait3A_262 = arith.constant 0 : i32
      %dma_wait3A_263 = tpu.memref_slice %arg14[%mul3A_2, %dma_wait3A_262] : memref<100096x16xf32, #tpu.memory_space<vmem_shared>> -> memref<6256x16xf32, #tpu.memory_space<vmem_shared>>
      tpu.wait_dma2 semaphore(%run_scoped3A : memref<!tpu.dma_semaphore, #tpu.memory_space<semaphore_mem>>) src(%dma_wait3A_263 : memref<6256x16xf32, #tpu.memory_space<vmem_shared>>) dst(%dma_wait3A_261 : memref<6256x16xf32, #tpu.memory_space<hbm>>)
      tpu.yield
    }) : () -> ()
    %mul3A_251 = arith.constant 100096 : i32
    %mul3A_252 = arith.muli %arg0, %mul3A_251 : i32
    %add3A_253 = arith.addi %mul3A_252, %mul3A_2 : i32
    "tpu.region"() ({
      %run_scoped3A = tpu.sem_alloc : memref<!tpu.dma_semaphore, #tpu.memory_space<semaphore_mem>>
      %dma_start3A_254 = tpu.memref_slice %arg10[%add3A_253] : memref<200192xf32, #tpu.memory_space<hbm>> -> memref<6256xf32, #tpu.memory_space<hbm>>
      %dma_start3A_255 = tpu.memref_slice %arg20[%mul3A_2] : memref<100096xf32, #tpu.memory_space<vmem_shared>> -> memref<6256xf32, #tpu.memory_space<vmem_shared>>
      tpu.enqueue_dma source(%dma_start3A_255 : memref<6256xf32, #tpu.memory_space<vmem_shared>>) target(%dma_start3A_254 : memref<6256xf32, #tpu.memory_space<hbm>>) target_semaphore(%run_scoped3A : memref<!tpu.dma_semaphore, #tpu.memory_space<semaphore_mem>>)
      %dma_wait3A_256 = tpu.memref_slice %arg10[%add3A_253] : memref<200192xf32, #tpu.memory_space<hbm>> -> memref<6256xf32, #tpu.memory_space<hbm>>
      %dma_wait3A_257 = tpu.memref_slice %arg20[%mul3A_2] : memref<100096xf32, #tpu.memory_space<vmem_shared>> -> memref<6256xf32, #tpu.memory_space<vmem_shared>>
      tpu.wait_dma2 semaphore(%run_scoped3A : memref<!tpu.dma_semaphore, #tpu.memory_space<semaphore_mem>>) src(%dma_wait3A_257 : memref<6256xf32, #tpu.memory_space<vmem_shared>>) dst(%dma_wait3A_256 : memref<6256xf32, #tpu.memory_space<hbm>>)
      tpu.yield
    }) : () -> ()
    return
  }
}

#map = affine_map<(d0, d1) -> (0, 0)>
#map1 = affine_map<(d0, d1) -> (0, 0, 0)>
module attributes {stable_mosaic.version = 14 : i64} {
  func.func @body(%arg0: i32, %arg1: i32, %arg2: memref<100000x16xf32, #tpu.memory_space<hbm>>, %arg3: memref<3136x2x512xi32, #tpu.memory_space<hbm>>, %arg4: memref<3136x2x512xi32, #tpu.memory_space<hbm>>, %arg5: memref<100096x16xf32, #tpu.memory_space<hbm>>, %arg6: memref<512x16xf32, #tpu.memory_space<hbm>>, %arg7: memref<2x100096x16xf32, #tpu.memory_space<hbm>>, %arg8: memref<2x2x512xi32, #tpu.memory_space<vmem>>, %arg9: memref<2x2x512xi32, #tpu.memory_space<vmem>>, %arg10: memref<2x512x16xf32, #tpu.memory_space<vmem>>, %arg11: memref<100096x16xf32, #tpu.memory_space<vmem_shared>>, %arg12: memref<!tpu.dma_semaphore, #tpu.memory_space<semaphore_mem>>, %arg13: memref<!tpu.dma_semaphore, #tpu.memory_space<semaphore_mem>>, %arg14: memref<!tpu.dma_semaphore, #tpu.memory_space<semaphore_mem>>, %arg15: memref<!tpu.dma_semaphore, #tpu.memory_space<semaphore_mem>>) attributes {dimension_semantics = [#tpu.dimension_semantics<core_parallel>, #tpu.dimension_semantics<subcore_parallel>], iteration_bounds = array<i64: 2, 16>, scalar_prefetch = 0 : i64, scratch_operands = 8 : i64, tpu.core_type = #tpu.core_type<sc_vector_subcore>, window_params = [{transform_indices = #map}, {transform_indices = #map1}, {transform_indices = #map1}, {transform_indices = #map}, {transform_indices = #map}, {transform_indices = #map1}]} {
    %mul3A = arith.constant 2 : i32
    %mul3A_0 = arith.muli %arg1, %mul3A : i32
    %add3A = arith.addi %mul3A_0, %arg0 : i32
    %mul3A_1 = arith.constant 6256 : i32
    %mul3A_2 = arith.muli %arg1, %mul3A_1 : i32
    "tpu.region"() ({
      %run_scoped3A = tpu.sem_alloc : memref<!tpu.dma_semaphore, #tpu.memory_space<semaphore_mem>>
      %dma_start3A_61 = arith.constant 0 : i32
      %dma_start3A_62 = tpu.memref_slice %arg11[%mul3A_2, %dma_start3A_61] : memref<100096x16xf32, #tpu.memory_space<vmem_shared>> -> memref<6256x16xf32, #tpu.memory_space<vmem_shared>>
      %dma_start3A_63 = arith.constant 0 : i32
      %dma_start3A_64 = tpu.memref_slice %arg5[%mul3A_2, %dma_start3A_63] : memref<100096x16xf32, #tpu.memory_space<hbm>> -> memref<6256x16xf32, #tpu.memory_space<hbm>>
      tpu.enqueue_dma source(%dma_start3A_64 : memref<6256x16xf32, #tpu.memory_space<hbm>>) target(%dma_start3A_62 : memref<6256x16xf32, #tpu.memory_space<vmem_shared>>) target_semaphore(%run_scoped3A : memref<!tpu.dma_semaphore, #tpu.memory_space<semaphore_mem>>)
      %dma_wait3A_65 = arith.constant 0 : i32
      %dma_wait3A_66 = tpu.memref_slice %arg11[%mul3A_2, %dma_wait3A_65] : memref<100096x16xf32, #tpu.memory_space<vmem_shared>> -> memref<6256x16xf32, #tpu.memory_space<vmem_shared>>
      %dma_wait3A_67 = arith.constant 0 : i32
      %dma_wait3A_68 = tpu.memref_slice %arg5[%mul3A_2, %dma_wait3A_67] : memref<100096x16xf32, #tpu.memory_space<hbm>> -> memref<6256x16xf32, #tpu.memory_space<hbm>>
      tpu.wait_dma2 semaphore(%run_scoped3A : memref<!tpu.dma_semaphore, #tpu.memory_space<semaphore_mem>>) src(%dma_wait3A_68 : memref<6256x16xf32, #tpu.memory_space<hbm>>) dst(%dma_wait3A_66 : memref<6256x16xf32, #tpu.memory_space<vmem_shared>>)
      tpu.yield
    }) : () -> ()
    %barrier3A = arith.constant 0 : index
    tpu.barrier barrier_id(%barrier3A)
    %mul3A_3 = arith.constant 98 : i32
    %mul3A_4 = arith.muli %add3A, %mul3A_3 : i32
    %dma_start3A = arith.constant 0 : i32
    %dma_start3A_5 = arith.constant 0 : i32
    %dma_start3A_6 = arith.constant 0 : i32
    %dma_start3A_7 = tpu.memref_slice %arg8[%dma_start3A, %dma_start3A_5, %dma_start3A_6] : memref<2x2x512xi32, #tpu.memory_space<vmem>> -> memref<1x2x512xi32, #tpu.memory_space<vmem>>
    %dma_start3A_8 = tpu.memref_squeeze %dma_start3A_7 : memref<1x2x512xi32, #tpu.memory_space<vmem>> -> memref<2x512xi32, #tpu.memory_space<vmem>>
    %dma_start3A_9 = arith.constant 0 : i32
    %dma_start3A_10 = arith.constant 0 : i32
    %dma_start3A_11 = tpu.memref_slice %arg3[%mul3A_4, %dma_start3A_9, %dma_start3A_10] : memref<3136x2x512xi32, #tpu.memory_space<hbm>> -> memref<1x2x512xi32, #tpu.memory_space<hbm>>
    %dma_start3A_12 = tpu.memref_squeeze %dma_start3A_11 : memref<1x2x512xi32, #tpu.memory_space<hbm>> -> memref<2x512xi32, #tpu.memory_space<hbm>>
    %dma_start3A_13 = arith.constant 0 : i32
    %dma_start3A_14 = arith.constant 0 : i32
    %dma_start3A_15 = tpu.memref_slice %arg8[%dma_start3A, %dma_start3A_13, %dma_start3A_14] : memref<2x2x512xi32, #tpu.memory_space<vmem>> -> memref<1x2x512xi32, #tpu.memory_space<vmem>>
    %dma_start3A_16 = tpu.memref_squeeze %dma_start3A_15 : memref<1x2x512xi32, #tpu.memory_space<vmem>> -> memref<2x512xi32, #tpu.memory_space<vmem>>
    %dma_start3A_17 = arith.constant 0 : i32
    %dma_start3A_18 = arith.constant 0 : i32
    %dma_start3A_19 = tpu.memref_slice %arg3[%mul3A_4, %dma_start3A_17, %dma_start3A_18] : memref<3136x2x512xi32, #tpu.memory_space<hbm>> -> memref<1x2x512xi32, #tpu.memory_space<hbm>>
    %dma_start3A_20 = tpu.memref_squeeze %dma_start3A_19 : memref<1x2x512xi32, #tpu.memory_space<hbm>> -> memref<2x512xi32, #tpu.memory_space<hbm>>
    tpu.enqueue_dma source(%dma_start3A_20 : memref<2x512xi32, #tpu.memory_space<hbm>>) target(%dma_start3A_16 : memref<2x512xi32, #tpu.memory_space<vmem>>) target_semaphore(%arg13 : memref<!tpu.dma_semaphore, #tpu.memory_space<semaphore_mem>>)
    %dma_start3A_21 = arith.constant 0 : i32
    %dma_start3A_22 = arith.constant 0 : i32
    %dma_start3A_23 = arith.constant 0 : i32
    %dma_start3A_24 = tpu.memref_slice %arg9[%dma_start3A_21, %dma_start3A_22, %dma_start3A_23] : memref<2x2x512xi32, #tpu.memory_space<vmem>> -> memref<1x2x512xi32, #tpu.memory_space<vmem>>
    %dma_start3A_25 = tpu.memref_squeeze %dma_start3A_24 : memref<1x2x512xi32, #tpu.memory_space<vmem>> -> memref<2x512xi32, #tpu.memory_space<vmem>>
    %dma_start3A_26 = arith.constant 0 : i32
    %dma_start3A_27 = arith.constant 0 : i32
    %dma_start3A_28 = tpu.memref_slice %arg4[%mul3A_4, %dma_start3A_26, %dma_start3A_27] : memref<3136x2x512xi32, #tpu.memory_space<hbm>> -> memref<1x2x512xi32, #tpu.memory_space<hbm>>
    %dma_start3A_29 = tpu.memref_squeeze %dma_start3A_28 : memref<1x2x512xi32, #tpu.memory_space<hbm>> -> memref<2x512xi32, #tpu.memory_space<hbm>>
    %dma_start3A_30 = arith.constant 0 : i32
    %dma_start3A_31 = arith.constant 0 : i32
    %dma_start3A_32 = tpu.memref_slice %arg9[%dma_start3A_21, %dma_start3A_30, %dma_start3A_31] : memref<2x2x512xi32, #tpu.memory_space<vmem>> -> memref<1x2x512xi32, #tpu.memory_space<vmem>>
    %dma_start3A_33 = tpu.memref_squeeze %dma_start3A_32 : memref<1x2x512xi32, #tpu.memory_space<vmem>> -> memref<2x512xi32, #tpu.memory_space<vmem>>
    %dma_start3A_34 = arith.constant 0 : i32
    %dma_start3A_35 = arith.constant 0 : i32
    %dma_start3A_36 = tpu.memref_slice %arg4[%mul3A_4, %dma_start3A_34, %dma_start3A_35] : memref<3136x2x512xi32, #tpu.memory_space<hbm>> -> memref<1x2x512xi32, #tpu.memory_space<hbm>>
    %dma_start3A_37 = tpu.memref_squeeze %dma_start3A_36 : memref<1x2x512xi32, #tpu.memory_space<hbm>> -> memref<2x512xi32, #tpu.memory_space<hbm>>
    tpu.enqueue_dma source(%dma_start3A_37 : memref<2x512xi32, #tpu.memory_space<hbm>>) target(%dma_start3A_33 : memref<2x512xi32, #tpu.memory_space<vmem>>) target_semaphore(%arg13 : memref<!tpu.dma_semaphore, #tpu.memory_space<semaphore_mem>>)
    %scan3A = arith.constant 0 : i32
    %scan3A_38 = arith.constant 0 : i32
    %scan3A_39 = arith.constant 98 : i32
    %scan3A_40 = arith.addi %scan3A_38, %scan3A_39 : i32
    %scan3A_41 = arith.constant 1 : i32
    scf.for %scan3A_61 = %scan3A_38 to %scan3A_40 step %scan3A_41  : i32 {
      %rem3A = arith.constant 2 : i32
      %rem3A_62 = arith.remsi %scan3A_61, %rem3A : i32
      %dma_wait3A_63 = arith.constant 0 : i32
      %dma_wait3A_64 = arith.constant 0 : i32
      %dma_wait3A_65 = arith.constant 0 : i32
      %dma_wait3A_66 = tpu.memref_slice %arg8[%rem3A_62, %dma_wait3A_64, %dma_wait3A_65] : memref<2x2x512xi32, #tpu.memory_space<vmem>> -> memref<1x2x512xi32, #tpu.memory_space<vmem>>
      %dma_wait3A_67 = tpu.memref_squeeze %dma_wait3A_66 : memref<1x2x512xi32, #tpu.memory_space<vmem>> -> memref<2x512xi32, #tpu.memory_space<vmem>>
      %dma_wait3A_68 = arith.constant 0 : i32
      %dma_wait3A_69 = arith.constant 0 : i32
      %dma_wait3A_70 = tpu.memref_slice %arg3[%dma_wait3A_63, %dma_wait3A_68, %dma_wait3A_69] : memref<3136x2x512xi32, #tpu.memory_space<hbm>> -> memref<1x2x512xi32, #tpu.memory_space<hbm>>
      %dma_wait3A_71 = tpu.memref_squeeze %dma_wait3A_70 : memref<1x2x512xi32, #tpu.memory_space<hbm>> -> memref<2x512xi32, #tpu.memory_space<hbm>>
      %dma_wait3A_72 = arith.constant 0 : i32
      %dma_wait3A_73 = arith.constant 0 : i32
      %dma_wait3A_74 = tpu.memref_slice %arg8[%rem3A_62, %dma_wait3A_72, %dma_wait3A_73] : memref<2x2x512xi32, #tpu.memory_space<vmem>> -> memref<1x2x512xi32, #tpu.memory_space<vmem>>
      %dma_wait3A_75 = tpu.memref_squeeze %dma_wait3A_74 : memref<1x2x512xi32, #tpu.memory_space<vmem>> -> memref<2x512xi32, #tpu.memory_space<vmem>>
      %dma_wait3A_76 = arith.constant 0 : i32
      %dma_wait3A_77 = arith.constant 0 : i32
      %dma_wait3A_78 = tpu.memref_slice %arg3[%dma_wait3A_63, %dma_wait3A_76, %dma_wait3A_77] : memref<3136x2x512xi32, #tpu.memory_space<hbm>> -> memref<1x2x512xi32, #tpu.memory_space<hbm>>
      %dma_wait3A_79 = tpu.memref_squeeze %dma_wait3A_78 : memref<1x2x512xi32, #tpu.memory_space<hbm>> -> memref<2x512xi32, #tpu.memory_space<hbm>>
      tpu.wait_dma2 semaphore(%arg13 : memref<!tpu.dma_semaphore, #tpu.memory_space<semaphore_mem>>) src(%dma_wait3A_79 : memref<2x512xi32, #tpu.memory_space<hbm>>) dst(%dma_wait3A_75 : memref<2x512xi32, #tpu.memory_space<vmem>>)
      %dma_wait3A_80 = arith.constant 0 : i32
      %dma_wait3A_81 = arith.constant 0 : i32
      %dma_wait3A_82 = arith.constant 0 : i32
      %dma_wait3A_83 = tpu.memref_slice %arg9[%rem3A_62, %dma_wait3A_81, %dma_wait3A_82] : memref<2x2x512xi32, #tpu.memory_space<vmem>> -> memref<1x2x512xi32, #tpu.memory_space<vmem>>
      %dma_wait3A_84 = tpu.memref_squeeze %dma_wait3A_83 : memref<1x2x512xi32, #tpu.memory_space<vmem>> -> memref<2x512xi32, #tpu.memory_space<vmem>>
      %dma_wait3A_85 = arith.constant 0 : i32
      %dma_wait3A_86 = arith.constant 0 : i32
      %dma_wait3A_87 = tpu.memref_slice %arg4[%dma_wait3A_80, %dma_wait3A_85, %dma_wait3A_86] : memref<3136x2x512xi32, #tpu.memory_space<hbm>> -> memref<1x2x512xi32, #tpu.memory_space<hbm>>
      %dma_wait3A_88 = tpu.memref_squeeze %dma_wait3A_87 : memref<1x2x512xi32, #tpu.memory_space<hbm>> -> memref<2x512xi32, #tpu.memory_space<hbm>>
      %dma_wait3A_89 = arith.constant 0 : i32
      %dma_wait3A_90 = arith.constant 0 : i32
      %dma_wait3A_91 = tpu.memref_slice %arg9[%rem3A_62, %dma_wait3A_89, %dma_wait3A_90] : memref<2x2x512xi32, #tpu.memory_space<vmem>> -> memref<1x2x512xi32, #tpu.memory_space<vmem>>
      %dma_wait3A_92 = tpu.memref_squeeze %dma_wait3A_91 : memref<1x2x512xi32, #tpu.memory_space<vmem>> -> memref<2x512xi32, #tpu.memory_space<vmem>>
      %dma_wait3A_93 = arith.constant 0 : i32
      %dma_wait3A_94 = arith.constant 0 : i32
      %dma_wait3A_95 = tpu.memref_slice %arg4[%dma_wait3A_80, %dma_wait3A_93, %dma_wait3A_94] : memref<3136x2x512xi32, #tpu.memory_space<hbm>> -> memref<1x2x512xi32, #tpu.memory_space<hbm>>
      %dma_wait3A_96 = tpu.memref_squeeze %dma_wait3A_95 : memref<1x2x512xi32, #tpu.memory_space<hbm>> -> memref<2x512xi32, #tpu.memory_space<hbm>>
      tpu.wait_dma2 semaphore(%arg13 : memref<!tpu.dma_semaphore, #tpu.memory_space<semaphore_mem>>) src(%dma_wait3A_96 : memref<2x512xi32, #tpu.memory_space<hbm>>) dst(%dma_wait3A_92 : memref<2x512xi32, #tpu.memory_space<vmem>>)
      %add3A_97 = arith.constant 1 : i32
      %add3A_98 = arith.addi %scan3A_61, %add3A_97 : i32
      %lt3A = arith.constant 98 : i32
      %lt3A_99 = arith.cmpi slt, %add3A_98, %lt3A : i32
      %convert_element_type3A = arith.extui %lt3A_99 : i1 to i32
      %cond3A = arith.constant 0 : i32
      %cond3A_100 = arith.cmpi ne, %convert_element_type3A, %cond3A : i32
      scf.if %cond3A_100 {
        %add3A_177 = arith.addi %mul3A_4, %scan3A_61 : i32
        %add3A_178 = arith.constant 1 : i32
        %add3A_179 = arith.addi %add3A_177, %add3A_178 : i32
        %sub3A = arith.constant 1 : i32
        %sub3A_180 = arith.subi %sub3A, %rem3A_62 : i32
        %dma_start3A_181 = arith.constant 0 : i32
        %dma_start3A_182 = arith.constant 0 : i32
        %dma_start3A_183 = tpu.memref_slice %arg8[%sub3A_180, %dma_start3A_181, %dma_start3A_182] : memref<2x2x512xi32, #tpu.memory_space<vmem>> -> memref<1x2x512xi32, #tpu.memory_space<vmem>>
        %dma_start3A_184 = tpu.memref_squeeze %dma_start3A_183 : memref<1x2x512xi32, #tpu.memory_space<vmem>> -> memref<2x512xi32, #tpu.memory_space<vmem>>
        %dma_start3A_185 = arith.constant 0 : i32
        %dma_start3A_186 = arith.constant 0 : i32
        %dma_start3A_187 = tpu.memref_slice %arg3[%add3A_179, %dma_start3A_185, %dma_start3A_186] : memref<3136x2x512xi32, #tpu.memory_space<hbm>> -> memref<1x2x512xi32, #tpu.memory_space<hbm>>
        %dma_start3A_188 = tpu.memref_squeeze %dma_start3A_187 : memref<1x2x512xi32, #tpu.memory_space<hbm>> -> memref<2x512xi32, #tpu.memory_space<hbm>>
        %dma_start3A_189 = arith.constant 0 : i32
        %dma_start3A_190 = arith.constant 0 : i32
        %dma_start3A_191 = tpu.memref_slice %arg8[%sub3A_180, %dma_start3A_189, %dma_start3A_190] : memref<2x2x512xi32, #tpu.memory_space<vmem>> -> memref<1x2x512xi32, #tpu.memory_space<vmem>>
        %dma_start3A_192 = tpu.memref_squeeze %dma_start3A_191 : memref<1x2x512xi32, #tpu.memory_space<vmem>> -> memref<2x512xi32, #tpu.memory_space<vmem>>
        %dma_start3A_193 = arith.constant 0 : i32
        %dma_start3A_194 = arith.constant 0 : i32
        %dma_start3A_195 = tpu.memref_slice %arg3[%add3A_179, %dma_start3A_193, %dma_start3A_194] : memref<3136x2x512xi32, #tpu.memory_space<hbm>> -> memref<1x2x512xi32, #tpu.memory_space<hbm>>
        %dma_start3A_196 = tpu.memref_squeeze %dma_start3A_195 : memref<1x2x512xi32, #tpu.memory_space<hbm>> -> memref<2x512xi32, #tpu.memory_space<hbm>>
        tpu.enqueue_dma source(%dma_start3A_196 : memref<2x512xi32, #tpu.memory_space<hbm>>) target(%dma_start3A_192 : memref<2x512xi32, #tpu.memory_space<vmem>>) target_semaphore(%arg13 : memref<!tpu.dma_semaphore, #tpu.memory_space<semaphore_mem>>)
        %add3A_197 = arith.addi %mul3A_4, %scan3A_61 : i32
        %add3A_198 = arith.constant 1 : i32
        %add3A_199 = arith.addi %add3A_197, %add3A_198 : i32
        %sub3A_200 = arith.constant 1 : i32
        %sub3A_201 = arith.subi %sub3A_200, %rem3A_62 : i32
        %dma_start3A_202 = arith.constant 0 : i32
        %dma_start3A_203 = arith.constant 0 : i32
        %dma_start3A_204 = tpu.memref_slice %arg9[%sub3A_201, %dma_start3A_202, %dma_start3A_203] : memref<2x2x512xi32, #tpu.memory_space<vmem>> -> memref<1x2x512xi32, #tpu.memory_space<vmem>>
        %dma_start3A_205 = tpu.memref_squeeze %dma_start3A_204 : memref<1x2x512xi32, #tpu.memory_space<vmem>> -> memref<2x512xi32, #tpu.memory_space<vmem>>
        %dma_start3A_206 = arith.constant 0 : i32
        %dma_start3A_207 = arith.constant 0 : i32
        %dma_start3A_208 = tpu.memref_slice %arg4[%add3A_199, %dma_start3A_206, %dma_start3A_207] : memref<3136x2x512xi32, #tpu.memory_space<hbm>> -> memref<1x2x512xi32, #tpu.memory_space<hbm>>
        %dma_start3A_209 = tpu.memref_squeeze %dma_start3A_208 : memref<1x2x512xi32, #tpu.memory_space<hbm>> -> memref<2x512xi32, #tpu.memory_space<hbm>>
        %dma_start3A_210 = arith.constant 0 : i32
        %dma_start3A_211 = arith.constant 0 : i32
        %dma_start3A_212 = tpu.memref_slice %arg9[%sub3A_201, %dma_start3A_210, %dma_start3A_211] : memref<2x2x512xi32, #tpu.memory_space<vmem>> -> memref<1x2x512xi32, #tpu.memory_space<vmem>>
        %dma_start3A_213 = tpu.memref_squeeze %dma_start3A_212 : memref<1x2x512xi32, #tpu.memory_space<vmem>> -> memref<2x512xi32, #tpu.memory_space<vmem>>
        %dma_start3A_214 = arith.constant 0 : i32
        %dma_start3A_215 = arith.constant 0 : i32
        %dma_start3A_216 = tpu.memref_slice %arg4[%add3A_199, %dma_start3A_214, %dma_start3A_215] : memref<3136x2x512xi32, #tpu.memory_space<hbm>> -> memref<1x2x512xi32, #tpu.memory_space<hbm>>
        %dma_start3A_217 = tpu.memref_squeeze %dma_start3A_216 : memref<1x2x512xi32, #tpu.memory_space<hbm>> -> memref<2x512xi32, #tpu.memory_space<hbm>>
        tpu.enqueue_dma source(%dma_start3A_217 : memref<2x512xi32, #tpu.memory_space<hbm>>) target(%dma_start3A_213 : memref<2x512xi32, #tpu.memory_space<vmem>>) target_semaphore(%arg13 : memref<!tpu.dma_semaphore, #tpu.memory_space<semaphore_mem>>)
      } else {
      }
      %gt3A = arith.constant 0 : i32
      %gt3A_101 = arith.cmpi sgt, %scan3A_61, %gt3A : i32
      %convert_element_type3A_102 = arith.extui %gt3A_101 : i1 to i32
      %cond3A_103 = arith.constant 0 : i32
      %cond3A_104 = arith.cmpi ne, %convert_element_type3A_102, %cond3A_103 : i32
      scf.if %cond3A_104 {
        %dma_wait3A_177 = arith.constant 0 : i32
        %dma_wait3A_178 = arith.constant 0 : i32
        %dma_wait3A_179 = arith.constant 0 : i32
        %dma_wait3A_180 = tpu.memref_slice %arg10[%dma_wait3A_177, %dma_wait3A_178, %dma_wait3A_179] : memref<2x512x16xf32, #tpu.memory_space<vmem>> -> memref<1x512x16xf32, #tpu.memory_space<vmem>>
        %dma_wait3A_181 = tpu.memref_squeeze %dma_wait3A_180 : memref<1x512x16xf32, #tpu.memory_space<vmem>> -> memref<512x16xf32, #tpu.memory_space<vmem>>
        %dma_wait3A_182 = arith.constant 0 : i32
        %dma_wait3A_183 = arith.constant 0 : i32
        %dma_wait3A_184 = tpu.memref_slice %arg10[%dma_wait3A_177, %dma_wait3A_182, %dma_wait3A_183] : memref<2x512x16xf32, #tpu.memory_space<vmem>> -> memref<1x512x16xf32, #tpu.memory_space<vmem>>
        %dma_wait3A_185 = tpu.memref_squeeze %dma_wait3A_184 : memref<1x512x16xf32, #tpu.memory_space<vmem>> -> memref<512x16xf32, #tpu.memory_space<vmem>>
        tpu.wait_dma2 semaphore(%arg14 : memref<!tpu.dma_semaphore, #tpu.memory_space<semaphore_mem>>) src(%arg6 : memref<512x16xf32, #tpu.memory_space<hbm>>) dst(%dma_wait3A_185 : memref<512x16xf32, #tpu.memory_space<vmem>>)
        %dma_wait3A_186 = arith.constant 1 : i32
        %dma_wait3A_187 = arith.constant 0 : i32
        %dma_wait3A_188 = arith.constant 0 : i32
        %dma_wait3A_189 = tpu.memref_slice %arg10[%dma_wait3A_186, %dma_wait3A_187, %dma_wait3A_188] : memref<2x512x16xf32, #tpu.memory_space<vmem>> -> memref<1x512x16xf32, #tpu.memory_space<vmem>>
        %dma_wait3A_190 = tpu.memref_squeeze %dma_wait3A_189 : memref<1x512x16xf32, #tpu.memory_space<vmem>> -> memref<512x16xf32, #tpu.memory_space<vmem>>
        %dma_wait3A_191 = arith.constant 0 : i32
        %dma_wait3A_192 = arith.constant 0 : i32
        %dma_wait3A_193 = tpu.memref_slice %arg10[%dma_wait3A_186, %dma_wait3A_191, %dma_wait3A_192] : memref<2x512x16xf32, #tpu.memory_space<vmem>> -> memref<1x512x16xf32, #tpu.memory_space<vmem>>
        %dma_wait3A_194 = tpu.memref_squeeze %dma_wait3A_193 : memref<1x512x16xf32, #tpu.memory_space<vmem>> -> memref<512x16xf32, #tpu.memory_space<vmem>>
        tpu.wait_dma2 semaphore(%arg15 : memref<!tpu.dma_semaphore, #tpu.memory_space<semaphore_mem>>) src(%arg6 : memref<512x16xf32, #tpu.memory_space<hbm>>) dst(%dma_wait3A_194 : memref<512x16xf32, #tpu.memory_space<vmem>>)
      } else {
      }
      %dma_start3A_105 = arith.constant 0 : i32
      %dma_start3A_106 = arith.constant 0 : i32
      %dma_start3A_107 = arith.constant 0 : i32
      %dma_start3A_108 = arith.constant 0 : i32
      %dma_start3A_109 = tpu.memref_slice %arg10[%dma_start3A_106, %dma_start3A_107, %dma_start3A_108] : memref<2x512x16xf32, #tpu.memory_space<vmem>> -> memref<1x512x16xf32, #tpu.memory_space<vmem>>
      %dma_start3A_110 = tpu.memref_squeeze %dma_start3A_109 : memref<1x512x16xf32, #tpu.memory_space<vmem>> -> memref<512x16xf32, #tpu.memory_space<vmem>>
      %dma_start3A_111 = arith.constant 0 : i32
      %dma_start3A_112 = tpu.memref_slice %arg8[%rem3A_62, %dma_start3A_105, %dma_start3A_111] : memref<2x2x512xi32, #tpu.memory_space<vmem>> -> memref<1x1x512xi32, #tpu.memory_space<vmem>>
      %dma_start3A_113 = tpu.memref_squeeze %dma_start3A_112 : memref<1x1x512xi32, #tpu.memory_space<vmem>> -> memref<512xi32, #tpu.memory_space<vmem>>
      %dma_start3A_114 = arith.constant 0 : i32
      %dma_start3A_115 = arith.constant 0 : i32
      %dma_start3A_116 = tpu.memref_slice %arg2[%dma_start3A_114, %dma_start3A_115] : memref<100000x16xf32, #tpu.memory_space<hbm>> -> memref<100000x16xf32, #tpu.memory_space<hbm>>
      tpu.enqueue_indirect_dma source(%dma_start3A_116 : memref<100000x16xf32, #tpu.memory_space<hbm>>) target(%dma_start3A_110 : memref<512x16xf32, #tpu.memory_space<vmem>>) offsets(%dma_start3A_113 : memref<512xi32, #tpu.memory_space<vmem>>) semaphore(%arg12 : memref<!tpu.dma_semaphore, #tpu.memory_space<semaphore_mem>>)
      %dma_wait3A_117 = arith.constant 0 : i32
      %dma_wait3A_118 = arith.constant 0 : i32
      %dma_wait3A_119 = arith.constant 0 : i32
      %dma_wait3A_120 = arith.constant 0 : i32
      %dma_wait3A_121 = tpu.memref_slice %arg10[%dma_wait3A_118, %dma_wait3A_119, %dma_wait3A_120] : memref<2x512x16xf32, #tpu.memory_space<vmem>> -> memref<1x512x16xf32, #tpu.memory_space<vmem>>
      %dma_wait3A_122 = tpu.memref_squeeze %dma_wait3A_121 : memref<1x512x16xf32, #tpu.memory_space<vmem>> -> memref<512x16xf32, #tpu.memory_space<vmem>>
      %dma_wait3A_123 = arith.constant 0 : i32
      %dma_wait3A_124 = tpu.memref_slice %arg8[%rem3A_62, %dma_wait3A_117, %dma_wait3A_123] : memref<2x2x512xi32, #tpu.memory_space<vmem>> -> memref<1x1x512xi32, #tpu.memory_space<vmem>>
      %dma_wait3A_125 = tpu.memref_squeeze %dma_wait3A_124 : memref<1x1x512xi32, #tpu.memory_space<vmem>> -> memref<512xi32, #tpu.memory_space<vmem>>
      %dma_wait3A_126 = arith.constant 0 : i32
      %dma_wait3A_127 = arith.constant 0 : i32
      %dma_wait3A_128 = tpu.memref_slice %arg2[%dma_wait3A_126, %dma_wait3A_127] : memref<100000x16xf32, #tpu.memory_space<hbm>> -> memref<100000x16xf32, #tpu.memory_space<hbm>>
      tpu.wait_indirect_dma semaphore(%arg12 : memref<!tpu.dma_semaphore, #tpu.memory_space<semaphore_mem>>) src(%dma_wait3A_128 : memref<100000x16xf32, #tpu.memory_space<hbm>>) dst(%dma_wait3A_122 : memref<512x16xf32, #tpu.memory_space<vmem>>)
      %dma_start3A_129 = arith.constant 0 : i32
      %dma_start3A_130 = arith.constant 0 : i32
      %dma_start3A_131 = arith.constant 0 : i32
      %dma_start3A_132 = arith.constant 0 : i32
      %dma_start3A_133 = tpu.memref_slice %arg10[%dma_start3A_129, %dma_start3A_131, %dma_start3A_132] : memref<2x512x16xf32, #tpu.memory_space<vmem>> -> memref<1x512x16xf32, #tpu.memory_space<vmem>>
      %dma_start3A_134 = tpu.memref_squeeze %dma_start3A_133 : memref<1x512x16xf32, #tpu.memory_space<vmem>> -> memref<512x16xf32, #tpu.memory_space<vmem>>
      %dma_start3A_135 = arith.constant 0 : i32
      %dma_start3A_136 = tpu.memref_slice %arg9[%rem3A_62, %dma_start3A_130, %dma_start3A_135] : memref<2x2x512xi32, #tpu.memory_space<vmem>> -> memref<1x1x512xi32, #tpu.memory_space<vmem>>
      %dma_start3A_137 = tpu.memref_squeeze %dma_start3A_136 : memref<1x1x512xi32, #tpu.memory_space<vmem>> -> memref<512xi32, #tpu.memory_space<vmem>>
      %dma_start3A_138 = arith.constant 0 : i32
      %dma_start3A_139 = arith.constant 0 : i32
      %dma_start3A_140 = tpu.memref_slice %arg11[%dma_start3A_138, %dma_start3A_139] : memref<100096x16xf32, #tpu.memory_space<vmem_shared>> -> memref<100096x16xf32, #tpu.memory_space<vmem_shared>>
      tpu.enqueue_indirect_dma source(%dma_start3A_134 : memref<512x16xf32, #tpu.memory_space<vmem>>) target(%dma_start3A_140 : memref<100096x16xf32, #tpu.memory_space<vmem_shared>>) offsets(%dma_start3A_137 : memref<512xi32, #tpu.memory_space<vmem>>) semaphore(%arg14 : memref<!tpu.dma_semaphore, #tpu.memory_space<semaphore_mem>>) {add = true}
      %dma_start3A_141 = arith.constant 1 : i32
      %dma_start3A_142 = arith.constant 1 : i32
      %dma_start3A_143 = arith.constant 0 : i32
      %dma_start3A_144 = arith.constant 0 : i32
      %dma_start3A_145 = tpu.memref_slice %arg10[%dma_start3A_142, %dma_start3A_143, %dma_start3A_144] : memref<2x512x16xf32, #tpu.memory_space<vmem>> -> memref<1x512x16xf32, #tpu.memory_space<vmem>>
      %dma_start3A_146 = tpu.memref_squeeze %dma_start3A_145 : memref<1x512x16xf32, #tpu.memory_space<vmem>> -> memref<512x16xf32, #tpu.memory_space<vmem>>
      %dma_start3A_147 = arith.constant 0 : i32
      %dma_start3A_148 = tpu.memref_slice %arg8[%rem3A_62, %dma_start3A_141, %dma_start3A_147] : memref<2x2x512xi32, #tpu.memory_space<vmem>> -> memref<1x1x512xi32, #tpu.memory_space<vmem>>
      %dma_start3A_149 = tpu.memref_squeeze %dma_start3A_148 : memref<1x1x512xi32, #tpu.memory_space<vmem>> -> memref<512xi32, #tpu.memory_space<vmem>>
      %dma_start3A_150 = arith.constant 0 : i32
      %dma_start3A_151 = arith.constant 0 : i32
      %dma_start3A_152 = tpu.memref_slice %arg2[%dma_start3A_150, %dma_start3A_151] : memref<100000x16xf32, #tpu.memory_space<hbm>> -> memref<100000x16xf32, #tpu.memory_space<hbm>>
      tpu.enqueue_indirect_dma source(%dma_start3A_152 : memref<100000x16xf32, #tpu.memory_space<hbm>>) target(%dma_start3A_146 : memref<512x16xf32, #tpu.memory_space<vmem>>) offsets(%dma_start3A_149 : memref<512xi32, #tpu.memory_space<vmem>>) semaphore(%arg12 : memref<!tpu.dma_semaphore, #tpu.memory_space<semaphore_mem>>)
      %dma_wait3A_153 = arith.constant 1 : i32
      %dma_wait3A_154 = arith.constant 1 : i32
      %dma_wait3A_155 = arith.constant 0 : i32
      %dma_wait3A_156 = arith.constant 0 : i32
      %dma_wait3A_157 = tpu.memref_slice %arg10[%dma_wait3A_154, %dma_wait3A_155, %dma_wait3A_156] : memref<2x512x16xf32, #tpu.memory_space<vmem>> -> memref<1x512x16xf32, #tpu.memory_space<vmem>>
      %dma_wait3A_158 = tpu.memref_squeeze %dma_wait3A_157 : memref<1x512x16xf32, #tpu.memory_space<vmem>> -> memref<512x16xf32, #tpu.memory_space<vmem>>
      %dma_wait3A_159 = arith.constant 0 : i32
      %dma_wait3A_160 = tpu.memref_slice %arg8[%rem3A_62, %dma_wait3A_153, %dma_wait3A_159] : memref<2x2x512xi32, #tpu.memory_space<vmem>> -> memref<1x1x512xi32, #tpu.memory_space<vmem>>
      %dma_wait3A_161 = tpu.memref_squeeze %dma_wait3A_160 : memref<1x1x512xi32, #tpu.memory_space<vmem>> -> memref<512xi32, #tpu.memory_space<vmem>>
      %dma_wait3A_162 = arith.constant 0 : i32
      %dma_wait3A_163 = arith.constant 0 : i32
      %dma_wait3A_164 = tpu.memref_slice %arg2[%dma_wait3A_162, %dma_wait3A_163] : memref<100000x16xf32, #tpu.memory_space<hbm>> -> memref<100000x16xf32, #tpu.memory_space<hbm>>
      tpu.wait_indirect_dma semaphore(%arg12 : memref<!tpu.dma_semaphore, #tpu.memory_space<semaphore_mem>>) src(%dma_wait3A_164 : memref<100000x16xf32, #tpu.memory_space<hbm>>) dst(%dma_wait3A_158 : memref<512x16xf32, #tpu.memory_space<vmem>>)
      %dma_start3A_165 = arith.constant 1 : i32
      %dma_start3A_166 = arith.constant 1 : i32
      %dma_start3A_167 = arith.constant 0 : i32
      %dma_start3A_168 = arith.constant 0 : i32
      %dma_start3A_169 = tpu.memref_slice %arg10[%dma_start3A_165, %dma_start3A_167, %dma_start3A_168] : memref<2x512x16xf32, #tpu.memory_space<vmem>> -> memref<1x512x16xf32, #tpu.memory_space<vmem>>
      %dma_start3A_170 = tpu.memref_squeeze %dma_start3A_169 : memref<1x512x16xf32, #tpu.memory_space<vmem>> -> memref<512x16xf32, #tpu.memory_space<vmem>>
      %dma_start3A_171 = arith.constant 0 : i32
      %dma_start3A_172 = tpu.memref_slice %arg9[%rem3A_62, %dma_start3A_166, %dma_start3A_171] : memref<2x2x512xi32, #tpu.memory_space<vmem>> -> memref<1x1x512xi32, #tpu.memory_space<vmem>>
      %dma_start3A_173 = tpu.memref_squeeze %dma_start3A_172 : memref<1x1x512xi32, #tpu.memory_space<vmem>> -> memref<512xi32, #tpu.memory_space<vmem>>
      %dma_start3A_174 = arith.constant 0 : i32
      %dma_start3A_175 = arith.constant 0 : i32
      %dma_start3A_176 = tpu.memref_slice %arg11[%dma_start3A_174, %dma_start3A_175] : memref<100096x16xf32, #tpu.memory_space<vmem_shared>> -> memref<100096x16xf32, #tpu.memory_space<vmem_shared>>
      tpu.enqueue_indirect_dma source(%dma_start3A_170 : memref<512x16xf32, #tpu.memory_space<vmem>>) target(%dma_start3A_176 : memref<100096x16xf32, #tpu.memory_space<vmem_shared>>) offsets(%dma_start3A_173 : memref<512xi32, #tpu.memory_space<vmem>>) semaphore(%arg15 : memref<!tpu.dma_semaphore, #tpu.memory_space<semaphore_mem>>) {add = true}
    }
    %scan3A_42 = arith.constant 98 : i32
    %dma_wait3A = arith.constant 0 : i32
    %dma_wait3A_43 = arith.constant 0 : i32
    %dma_wait3A_44 = arith.constant 0 : i32
    %dma_wait3A_45 = tpu.memref_slice %arg10[%dma_wait3A, %dma_wait3A_43, %dma_wait3A_44] : memref<2x512x16xf32, #tpu.memory_space<vmem>> -> memref<1x512x16xf32, #tpu.memory_space<vmem>>
    %dma_wait3A_46 = tpu.memref_squeeze %dma_wait3A_45 : memref<1x512x16xf32, #tpu.memory_space<vmem>> -> memref<512x16xf32, #tpu.memory_space<vmem>>
    %dma_wait3A_47 = arith.constant 0 : i32
    %dma_wait3A_48 = arith.constant 0 : i32
    %dma_wait3A_49 = tpu.memref_slice %arg10[%dma_wait3A, %dma_wait3A_47, %dma_wait3A_48] : memref<2x512x16xf32, #tpu.memory_space<vmem>> -> memref<1x512x16xf32, #tpu.memory_space<vmem>>
    %dma_wait3A_50 = tpu.memref_squeeze %dma_wait3A_49 : memref<1x512x16xf32, #tpu.memory_space<vmem>> -> memref<512x16xf32, #tpu.memory_space<vmem>>
    tpu.wait_dma2 semaphore(%arg14 : memref<!tpu.dma_semaphore, #tpu.memory_space<semaphore_mem>>) src(%arg6 : memref<512x16xf32, #tpu.memory_space<hbm>>) dst(%dma_wait3A_50 : memref<512x16xf32, #tpu.memory_space<vmem>>)
    %dma_wait3A_51 = arith.constant 1 : i32
    %dma_wait3A_52 = arith.constant 0 : i32
    %dma_wait3A_53 = arith.constant 0 : i32
    %dma_wait3A_54 = tpu.memref_slice %arg10[%dma_wait3A_51, %dma_wait3A_52, %dma_wait3A_53] : memref<2x512x16xf32, #tpu.memory_space<vmem>> -> memref<1x512x16xf32, #tpu.memory_space<vmem>>
    %dma_wait3A_55 = tpu.memref_squeeze %dma_wait3A_54 : memref<1x512x16xf32, #tpu.memory_space<vmem>> -> memref<512x16xf32, #tpu.memory_space<vmem>>
    %dma_wait3A_56 = arith.constant 0 : i32
    %dma_wait3A_57 = arith.constant 0 : i32
    %dma_wait3A_58 = tpu.memref_slice %arg10[%dma_wait3A_51, %dma_wait3A_56, %dma_wait3A_57] : memref<2x512x16xf32, #tpu.memory_space<vmem>> -> memref<1x512x16xf32, #tpu.memory_space<vmem>>
    %dma_wait3A_59 = tpu.memref_squeeze %dma_wait3A_58 : memref<1x512x16xf32, #tpu.memory_space<vmem>> -> memref<512x16xf32, #tpu.memory_space<vmem>>
    tpu.wait_dma2 semaphore(%arg15 : memref<!tpu.dma_semaphore, #tpu.memory_space<semaphore_mem>>) src(%arg6 : memref<512x16xf32, #tpu.memory_space<hbm>>) dst(%dma_wait3A_59 : memref<512x16xf32, #tpu.memory_space<vmem>>)
    %barrier3A_60 = arith.constant 0 : index
    tpu.barrier barrier_id(%barrier3A_60)
    "tpu.region"() ({
      %run_scoped3A = tpu.sem_alloc : memref<!tpu.dma_semaphore, #tpu.memory_space<semaphore_mem>>
      %dma_start3A_61 = arith.constant 0 : i32
      %dma_start3A_62 = tpu.memref_slice %arg7[%arg0, %mul3A_2, %dma_start3A_61] : memref<2x100096x16xf32, #tpu.memory_space<hbm>> -> memref<1x6256x16xf32, #tpu.memory_space<hbm>>
      %dma_start3A_63 = tpu.memref_squeeze %dma_start3A_62 : memref<1x6256x16xf32, #tpu.memory_space<hbm>> -> memref<6256x16xf32, #tpu.memory_space<hbm>>
      %dma_start3A_64 = arith.constant 0 : i32
      %dma_start3A_65 = tpu.memref_slice %arg11[%mul3A_2, %dma_start3A_64] : memref<100096x16xf32, #tpu.memory_space<vmem_shared>> -> memref<6256x16xf32, #tpu.memory_space<vmem_shared>>
      tpu.enqueue_dma source(%dma_start3A_65 : memref<6256x16xf32, #tpu.memory_space<vmem_shared>>) target(%dma_start3A_63 : memref<6256x16xf32, #tpu.memory_space<hbm>>) target_semaphore(%run_scoped3A : memref<!tpu.dma_semaphore, #tpu.memory_space<semaphore_mem>>)
      %dma_wait3A_66 = arith.constant 0 : i32
      %dma_wait3A_67 = tpu.memref_slice %arg7[%arg0, %mul3A_2, %dma_wait3A_66] : memref<2x100096x16xf32, #tpu.memory_space<hbm>> -> memref<1x6256x16xf32, #tpu.memory_space<hbm>>
      %dma_wait3A_68 = tpu.memref_squeeze %dma_wait3A_67 : memref<1x6256x16xf32, #tpu.memory_space<hbm>> -> memref<6256x16xf32, #tpu.memory_space<hbm>>
      %dma_wait3A_69 = arith.constant 0 : i32
      %dma_wait3A_70 = tpu.memref_slice %arg11[%mul3A_2, %dma_wait3A_69] : memref<100096x16xf32, #tpu.memory_space<vmem_shared>> -> memref<6256x16xf32, #tpu.memory_space<vmem_shared>>
      tpu.wait_dma2 semaphore(%run_scoped3A : memref<!tpu.dma_semaphore, #tpu.memory_space<semaphore_mem>>) src(%dma_wait3A_70 : memref<6256x16xf32, #tpu.memory_space<vmem_shared>>) dst(%dma_wait3A_68 : memref<6256x16xf32, #tpu.memory_space<hbm>>)
      tpu.yield
    }) : () -> ()
    return
  }
}

module attributes {stable_mosaic.version = 14 : i64} {
  func.func @_embed_body(%arg0: i32, %arg1: memref<256x1024xf32, #tpu.memory_space<vmem>>, %arg2: memref<1024x128xf32, #tpu.memory_space<vmem>>, %arg3: memref<256x128xf32, #tpu.memory_space<vmem>>) attributes {dimension_semantics = [#tpu.dimension_semantics<arbitrary>], iteration_bounds = array<i64: 49>, scalar_prefetch = 0 : i64, scratch_operands = 0 : i64, tpu.core_type = #tpu.core_type<tc>, window_params = [{transform_indices = @transform_0, window_bounds = array<i64: 256, 1024>}, {pipeline_mode = #tpu.pipeline_mode<synchronous>, transform_indices = @transform_1, window_bounds = array<i64: 1024, 128>}, {transform_indices = @transform_2, window_bounds = array<i64: 256, 128>}]} {
    %get3A = arith.constant 0 : index
    %get3A_0 = arith.constant 0 : index
    %get3A_1 = vector.load %arg1[%get3A, %get3A_0] : memref<256x1024xf32, #tpu.memory_space<vmem>>, vector<256x1024xf32>
    %reshape3A = vector.shape_cast %get3A_1 : vector<256x1024xf32> to vector<256x8x128xf32>
    %reduce_max3A = arith.constant dense<0xFF800000> : vector<256x8xf32>
    %reduce_max3A_2 = vector.multi_reduction <maximumf>, %reshape3A, %reduce_max3A [2] : vector<256x8x128xf32> to vector<256x8xf32>
    %broadcast_in_dim3A = vector.shape_cast %reduce_max3A_2 : vector<256x8xf32> to vector<256x8x1xf32>
    %iota3A = tpu.iota {dimensions = array<i32: 2>} : vector<256x8x128xi32>
    %ge3A = vector.broadcast %broadcast_in_dim3A : vector<256x8x1xf32> to vector<256x8x128xf32>
    %ge3A_3 = arith.cmpf oge, %reshape3A, %ge3A : vector<256x8x128xf32>
    %jit3A = arith.constant 128 : i32
    %broadcast_in_dim3A_4 = vector.broadcast %jit3A : i32 to vector<256x8x128xi32>
    %select_n3A = arith.select %ge3A_3, %iota3A, %broadcast_in_dim3A_4 : vector<256x8x128xi1>, vector<256x8x128xi32>
    %reduce_min3A = arith.constant dense<2147483647> : vector<256x8xi32>
    %reduce_min3A_5 = vector.multi_reduction <minsi>, %select_n3A, %reduce_min3A [2] : vector<256x8x128xi32> to vector<256x8xi32>
    %broadcast_in_dim3A_6 = vector.shape_cast %reduce_min3A_5 : vector<256x8xi32> to vector<256x8x1xi32>
    %eq3A = vector.broadcast %broadcast_in_dim3A_6 : vector<256x8x1xi32> to vector<256x8x128xi32>
    %eq3A_7 = arith.cmpi eq, %iota3A, %eq3A : vector<256x8x128xi32>
    %convert_element_type3A = arith.extui %eq3A_7 : vector<256x8x128xi1> to vector<256x8x128xi32>
    %convert_element_type3A_8 = arith.sitofp %convert_element_type3A : vector<256x8x128xi32> to vector<256x8x128xf32>
    %reshape3A_9 = vector.shape_cast %convert_element_type3A_8 : vector<256x8x128xf32> to vector<256x1024xf32>
    %get3A_10 = arith.constant 0 : index
    %get3A_11 = arith.constant 0 : index
    %get3A_12 = vector.load %arg2[%get3A_10, %get3A_11] : memref<1024x128xf32, #tpu.memory_space<vmem>>, vector<1024x128xf32>
    %dot_general3A = arith.constant dense<0.000000e+00> : vector<256x128xf32>
    %dot_general3A_13 = tpu.matmul %reshape3A_9, %get3A_12, %dot_general3A {dimension_numbers = #tpu.dot_dimension_numbers<[1], [0], [0], [1], [0, 0, 1, 1], [], []>, transpose_lhs_hint = false} : vector<256x1024xf32>, vector<1024x128xf32>, vector<256x128xf32> -> vector<256x128xf32>
    %swap3A = arith.constant 0 : index
    %swap3A_14 = arith.constant 0 : index
    %swap3A_15 = vector.load %arg3[%swap3A, %swap3A_14] : memref<256x128xf32, #tpu.memory_space<vmem>>, vector<256x128xf32>
    tpu.vector_store %arg3[%swap3A, %swap3A_14], %dot_general3A_13 {strides = array<i32>} : memref<256x128xf32, #tpu.memory_space<vmem>>, vector<256x128xf32>,
    return
  }
  func.func @transform_0(%arg0: i32) -> (i32, i32) {
    %c0_i32 = arith.constant 0 : i32
    %c0_i32_0 = arith.constant 0 : i32
    return %arg0, %c0_i32 : i32, i32
  }
  func.func @transform_1(%arg0: i32) -> (i32, i32) {
    %c0_i32 = arith.constant 0 : i32
    %c0_i32_0 = arith.constant 0 : i32
    %c0_i32_1 = arith.constant 0 : i32
    return %c0_i32, %c0_i32_0 : i32, i32
  }
  func.func @transform_2(%arg0: i32) -> (i32, i32) {
    %c0_i32 = arith.constant 0 : i32
    %c0_i32_0 = arith.constant 0 : i32
    return %arg0, %c0_i32 : i32, i32
  }
}

module attributes {stable_mosaic.version = 14 : i64} {
  func.func @_layer_body(%arg0: i32, %arg1: memref<2x256x128xf32, #tpu.memory_space<vmem>>, %arg2: memref<256x128xf32, #tpu.memory_space<vmem>>, %arg3: memref<256x128xf32, #tpu.memory_space<vmem>>, %arg4: memref<128x128xf32, #tpu.memory_space<vmem>>, %arg5: memref<1x128xf32, #tpu.memory_space<vmem>>, %arg6: memref<128x128xf32, #tpu.memory_space<vmem>>, %arg7: memref<128x128xf32, #tpu.memory_space<vmem>>, %arg8: memref<256x128xf32, #tpu.memory_space<vmem>>) attributes {dimension_semantics = [#tpu.dimension_semantics<arbitrary>], iteration_bounds = array<i64: 49>, scalar_prefetch = 0 : i64, scratch_operands = 0 : i64, tpu.core_type = #tpu.core_type<tc>, window_params = [{transform_indices = @transform_0, window_bounds = array<i64: 2, 256, 128>}, {transform_indices = @transform_1, window_bounds = array<i64: 256, 128>}, {transform_indices = @transform_2, window_bounds = array<i64: 256, 128>}, {pipeline_mode = #tpu.pipeline_mode<synchronous>, transform_indices = @transform_3, window_bounds = array<i64: 128, 128>}, {pipeline_mode = #tpu.pipeline_mode<synchronous>, transform_indices = @transform_4, window_bounds = array<i64: 1, 128>}, {pipeline_mode = #tpu.pipeline_mode<synchronous>, transform_indices = @transform_5, window_bounds = array<i64: 128, 128>}, {pipeline_mode = #tpu.pipeline_mode<synchronous>, transform_indices = @transform_6, window_bounds = array<i64: 128, 128>}, {transform_indices = @transform_7, window_bounds = array<i64: 256, 128>}]} {
    %get3A = arith.constant 0 : index
    %get3A_0 = arith.constant 0 : index
    %get3A_1 = arith.constant 0 : index
    %get3A_2 = vector.load %arg1[%get3A, %get3A_0, %get3A_1] : memref<2x256x128xf32, #tpu.memory_space<vmem>>, vector<1x256x128xf32>
    %get3A_3 = vector.shape_cast %get3A_2 : vector<1x256x128xf32> to vector<256x128xf32>
    %get3A_4 = arith.constant 1 : index
    %get3A_5 = arith.constant 0 : index
    %get3A_6 = arith.constant 0 : index
    %get3A_7 = vector.load %arg1[%get3A_4, %get3A_5, %get3A_6] : memref<2x256x128xf32, #tpu.memory_space<vmem>>, vector<1x256x128xf32>
    %get3A_8 = vector.shape_cast %get3A_7 : vector<1x256x128xf32> to vector<256x128xf32>
    %add3A = arith.addf %get3A_3, %get3A_8 : vector<256x128xf32>
    %get3A_9 = arith.constant 0 : index
    %get3A_10 = arith.constant 0 : index
    %get3A_11 = vector.load %arg4[%get3A_9, %get3A_10] : memref<128x128xf32, #tpu.memory_space<vmem>>, vector<128x128xf32>
    %dot_general3A = arith.constant dense<0.000000e+00> : vector<256x128xf32>
    %dot_general3A_12 = tpu.matmul %add3A, %get3A_11, %dot_general3A {dimension_numbers = #tpu.dot_dimension_numbers<[1], [0], [0], [1], [0, 0, 1, 1], [], []>, transpose_lhs_hint = false} : vector<256x128xf32>, vector<128x128xf32>, vector<256x128xf32> -> vector<256x128xf32>
    %get3A_13 = arith.constant 0 : index
    %get3A_14 = arith.constant 0 : index
    %get3A_15 = vector.load %arg2[%get3A_13, %get3A_14] : memref<256x128xf32, #tpu.memory_space<vmem>>, vector<256x128xf32>
    %mul3A = arith.mulf %dot_general3A_12, %get3A_15 : vector<256x128xf32>
    %get3A_16 = arith.constant 0 : index
    %get3A_17 = arith.constant 0 : index
    %get3A_18 = vector.load %arg5[%get3A_16, %get3A_17] : memref<1x128xf32, #tpu.memory_space<vmem>>, vector<1x128xf32>
    %add3A_19 = vector.broadcast %get3A_18 : vector<1x128xf32> to vector<256x128xf32>
    %add3A_20 = arith.addf %mul3A, %add3A_19 : vector<256x128xf32>
    %get3A_21 = arith.constant 0 : index
    %get3A_22 = arith.constant 0 : index
    %get3A_23 = vector.load %arg3[%get3A_21, %get3A_22] : memref<256x128xf32, #tpu.memory_space<vmem>>, vector<256x128xf32>
    %get3A_24 = arith.constant 0 : index
    %get3A_25 = arith.constant 0 : index
    %get3A_26 = vector.load %arg6[%get3A_24, %get3A_25] : memref<128x128xf32, #tpu.memory_space<vmem>>, vector<128x128xf32>
    %dot_general3A_27 = arith.constant dense<0.000000e+00> : vector<256x128xf32>
    %dot_general3A_28 = tpu.matmul %get3A_23, %get3A_26, %dot_general3A_27 {dimension_numbers = #tpu.dot_dimension_numbers<[1], [0], [0], [1], [0, 0, 1, 1], [], []>, transpose_lhs_hint = false} : vector<256x128xf32>, vector<128x128xf32>, vector<256x128xf32> -> vector<256x128xf32>
    %add3A_29 = arith.addf %add3A_20, %dot_general3A_28 : vector<256x128xf32>
    %mul3A_30 = arith.mulf %add3A_29, %add3A_29 : vector<256x128xf32>
    %get3A_31 = arith.constant 0 : index
    %get3A_32 = arith.constant 0 : index
    %get3A_33 = vector.load %arg7[%get3A_31, %get3A_32] : memref<128x128xf32, #tpu.memory_space<vmem>>, vector<128x128xf32>
    %dot_general3A_34 = arith.constant dense<0.000000e+00> : vector<256x128xf32>
    %dot_general3A_35 = tpu.matmul %mul3A_30, %get3A_33, %dot_general3A_34 {dimension_numbers = #tpu.dot_dimension_numbers<[1], [0], [0], [1], [0, 0, 1, 1], [], []>, transpose_lhs_hint = false} : vector<256x128xf32>, vector<128x128xf32>, vector<256x128xf32> -> vector<256x128xf32>
    %max3A = arith.constant 1.000000e-24 : f32
    %max3A_36 = vector.broadcast %max3A : f32 to vector<256x128xf32>
    %max3A_37 = arith.maximumf %dot_general3A_35, %max3A_36 : vector<256x128xf32>
    %rsqrt3A = math.rsqrt %max3A_37 : vector<256x128xf32>
    %mul3A_38 = arith.mulf %add3A_29, %rsqrt3A : vector<256x128xf32>
    %max3A_39 = arith.constant 0.000000e+00 : f32
    %max3A_40 = vector.broadcast %max3A_39 : f32 to vector<256x128xf32>
    %max3A_41 = arith.maximumf %mul3A_38, %max3A_40 : vector<256x128xf32>
    %swap3A = arith.constant 0 : index
    %swap3A_42 = arith.constant 0 : index
    %swap3A_43 = vector.load %arg8[%swap3A, %swap3A_42] : memref<256x128xf32, #tpu.memory_space<vmem>>, vector<256x128xf32>
    tpu.vector_store %arg8[%swap3A, %swap3A_42], %max3A_41 {strides = array<i32>} : memref<256x128xf32, #tpu.memory_space<vmem>>, vector<256x128xf32>,
    return
  }
  func.func @transform_0(%arg0: i32) -> (i32, i32, i32) {
    %c0_i32 = arith.constant 0 : i32
    %c0_i32_0 = arith.constant 0 : i32
    %c0_i32_1 = arith.constant 0 : i32
    return %c0_i32, %arg0, %c0_i32_0 : i32, i32, i32
  }
  func.func @transform_1(%arg0: i32) -> (i32, i32) {
    %c0_i32 = arith.constant 0 : i32
    %c0_i32_0 = arith.constant 0 : i32
    return %arg0, %c0_i32 : i32, i32
  }
  func.func @transform_2(%arg0: i32) -> (i32, i32) {
    %c0_i32 = arith.constant 0 : i32
    %c0_i32_0 = arith.constant 0 : i32
    return %arg0, %c0_i32 : i32, i32
  }
  func.func @transform_3(%arg0: i32) -> (i32, i32) {
    %c0_i32 = arith.constant 0 : i32
    %c0_i32_0 = arith.constant 0 : i32
    %c0_i32_1 = arith.constant 0 : i32
    return %c0_i32, %c0_i32_0 : i32, i32
  }
  func.func @transform_4(%arg0: i32) -> (i32, i32) {
    %c0_i32 = arith.constant 0 : i32
    %c0_i32_0 = arith.constant 0 : i32
    %c0_i32_1 = arith.constant 0 : i32
    return %c0_i32, %c0_i32_0 : i32, i32
  }
  func.func @transform_5(%arg0: i32) -> (i32, i32) {
    %c0_i32 = arith.constant 0 : i32
    %c0_i32_0 = arith.constant 0 : i32
    %c0_i32_1 = arith.constant 0 : i32
    return %c0_i32, %c0_i32_0 : i32, i32
  }
  func.func @transform_6(%arg0: i32) -> (i32, i32) {
    %c0_i32 = arith.constant 0 : i32
    %c0_i32_0 = arith.constant 0 : i32
    %c0_i32_1 = arith.constant 0 : i32
    return %c0_i32, %c0_i32_0 : i32, i32
  }
  func.func @transform_7(%arg0: i32) -> (i32, i32) {
    %c0_i32 = arith.constant 0 : i32
    %c0_i32_0 = arith.constant 0 : i32
    return %arg0, %c0_i32 : i32, i32
  }
}

module attributes {stable_mosaic.version = 14 : i64} {
  func.func @_layer_body(%arg0: i32, %arg1: memref<2x256x128xf32, #tpu.memory_space<vmem>>, %arg2: memref<256x320xf32, #tpu.memory_space<vmem>>, %arg3: memref<256x128xf32, #tpu.memory_space<vmem>>, %arg4: memref<128x320xf32, #tpu.memory_space<vmem>>, %arg5: memref<1x320xf32, #tpu.memory_space<vmem>>, %arg6: memref<128x320xf32, #tpu.memory_space<vmem>>, %arg7: memref<320x320xf32, #tpu.memory_space<vmem>>, %arg8: memref<256x320xf32, #tpu.memory_space<vmem>>) attributes {dimension_semantics = [#tpu.dimension_semantics<arbitrary>], iteration_bounds = array<i64: 49>, scalar_prefetch = 0 : i64, scratch_operands = 0 : i64, tpu.core_type = #tpu.core_type<tc>, window_params = [{transform_indices = @transform_0, window_bounds = array<i64: 2, 256, 128>}, {transform_indices = @transform_1, window_bounds = array<i64: 256, 320>}, {transform_indices = @transform_2, window_bounds = array<i64: 256, 128>}, {pipeline_mode = #tpu.pipeline_mode<synchronous>, transform_indices = @transform_3, window_bounds = array<i64: 128, 320>}, {pipeline_mode = #tpu.pipeline_mode<synchronous>, transform_indices = @transform_4, window_bounds = array<i64: 1, 320>}, {pipeline_mode = #tpu.pipeline_mode<synchronous>, transform_indices = @transform_5, window_bounds = array<i64: 128, 320>}, {pipeline_mode = #tpu.pipeline_mode<synchronous>, transform_indices = @transform_6, window_bounds = array<i64: 320, 320>}, {transform_indices = @transform_7, window_bounds = array<i64: 256, 320>}]} {
    %get3A = arith.constant 0 : index
    %get3A_0 = arith.constant 0 : index
    %get3A_1 = arith.constant 0 : index
    %get3A_2 = vector.load %arg1[%get3A, %get3A_0, %get3A_1] : memref<2x256x128xf32, #tpu.memory_space<vmem>>, vector<1x256x128xf32>
    %get3A_3 = vector.shape_cast %get3A_2 : vector<1x256x128xf32> to vector<256x128xf32>
    %get3A_4 = arith.constant 1 : index
    %get3A_5 = arith.constant 0 : index
    %get3A_6 = arith.constant 0 : index
    %get3A_7 = vector.load %arg1[%get3A_4, %get3A_5, %get3A_6] : memref<2x256x128xf32, #tpu.memory_space<vmem>>, vector<1x256x128xf32>
    %get3A_8 = vector.shape_cast %get3A_7 : vector<1x256x128xf32> to vector<256x128xf32>
    %add3A = arith.addf %get3A_3, %get3A_8 : vector<256x128xf32>
    %get3A_9 = arith.constant 0 : index
    %get3A_10 = arith.constant 0 : index
    %get3A_11 = vector.load %arg4[%get3A_9, %get3A_10] : memref<128x320xf32, #tpu.memory_space<vmem>>, vector<128x320xf32>
    %dot_general3A = arith.constant dense<0.000000e+00> : vector<256x320xf32>
    %dot_general3A_12 = tpu.matmul %add3A, %get3A_11, %dot_general3A {dimension_numbers = #tpu.dot_dimension_numbers<[1], [0], [0], [1], [0, 0, 1, 1], [], []>, transpose_lhs_hint = false} : vector<256x128xf32>, vector<128x320xf32>, vector<256x320xf32> -> vector<256x320xf32>
    %get3A_13 = arith.constant 0 : index
    %get3A_14 = arith.constant 0 : index
    %get3A_15 = vector.load %arg2[%get3A_13, %get3A_14] : memref<256x320xf32, #tpu.memory_space<vmem>>, vector<256x320xf32>
    %mul3A = arith.mulf %dot_general3A_12, %get3A_15 : vector<256x320xf32>
    %get3A_16 = arith.constant 0 : index
    %get3A_17 = arith.constant 0 : index
    %get3A_18 = vector.load %arg5[%get3A_16, %get3A_17] : memref<1x320xf32, #tpu.memory_space<vmem>>, vector<1x320xf32>
    %add3A_19 = vector.broadcast %get3A_18 : vector<1x320xf32> to vector<256x320xf32>
    %add3A_20 = arith.addf %mul3A, %add3A_19 : vector<256x320xf32>
    %get3A_21 = arith.constant 0 : index
    %get3A_22 = arith.constant 0 : index
    %get3A_23 = vector.load %arg3[%get3A_21, %get3A_22] : memref<256x128xf32, #tpu.memory_space<vmem>>, vector<256x128xf32>
    %get3A_24 = arith.constant 0 : index
    %get3A_25 = arith.constant 0 : index
    %get3A_26 = vector.load %arg6[%get3A_24, %get3A_25] : memref<128x320xf32, #tpu.memory_space<vmem>>, vector<128x320xf32>
    %dot_general3A_27 = arith.constant dense<0.000000e+00> : vector<256x320xf32>
    %dot_general3A_28 = tpu.matmul %get3A_23, %get3A_26, %dot_general3A_27 {dimension_numbers = #tpu.dot_dimension_numbers<[1], [0], [0], [1], [0, 0, 1, 1], [], []>, transpose_lhs_hint = false} : vector<256x128xf32>, vector<128x320xf32>, vector<256x320xf32> -> vector<256x320xf32>
    %add3A_29 = arith.addf %add3A_20, %dot_general3A_28 : vector<256x320xf32>
    %mul3A_30 = arith.mulf %add3A_29, %add3A_29 : vector<256x320xf32>
    %get3A_31 = arith.constant 0 : index
    %get3A_32 = arith.constant 0 : index
    %get3A_33 = vector.load %arg7[%get3A_31, %get3A_32] : memref<320x320xf32, #tpu.memory_space<vmem>>, vector<320x320xf32>
    %dot_general3A_34 = arith.constant dense<0.000000e+00> : vector<256x320xf32>
    %dot_general3A_35 = tpu.matmul %mul3A_30, %get3A_33, %dot_general3A_34 {dimension_numbers = #tpu.dot_dimension_numbers<[1], [0], [0], [1], [0, 0, 1, 1], [], []>, transpose_lhs_hint = false} : vector<256x320xf32>, vector<320x320xf32>, vector<256x320xf32> -> vector<256x320xf32>
    %max3A = arith.constant 1.000000e-24 : f32
    %max3A_36 = vector.broadcast %max3A : f32 to vector<256x320xf32>
    %max3A_37 = arith.maximumf %dot_general3A_35, %max3A_36 : vector<256x320xf32>
    %rsqrt3A = math.rsqrt %max3A_37 : vector<256x320xf32>
    %mul3A_38 = arith.mulf %add3A_29, %rsqrt3A : vector<256x320xf32>
    %swap3A = arith.constant 0 : index
    %swap3A_39 = arith.constant 0 : index
    %swap3A_40 = vector.load %arg8[%swap3A, %swap3A_39] : memref<256x320xf32, #tpu.memory_space<vmem>>, vector<256x320xf32>
    tpu.vector_store %arg8[%swap3A, %swap3A_39], %mul3A_38 {strides = array<i32>} : memref<256x320xf32, #tpu.memory_space<vmem>>, vector<256x320xf32>,
    return
  }
  func.func @transform_0(%arg0: i32) -> (i32, i32, i32) {
    %c0_i32 = arith.constant 0 : i32
    %c0_i32_0 = arith.constant 0 : i32
    %c0_i32_1 = arith.constant 0 : i32
    return %c0_i32, %arg0, %c0_i32_0 : i32, i32, i32
  }
  func.func @transform_1(%arg0: i32) -> (i32, i32) {
    %c0_i32 = arith.constant 0 : i32
    %c0_i32_0 = arith.constant 0 : i32
    return %arg0, %c0_i32 : i32, i32
  }
  func.func @transform_2(%arg0: i32) -> (i32, i32) {
    %c0_i32 = arith.constant 0 : i32
    %c0_i32_0 = arith.constant 0 : i32
    return %arg0, %c0_i32 : i32, i32
  }
  func.func @transform_3(%arg0: i32) -> (i32, i32) {
    %c0_i32 = arith.constant 0 : i32
    %c0_i32_0 = arith.constant 0 : i32
    %c0_i32_1 = arith.constant 0 : i32
    return %c0_i32, %c0_i32_0 : i32, i32
  }
  func.func @transform_4(%arg0: i32) -> (i32, i32) {
    %c0_i32 = arith.constant 0 : i32
    %c0_i32_0 = arith.constant 0 : i32
    %c0_i32_1 = arith.constant 0 : i32
    return %c0_i32, %c0_i32_0 : i32, i32
  }
  func.func @transform_5(%arg0: i32) -> (i32, i32) {
    %c0_i32 = arith.constant 0 : i32
    %c0_i32_0 = arith.constant 0 : i32
    %c0_i32_1 = arith.constant 0 : i32
    return %c0_i32, %c0_i32_0 : i32, i32
  }
  func.func @transform_6(%arg0: i32) -> (i32, i32) {
    %c0_i32 = arith.constant 0 : i32
    %c0_i32_0 = arith.constant 0 : i32
    %c0_i32_1 = arith.constant 0 : i32
    return %c0_i32, %c0_i32_0 : i32, i32
  }
  func.func @transform_7(%arg0: i32) -> (i32, i32) {
    %c0_i32 = arith.constant 0 : i32
    %c0_i32_0 = arith.constant 0 : i32
    return %arg0, %c0_i32 : i32, i32
  }
}

module attributes {stable_mosaic.version = 14 : i64} {
  func.func @_pool_body(%arg0: i32, %arg1: memref<256x320xf32, #tpu.memory_space<vmem>>, %arg2: memref<256x8xi32, #tpu.memory_space<vmem>>, %arg3: memref<128x40xf32, #tpu.memory_space<vmem>>, %arg4: memref<128x41xf32, #tpu.memory_space<vmem>>) attributes {dimension_semantics = [#tpu.dimension_semantics<arbitrary>], iteration_bounds = array<i64: 49>, scalar_prefetch = 0 : i64, scratch_operands = 1 : i64, tpu.core_type = #tpu.core_type<tc>, window_params = [{transform_indices = @transform_0, window_bounds = array<i64: 256, 320>}, {transform_indices = @transform_1, window_bounds = array<i64: 256, 8>}, {pipeline_mode = #tpu.pipeline_mode<synchronous>, transform_indices = @transform_2, window_bounds = array<i64: 128, 40>}]} {
    %eq3A = arith.constant 0 : i32
    %eq3A_0 = arith.cmpi eq, %arg0, %eq3A : i32
    %convert_element_type3A = arith.extui %eq3A_0 : i1 to i32
    %cond3A = arith.constant 0 : i32
    %cond3A_1 = arith.cmpi ne, %convert_element_type3A, %cond3A : i32
    scf.if %cond3A_1 {
      %broadcast_in_dim3A_86 = arith.constant 0.000000e+00 : f32
      %broadcast_in_dim3A_87 = vector.broadcast %broadcast_in_dim3A_86 : f32 to vector<128x41xf32>
      %swap3A_88 = arith.constant 0 : index
      %swap3A_89 = arith.constant 0 : index
      %swap3A_90 = vector.load %arg4[%swap3A_88, %swap3A_89] : memref<128x41xf32, #tpu.memory_space<vmem>>, vector<128x41xf32>
      tpu.vector_store %arg4[%swap3A_88, %swap3A_89], %broadcast_in_dim3A_87 {strides = array<i32>} : memref<128x41xf32, #tpu.memory_space<vmem>>, vector<128x41xf32>,
    } else {
    }
    %get3A = arith.constant 0 : index
    %get3A_2 = arith.constant 0 : index
    %get3A_3 = vector.load %arg1[%get3A, %get3A_2] : memref<256x320xf32, #tpu.memory_space<vmem>>, vector<256x320xf32>
    %reshape3A = vector.shape_cast %get3A_3 : vector<256x320xf32> to vector<256x8x40xf32>
    %iota3A = tpu.iota {dimensions = array<i32: 2>} : vector<256x8x128xi32>
    %mul3A = arith.constant 256 : i32
    %mul3A_4 = arith.muli %arg0, %mul3A : i32
    %iota3A_5 = tpu.iota {dimensions = array<i32: 0>} : vector<256x8x128xi32>
    %add3A = vector.broadcast %mul3A_4 : i32 to vector<256x8x128xi32>
    %add3A_6 = arith.addi %add3A, %iota3A_5 : vector<256x8x128xi32>
    %mul3A_7 = arith.constant 8 : i32
    %mul3A_8 = vector.broadcast %mul3A_7 : i32 to vector<256x8x128xi32>
    %mul3A_9 = arith.muli %add3A_6, %mul3A_8 : vector<256x8x128xi32>
    %iota3A_10 = tpu.iota {dimensions = array<i32: 1>} : vector<256x8x128xi32>
    %add3A_11 = arith.addi %mul3A_9, %iota3A_10 : vector<256x8x128xi32>
    %get3A_12 = arith.constant 0 : index
    %get3A_13 = arith.constant 0 : index
    %get3A_14 = vector.load %arg2[%get3A_12, %get3A_13] : memref<256x8xi32, #tpu.memory_space<vmem>>, vector<256x8xi32>
    %broadcast_in_dim3A = vector.shape_cast %get3A_14 : vector<256x8xi32> to vector<256x8x1xi32>
    %eq3A_15 = vector.broadcast %broadcast_in_dim3A : vector<256x8x1xi32> to vector<256x8x128xi32>
    %eq3A_16 = arith.cmpi eq, %eq3A_15, %iota3A : vector<256x8x128xi32>
    %lt3A = arith.constant 100000 : i32
    %lt3A_17 = vector.broadcast %lt3A : i32 to vector<256x8x128xi32>
    %lt3A_18 = arith.cmpi slt, %add3A_11, %lt3A_17 : vector<256x8x128xi32>
    %and3A = arith.andi %eq3A_16, %lt3A_18 : vector<256x8x128xi1>
    %convert_element_type3A_19 = arith.extui %and3A : vector<256x8x128xi1> to vector<256x8x128xi32>
    %convert_element_type3A_20 = arith.sitofp %convert_element_type3A_19 : vector<256x8x128xi32> to vector<256x8x128xf32>
    %broadcast_in_dim3A_21 = arith.constant 1.000000e+00 : f32
    %broadcast_in_dim3A_22 = vector.broadcast %broadcast_in_dim3A_21 : f32 to vector<256x8x1xf32>
    %concatenate3A = tpu.concatenate %reshape3A, %broadcast_in_dim3A_22 in 2 : vector<256x8x40xf32>, vector<256x8x1xf32> -> vector<256x8x41xf32>
    %slice3A = vector.extract_strided_slice %convert_element_type3A_20 {offsets = [0, 0, 0], sizes = [256, 1, 128], strides = [1, 1, 1]} : vector<256x8x128xf32> to vector<256x1x128xf32>
    %squeeze3A = vector.shape_cast %slice3A : vector<256x1x128xf32> to vector<256x128xf32>
    %slice3A_23 = vector.extract_strided_slice %concatenate3A {offsets = [0, 0, 0], sizes = [256, 1, 41], strides = [1, 1, 1]} : vector<256x8x41xf32> to vector<256x1x41xf32>
    %squeeze3A_24 = vector.shape_cast %slice3A_23 : vector<256x1x41xf32> to vector<256x41xf32>
    %dot_general3A = arith.constant dense<0.000000e+00> : vector<128x41xf32>
    %dot_general3A_25 = tpu.matmul %squeeze3A, %squeeze3A_24, %dot_general3A {dimension_numbers = #tpu.dot_dimension_numbers<[0], [0], [1], [1], [0, 1, 1, 1], [], []>, transpose_lhs_hint = false} : vector<256x128xf32>, vector<256x41xf32>, vector<128x41xf32> -> vector<128x41xf32>
    %slice3A_26 = vector.extract_strided_slice %convert_element_type3A_20 {offsets = [0, 1, 0], sizes = [256, 1, 128], strides = [1, 1, 1]} : vector<256x8x128xf32> to vector<256x1x128xf32>
    %squeeze3A_27 = vector.shape_cast %slice3A_26 : vector<256x1x128xf32> to vector<256x128xf32>
    %slice3A_28 = vector.extract_strided_slice %concatenate3A {offsets = [0, 1, 0], sizes = [256, 1, 41], strides = [1, 1, 1]} : vector<256x8x41xf32> to vector<256x1x41xf32>
    %squeeze3A_29 = vector.shape_cast %slice3A_28 : vector<256x1x41xf32> to vector<256x41xf32>
    %dot_general3A_30 = arith.constant dense<0.000000e+00> : vector<128x41xf32>
    %dot_general3A_31 = tpu.matmul %squeeze3A_27, %squeeze3A_29, %dot_general3A_30 {dimension_numbers = #tpu.dot_dimension_numbers<[0], [0], [1], [1], [0, 1, 1, 1], [], []>, transpose_lhs_hint = false} : vector<256x128xf32>, vector<256x41xf32>, vector<128x41xf32> -> vector<128x41xf32>
    %add3A_32 = arith.addf %dot_general3A_25, %dot_general3A_31 : vector<128x41xf32>
    %slice3A_33 = vector.extract_strided_slice %convert_element_type3A_20 {offsets = [0, 2, 0], sizes = [256, 1, 128], strides = [1, 1, 1]} : vector<256x8x128xf32> to vector<256x1x128xf32>
    %squeeze3A_34 = vector.shape_cast %slice3A_33 : vector<256x1x128xf32> to vector<256x128xf32>
    %slice3A_35 = vector.extract_strided_slice %concatenate3A {offsets = [0, 2, 0], sizes = [256, 1, 41], strides = [1, 1, 1]} : vector<256x8x41xf32> to vector<256x1x41xf32>
    %squeeze3A_36 = vector.shape_cast %slice3A_35 : vector<256x1x41xf32> to vector<256x41xf32>
    %dot_general3A_37 = arith.constant dense<0.000000e+00> : vector<128x41xf32>
    %dot_general3A_38 = tpu.matmul %squeeze3A_34, %squeeze3A_36, %dot_general3A_37 {dimension_numbers = #tpu.dot_dimension_numbers<[0], [0], [1], [1], [0, 1, 1, 1], [], []>, transpose_lhs_hint = false} : vector<256x128xf32>, vector<256x41xf32>, vector<128x41xf32> -> vector<128x41xf32>
    %add3A_39 = arith.addf %add3A_32, %dot_general3A_38 : vector<128x41xf32>
    %slice3A_40 = vector.extract_strided_slice %convert_element_type3A_20 {offsets = [0, 3, 0], sizes = [256, 1, 128], strides = [1, 1, 1]} : vector<256x8x128xf32> to vector<256x1x128xf32>
    %squeeze3A_41 = vector.shape_cast %slice3A_40 : vector<256x1x128xf32> to vector<256x128xf32>
    %slice3A_42 = vector.extract_strided_slice %concatenate3A {offsets = [0, 3, 0], sizes = [256, 1, 41], strides = [1, 1, 1]} : vector<256x8x41xf32> to vector<256x1x41xf32>
    %squeeze3A_43 = vector.shape_cast %slice3A_42 : vector<256x1x41xf32> to vector<256x41xf32>
    %dot_general3A_44 = arith.constant dense<0.000000e+00> : vector<128x41xf32>
    %dot_general3A_45 = tpu.matmul %squeeze3A_41, %squeeze3A_43, %dot_general3A_44 {dimension_numbers = #tpu.dot_dimension_numbers<[0], [0], [1], [1], [0, 1, 1, 1], [], []>, transpose_lhs_hint = false} : vector<256x128xf32>, vector<256x41xf32>, vector<128x41xf32> -> vector<128x41xf32>
    %add3A_46 = arith.addf %add3A_39, %dot_general3A_45 : vector<128x41xf32>
    %slice3A_47 = vector.extract_strided_slice %convert_element_type3A_20 {offsets = [0, 4, 0], sizes = [256, 1, 128], strides = [1, 1, 1]} : vector<256x8x128xf32> to vector<256x1x128xf32>
    %squeeze3A_48 = vector.shape_cast %slice3A_47 : vector<256x1x128xf32> to vector<256x128xf32>
    %slice3A_49 = vector.extract_strided_slice %concatenate3A {offsets = [0, 4, 0], sizes = [256, 1, 41], strides = [1, 1, 1]} : vector<256x8x41xf32> to vector<256x1x41xf32>
    %squeeze3A_50 = vector.shape_cast %slice3A_49 : vector<256x1x41xf32> to vector<256x41xf32>
    %dot_general3A_51 = arith.constant dense<0.000000e+00> : vector<128x41xf32>
    %dot_general3A_52 = tpu.matmul %squeeze3A_48, %squeeze3A_50, %dot_general3A_51 {dimension_numbers = #tpu.dot_dimension_numbers<[0], [0], [1], [1], [0, 1, 1, 1], [], []>, transpose_lhs_hint = false} : vector<256x128xf32>, vector<256x41xf32>, vector<128x41xf32> -> vector<128x41xf32>
    %add3A_53 = arith.addf %add3A_46, %dot_general3A_52 : vector<128x41xf32>
    %slice3A_54 = vector.extract_strided_slice %convert_element_type3A_20 {offsets = [0, 5, 0], sizes = [256, 1, 128], strides = [1, 1, 1]} : vector<256x8x128xf32> to vector<256x1x128xf32>
    %squeeze3A_55 = vector.shape_cast %slice3A_54 : vector<256x1x128xf32> to vector<256x128xf32>
    %slice3A_56 = vector.extract_strided_slice %concatenate3A {offsets = [0, 5, 0], sizes = [256, 1, 41], strides = [1, 1, 1]} : vector<256x8x41xf32> to vector<256x1x41xf32>
    %squeeze3A_57 = vector.shape_cast %slice3A_56 : vector<256x1x41xf32> to vector<256x41xf32>
    %dot_general3A_58 = arith.constant dense<0.000000e+00> : vector<128x41xf32>
    %dot_general3A_59 = tpu.matmul %squeeze3A_55, %squeeze3A_57, %dot_general3A_58 {dimension_numbers = #tpu.dot_dimension_numbers<[0], [0], [1], [1], [0, 1, 1, 1], [], []>, transpose_lhs_hint = false} : vector<256x128xf32>, vector<256x41xf32>, vector<128x41xf32> -> vector<128x41xf32>
    %add3A_60 = arith.addf %add3A_53, %dot_general3A_59 : vector<128x41xf32>
    %slice3A_61 = vector.extract_strided_slice %convert_element_type3A_20 {offsets = [0, 6, 0], sizes = [256, 1, 128], strides = [1, 1, 1]} : vector<256x8x128xf32> to vector<256x1x128xf32>
    %squeeze3A_62 = vector.shape_cast %slice3A_61 : vector<256x1x128xf32> to vector<256x128xf32>
    %slice3A_63 = vector.extract_strided_slice %concatenate3A {offsets = [0, 6, 0], sizes = [256, 1, 41], strides = [1, 1, 1]} : vector<256x8x41xf32> to vector<256x1x41xf32>
    %squeeze3A_64 = vector.shape_cast %slice3A_63 : vector<256x1x41xf32> to vector<256x41xf32>
    %dot_general3A_65 = arith.constant dense<0.000000e+00> : vector<128x41xf32>
    %dot_general3A_66 = tpu.matmul %squeeze3A_62, %squeeze3A_64, %dot_general3A_65 {dimension_numbers = #tpu.dot_dimension_numbers<[0], [0], [1], [1], [0, 1, 1, 1], [], []>, transpose_lhs_hint = false} : vector<256x128xf32>, vector<256x41xf32>, vector<128x41xf32> -> vector<128x41xf32>
    %add3A_67 = arith.addf %add3A_60, %dot_general3A_66 : vector<128x41xf32>
    %slice3A_68 = vector.extract_strided_slice %convert_element_type3A_20 {offsets = [0, 7, 0], sizes = [256, 1, 128], strides = [1, 1, 1]} : vector<256x8x128xf32> to vector<256x1x128xf32>
    %squeeze3A_69 = vector.shape_cast %slice3A_68 : vector<256x1x128xf32> to vector<256x128xf32>
    %slice3A_70 = vector.extract_strided_slice %concatenate3A {offsets = [0, 7, 0], sizes = [256, 1, 41], strides = [1, 1, 1]} : vector<256x8x41xf32> to vector<256x1x41xf32>
    %squeeze3A_71 = vector.shape_cast %slice3A_70 : vector<256x1x41xf32> to vector<256x41xf32>
    %dot_general3A_72 = arith.constant dense<0.000000e+00> : vector<128x41xf32>
    %dot_general3A_73 = tpu.matmul %squeeze3A_69, %squeeze3A_71, %dot_general3A_72 {dimension_numbers = #tpu.dot_dimension_numbers<[0], [0], [1], [1], [0, 1, 1, 1], [], []>, transpose_lhs_hint = false} : vector<256x128xf32>, vector<256x41xf32>, vector<128x41xf32> -> vector<128x41xf32>
    %add3A_74 = arith.addf %add3A_67, %dot_general3A_73 : vector<128x41xf32>
    %get3A_75 = arith.constant 0 : index
    %get3A_76 = arith.constant 0 : index
    %get3A_77 = vector.load %arg4[%get3A_75, %get3A_76] : memref<128x41xf32, #tpu.memory_space<vmem>>, vector<128x41xf32>
    %add3A_78 = arith.addf %get3A_77, %add3A_74 : vector<128x41xf32>
    %swap3A = arith.constant 0 : index
    %swap3A_79 = arith.constant 0 : index
    %swap3A_80 = vector.load %arg4[%swap3A, %swap3A_79] : memref<128x41xf32, #tpu.memory_space<vmem>>, vector<128x41xf32>
    tpu.vector_store %arg4[%swap3A, %swap3A_79], %add3A_78 {strides = array<i32>} : memref<128x41xf32, #tpu.memory_space<vmem>>, vector<128x41xf32>,
    %eq3A_81 = arith.constant 48 : i32
    %eq3A_82 = arith.cmpi eq, %arg0, %eq3A_81 : i32
    %convert_element_type3A_83 = arith.extui %eq3A_82 : i1 to i32
    %cond3A_84 = arith.constant 0 : i32
    %cond3A_85 = arith.cmpi ne, %convert_element_type3A_83, %cond3A_84 : i32
    scf.if %cond3A_85 {
      %get3A_86 = arith.constant 0 : index
      %get3A_87 = arith.constant 0 : index
      %get3A_88 = vector.load %arg4[%get3A_86, %get3A_87] : memref<128x41xf32, #tpu.memory_space<vmem>>, vector<128x41xf32>
      %slice3A_89 = vector.extract_strided_slice %get3A_88 {offsets = [0, 0], sizes = [128, 40], strides = [1, 1]} : vector<128x41xf32> to vector<128x40xf32>
      %slice3A_90 = vector.extract_strided_slice %get3A_88 {offsets = [0, 40], sizes = [128, 1], strides = [1, 1]} : vector<128x41xf32> to vector<128x1xf32>
      %max3A = arith.constant 1.000000e+00 : f32
      %max3A_91 = vector.broadcast %max3A : f32 to vector<128x1xf32>
      %max3A_92 = arith.maximumf %slice3A_90, %max3A_91 : vector<128x1xf32>
      %div3A = vector.broadcast %max3A_92 : vector<128x1xf32> to vector<128x40xf32>
      %div3A_93 = arith.divf %slice3A_89, %div3A : vector<128x40xf32>
      %reduce_max3A = arith.constant dense<0xFF800000> : vector<128xf32>
      %reduce_max3A_94 = vector.multi_reduction <maximumf>, %div3A_93, %reduce_max3A [1] : vector<128x40xf32> to vector<128xf32>
      %broadcast_in_dim3A_95 = vector.shape_cast %reduce_max3A_94 : vector<128xf32> to vector<128x1xf32>
      %sub3A = vector.broadcast %broadcast_in_dim3A_95 : vector<128x1xf32> to vector<128x40xf32>
      %sub3A_96 = arith.subf %div3A_93, %sub3A : vector<128x40xf32>
      %exp3A = math.exp %sub3A_96 : vector<128x40xf32>
      %reduce_sum3A = arith.constant dense<0.000000e+00> : vector<128xf32>
      %reduce_sum3A_97 = vector.multi_reduction <add>, %exp3A, %reduce_sum3A [1] : vector<128x40xf32> to vector<128xf32>
      %broadcast_in_dim3A_98 = vector.shape_cast %reduce_sum3A_97 : vector<128xf32> to vector<128x1xf32>
      %div3A_99 = vector.broadcast %broadcast_in_dim3A_98 : vector<128x1xf32> to vector<128x40xf32>
      %div3A_100 = arith.divf %exp3A, %div3A_99 : vector<128x40xf32>
      %swap3A_101 = arith.constant 0 : index
      %swap3A_102 = arith.constant 0 : index
      %swap3A_103 = vector.load %arg3[%swap3A_101, %swap3A_102] : memref<128x40xf32, #tpu.memory_space<vmem>>, vector<128x40xf32>
      tpu.vector_store %arg3[%swap3A_101, %swap3A_102], %div3A_100 {strides = array<i32>} : memref<128x40xf32, #tpu.memory_space<vmem>>, vector<128x40xf32>,
    } else {
    }
    return
  }
  func.func @transform_0(%arg0: i32) -> (i32, i32) {
    %c0_i32 = arith.constant 0 : i32
    %c0_i32_0 = arith.constant 0 : i32
    return %arg0, %c0_i32 : i32, i32
  }
  func.func @transform_1(%arg0: i32) -> (i32, i32) {
    %c0_i32 = arith.constant 0 : i32
    %c0_i32_0 = arith.constant 0 : i32
    return %arg0, %c0_i32 : i32, i32
  }
  func.func @transform_2(%arg0: i32) -> (i32, i32) {
    %c0_i32 = arith.constant 0 : i32
    %c0_i32_0 = arith.constant 0 : i32
    %c0_i32_1 = arith.constant 0 : i32
    return %c0_i32, %c0_i32_0 : i32, i32
  }
}

</mosaic_0001>

<sc_bundles>
// kernel: kernel.10.cloned.1.call-start
scs
__scs_entry_jumppad:
0x0: {  	(pc) =	sbr.rel $0x88, $3  }
0x1: {  	(tag) =	ssettag $0x0;
	lr =	simm.s32 $0x1  }
0x2: {  	[smem:$0x3F94] =	sst lr;
	_ =	strace $0xD0000000  }
0x3: {  	_ = 	snop  }
0x4: {  	_ = 	snop  }
0x5: {  	_ = 	snop  }
0x6: {  	_ = 	snop  }
0x7: {  	_ = 	snop  }
__scs_overlays_trampoline_lowered:
0x8: {  	[smem:$0x3FA3] =	sst s0  }
0x9: {  	[smem:$0x3FA4] =	sst s1  }
0xa: {  	[smem:$0x3FA5] =	sst s2  }
0xb: {  	[smem:$0x3FA6] =	sst s3  }
0xc: {  	[smem:$0x3FA7] =	sst s4  }
0xd: {  	[smem:$0x3FA8] =	sst s5  }
0xe: {  	[smem:$0x3FA9] =	sst s6  }
0xf: {  	[smem:$0x3FAA] =	sst s7  }
0x10: {  	[smem:$0x3FAB] =	sst s8  }
0x11: {  	[smem:$0x3FAC] =	sst s9;
	s0 =	simm.s32 @!p0 $0x0  }
0x12: {  	s1 =	sld [smem:$0x3F92];
	s0 =	simm.s32 @p0 $0x1  }
0x13: {  	[smem:$0x3FAD] =	sst s0;
	s0 =	simm.s32 @!p1 $0x0  }
0x14: {  	s2 =	sld [smem:$0x3F91];
	s0 =	simm.s32 @p1 $0x1  }
0x15: {  	[smem:$0x3FAE] =	sst s0;
	s0 =	simm.s32 @!p2 $0x0  }
0x16: {  	s3 =	sld [smem:$0x3FDB];
	s0 =	simm.s32 @p2 $0x1  }
0x17: {  	s4 =	simm.s32 $0x1BF5;
	[smem:$0x3FB0] =	sst s0  }
0x18: {  	s0 =	sld [smem:$0x3F93];
	_ =	swait.ge [sflag:s4], $0x0  }
0x19: {  	s7 =	sld [smem:$0x3F94]  }
0x1a: {  	s8 =	sadd.s32 $0xFFFFE003, lr  }
0x1b: {  	s9 =	sadd.s32 $0xFFFFFEF7, lr;
	s5 =	simm.s32 $0xFFFFFFFF;
	p2 =	slt.u32 s8, $0xFFFFF086  }
0x1c: {  	p1 =	slt.u32 s9, $0xF7A;
	s5 =	simm.s32 @!p2 $0x0  }
0x1d: {  	s5 =	simm.s32 @p1 $0x1;
	p0 =	seq.s32 s7, s2  }
0x1e: {  	s7 =	smul.u32 @!p0 $0xF7A, s2;
	p2 =	seq.s32 @!p0 s5, $0x0  }
0x1f: {  	s9 =	smul.u32 $0xF7A, s1;
	s8 =	simm.s32 @!p0 $0x1BF5;
	p2 =	por !p2, p0  }
0x20: {  	[sflag:s8] =	ssyncset.s32 @!p0 $0xFFFFF086;
	s6 =	sadd.s32 @!p0 s3, s7;
	s7 =	simm.s32 @!p0 $0x108  }
0x21: {  	s3 =	sadd.s32 s3, s9;
	s6 =	sadd.s32 @!p0 $0x88, s6;
	s7 =	simm.s32 @p2 $0x1082  }
0x22: {  	[simem:s7], [sflag:s8] =	dma.local @!p0 [hbm:s6], $0xF7A  }
0x23: {  	s9 =	sor.u32 $0xD0000000, s2;
	s6 =	simm.s32 $0x108;
	_ =	swait.ge @!p0 [sflag:s8], $0x0  }
0x24: {  	s3 =	sadd.s32 $0x88, s3;
	s6 =	simm.s32 @!p1 $0x1082;
	[sflag:s4] =	ssyncset.s32 $0xFFFFF086  }
0x25: {  	[simem:s6], [sflag:s4] =	dma.local [hbm:s3], $0xF7A  }
0x26: {  	[smem:$0x3F94] =	sst s1;
	(tag) =	ssettag s2;
	_ =	strace s9  }
0x27: {  	s1 =	sld [smem:$0x3FA4]  }
0x28: {  	s2 =	sld [smem:$0x3FA5]  }
0x29: {  	s4 =	sld [smem:$0x3FA7]  }
0x2a: {  	p0 =	seq.s32 s5, $0x0;
	s5 =	sld [smem:$0x3FA8]  }
0x2b: {  	s6 =	sld [smem:$0x3FA9]  }
0x2c: {  	s7 =	sld [smem:$0x3FAA]  }
0x2d: {  	s3 =	simm.s32 $0x108;
	s8 =	sld [smem:$0x3FAB]  }
0x2e: {  	s3 =	simm.s32 @!p0 $0x1082;
	s9 =	sld [smem:$0x3FAC]  }
0x2f: {  	lr =	sadd.s32 s0, s3;
	s0 =	sld [smem:$0x3FA3]  }
0x30: {  	s3 =	sld [smem:$0x3FA6]  }
0x31: {  	[smem:$0x3FAF] =	sst s10  }
0x32: {  	s10 =	sld [smem:$0x3FAD];
	_ =	sdelay $0x3  }
0x33: {  	p0 =	seq.s32 s10, $0x1;
	s10 =	sld [smem:$0x3FAF];
	_ =	sdelay $0x3  }
0x34: {  	[smem:$0x3FAF] =	sst s10  }
0x35: {  	s10 =	sld [smem:$0x3FAE];
	_ =	sdelay $0x3  }
0x36: {  	p1 =	seq.s32 s10, $0x1;
	s10 =	sld [smem:$0x3FAF];
	_ =	sdelay $0x3  }
0x37: {  	[smem:$0x3FAF] =	sst s10  }
0x38: {  	s10 =	sld [smem:$0x3FB0]  }
0x39: {  	_ = 	snop;
	(pc) =	sbr.ind lr, $3  }
0x3a: {  	_ = 	snop  }
0x3b: {  	_ = 	snop  }
0x3c: {  	p2 =	seq.s32 s10, $0x1;
	s10 =	sld [smem:$0x3FAF]  }
0x3d: {  	_ =	shalt  }
0x3e: {  	_ =	shalt  }
0x3f: {  	_ =	shalt  }
0x40: {  	_ =	shalt  }
0x41: {  	_ =	shalt  }
0x42: {  	_ =	shalt  }
0x43: {  	_ =	shalt  }
0x44: {  	_ =	shalt  }
0x45: {  	_ =	shalt  }
0x46: {  	_ =	shalt  }
0x47: {  	_ =	shalt  }
0x48: {  	_ =	shalt  }
0x49: {  	_ =	shalt  }
0x4a: {  	_ =	shalt  }
0x4b: {  	_ =	shalt  }
0x4c: {  	_ =	shalt  }
0x4d: {  	_ =	shalt  }
0x4e: {  	_ =	shalt  }
0x4f: {  	_ =	shalt  }
0x50: {  	_ =	shalt  }
0x51: {  	_ =	shalt  }
0x52: {  	_ =	shalt  }
0x53: {  	_ =	shalt  }
0x54: {  	_ =	shalt  }
0x55: {  	_ =	shalt  }
0x56: {  	_ =	shalt  }
0x57: {  	_ =	shalt  }
0x58: {  	_ =	shalt  }
0x59: {  	_ =	shalt  }
0x5a: {  	_ =	shalt  }
0x5b: {  	_ =	shalt  }
0x5c: {  	_ =	shalt  }
0x5d: {  	_ =	shalt  }
0x5e: {  	_ =	shalt  }
0x5f: {  	_ =	shalt  }
0x60: {  	_ =	shalt  }
0x61: {  	_ =	shalt  }
0x62: {  	_ =	shalt  }
0x63: {  	_ =	shalt  }
0x64: {  	_ =	shalt  }
0x65: {  	_ =	shalt  }
0x66: {  	_ =	shalt  }
0x67: {  	_ =	shalt  }
0x68: {  	_ =	shalt  }
0x69: {  	_ =	shalt  }
0x6a: {  	_ =	shalt  }
0x6b: {  	_ =	shalt  }
0x6c: {  	_ =	shalt  }
0x6d: {  	_ =	shalt  }
0x6e: {  	_ =	shalt  }
0x6f: {  	_ =	shalt  }
0x70: {  	_ =	shalt  }
0x71: {  	_ =	shalt  }
0x72: {  	_ =	shalt  }
0x73: {  	_ =	shalt  }
0x74: {  	_ =	shalt  }
0x75: {  	_ =	shalt  }
0x76: {  	_ =	shalt  }
0x77: {  	_ =	shalt  }
0x78: {  	_ =	shalt  }
0x79: {  	_ =	shalt  }
0x7a: {  	_ =	shalt  }
0x7b: {  	_ =	shalt  }
0x7c: {  	_ =	shalt  }
0x7d: {  	_ =	shalt  }
0x7e: {  	_ =	shalt  }
0x7f: {  	_ =	shalt  }
0x80: {  	_ =	shalt  }
0x81: {  	_ =	shalt  }
0x82: {  	_ =	shalt  }
0x83: {  	_ =	shalt  }
0x84: {  	_ =	shalt  }
0x85: {  	_ =	shalt  }
0x86: {  	_ =	shalt  }
0x87: {  	_ =	shalt  }
.Lfunc_end0:
.L_simem_size_0:
called_computation_lowered:
.L_overlay_start_0:
0x88: {  	s2 =	sld [smem:$0x3FD9]  }
0x89: {  	s3 =	sld [smem:$0x3FFE];
	_ =	sdelay $0x1  }
0x8a: {  	s1 =	srdreg.scid  }
0x8b: {  	s0 =	sand.u32 $0x1, s1  }
0x8c: {  	s16 =	sshll.u32 s0, $0xA;
	s2 =	sadd.s32 s3, s2  }
0x8d: {  	s2 =	sadd.s32 s2, s16  }
0x8e: {  	[smem:$0x3FBB] =	sst s2  }
0x8f: {  	_ = 	snop  }
0x90: {  	(tm) =	ssettm $0x1  }
0x91: {  	s17 =	sld [smem:$0x3FFB];
	_ =	sdelay $0x3  }
0x92: {  	_ =	strace s17  }
0x93: {  	s2 =	sld [smem:$0x3FFC];
	_ =	sdelay $0x3  }
0x94: {  	_ =	strace s2  }
0x95: {  	s2 =	sld [smem:$0x3FFD];
	_ =	sdelay $0x3  }
0x96: {  	_ =	strace s2  }
0x97: {  	_ =	strace $0x8FFFFFFF  }
0x98: {  	s18 =	sld [smem:$0x3FDB];
	_ =	sdelay $0x1  }
0x99: {  	s19 =	simm.s32 $_scs_section_size  }
0x9a: {  	s4 =	simm.s32 $_size__tile_overlayer_lowered;
	s5 =	simm.s32 $_tile_overlayer_lowered  }
0x9b: {  	s22 =	simm.s32 $0x1BFF;
	s21 =	sshll.u32 s5, $0x1;
	s2 =	sadd.s32 s19, s18  }
0x9c: {  	s6 =	simm.s32 $0x0;
	s20 =	sshll.u32 s4, $0x1;
	s4 =	sadd.s32 s21, s2  }
0x9d: {  	[timem:s6], [sflag:s22] =	dma.local [hbm:s4], s20  }
0x9e: {  	_ =	swait.ge [sflag:s22], s20  }
0x9f: {  	s3 =	ssub.s32 $0x0, s20;
	[sflag:s22] =	ssyncset.done $0x0  }
0xa0: {  	[sflag:s22] =	ssyncadd.s32 s3;
	_ =	sdelay $0x1  }
0xa1: {  	s23 =	simm.s32 $0x1B8B  }
0xa2: {  	_ =	swait.ge [sflag:s23], $0x1  }
0xa3: {  	[sflag:s23] =	ssyncset.done $0x0  }
0xa4: {  	s25 =	simm.s32 $0x1B8E;
	s24 =	sld [smem:$0x3FFE];
	[sflag:s23] =	ssyncadd.s32 $0xFFFFFFFF  }
0xa5: {  	s26 =	simm.s32 $execute0_lowered;
	[smem:$0x3FD2] =	sst s25  }
0xa6: {  	s4 =	sshll.u32 s26, $0x1;
	_ =	strace $0x80000046;
	[dreg:$0x1] =	wrdreg $0xFFFFFFFF  }
0xa7: {  	s28 =	simm.s32 $_size_execute0_lowered;
	s2 =	sadd.s32 s2, s4;
	[dreg:$0x0] =	wrdreg $0x0  }
0xa8: {  	s4 =	sshll.u32 s28, $0x1;
	[dreg:$0x2] =	wrdreg s2  }
0xa9: {  	[dreg:$0x3] =	wrdreg s4  }
0xaa: {  	[dreg:$0x4] =	wrdreg $0xC0  }
0xab: {  	_ =	task [dreg:s6], $0x5FFFF  }
0xac: {  	[dreg:$0x1] =	wrdreg $0xFFFFFFFF  }
0xad: {  	[dreg:$0x0] =	wrdreg $0x60  }
0xae: {  	[dreg:$0x2] =	wrdreg s24  }
0xaf: {  	[dreg:$0x3] =	wrdreg $0x50000  }
0xb0: {  	[dreg:$0x4] =	wrdreg $0x1D9000  }
0xb1: {  	[dreg:$0x5] =	wrdreg $0x9  }
0xb2: {  	_ =	task.clear_ibuf [dreg:s6], $0x6FFFF;
	_ =	strace $0x90000046  }
0xb3: {  	s29 =	simm.s32 $0x9;
	_ =	strace $0x80000048  }
0xb4: {  	_ =	swait.ge [sflag:s29], $0x1  }
0xb5: {  	[sflag:s29] =	ssyncadd.s32 $0xFFFFFFFF  }
0xb6: {  	_ =	strace $0x90000048  }
0xb7: {  	_ =	sfence  }
0xb8: {  	s30 =	sld [smem:$0x0];
	_ =	sdelay $0x2  }
0xb9: {  	s31 =	sshll.u32 s1, $0xD;
	s1 =	sshrl.u32 s1, $0x2  }
0xba: {  	s3 =	sand.u32 $0x4000, s31;
	s1 =	sadd.s32 s1, s30  }
0xbb: {  	s0 =	sor.u32 s3, s0;
	s1 =	sshll.u32 s1, $0x11  }
0xbc: {  	s0 =	sor.u32 s1, s0  }
0xbd: {  	s0 =	sadd.s32 $0x8F2B, s0  }
0xbe: {  	[sflag:s0] =	ssyncadd.remote.s32 $0x1  }
0xbf: {  	_ =	sfence.sel $0xFFFF  }
0xc0: {  	[dreg:$0x0] =	wrdreg $0xFFFFFFFF;
	(pc) =	sbr.abs _section_cstart, $3  }
0xc1: {  	[dreg:$0x1] =	wrdreg $0xFFFFFFFF  }
0xc2: {  	_ =	task.clear_ibuf [dreg:s6], $0x2FFFF;
	_ =	strace $0x9FFFFFFF  }
0xc3: {  	(tm) =	ssettm $0x7FFFFFFF  }
tec
execute0_lowered:
.L_overlay_start_1:
0x0: {  	(tag) =	ssettag $0x1  }
0x1: {  	s0 =	rddreg [dreg:$0x0]  }
0x2: {  	s1 =	rddreg [dreg:$0x1]  }
0x3: {  	s3 =	rddreg [dreg:$0x2]  }
0x4: {  	s4 =	simm.s32 $0x0;
	s16 =	stileid.u32;
	s5 =	srdreg.scid  }
0x5: {  	s28 =	simm.s32 $0x1000;
	s29 =	simm.s32 $0x1;
	s30 =	simm.s32 $0x3000  }
0x6: {  	s31 =	simm.s32 $0x3;
	[smem:$0x7FF] =	sst s4;
	s2 =	smul.u32 $0x18700, s16  }
0x7: {  	s6 =	smul.u32 $0x1870, s16;
	s7 =	sand.u32 $0x1, s5;
	s5 =	sadd.s32 $0x4600, s0  }
0x8: {  	s9 =	sadd.s32 $0x35400, s0;
	s10 =	sadd.s32 $0x97400, s0;
	s21 =	smul.u32 $0x6200, s16  }
0x9: {  	s15 =	sshll.u32 s16, $0x1;
	_ =	strace $0x80000047;
	s8 =	smul.u32 $0x187000, s7  }
0xa: {  	s12 =	smul.u32 $0x18700, s7;
	s23 =	ssub.s32 $0x2, s7;
	s25 =	sor.u32 s7, s15  }
0xb: {  	s11 =	sshrl.u32 s2, $0x3;
	s13 =	sshrl.u32 s6, $0x3;
	s24 =	sshrl.u32 s23, $0x1  }
0xc: {  	s15 =	smul.u32 $0x3100, s25;
	s17 =	sadd.s32 s6, s3;
	s11 =	sadd.s32 s11, s0  }
0xd: {  	s8 =	sadd.s32 s2, s8;
	s13 =	sadd.s32 s13, s0;
	s12 =	sadd.s32 s6, s12  }
0xe: {  	s2 =	sadd.s32 s2, s1;
	[dreg:$0x6] =	wrdreg s17;
	s8 =	sshrl.u32 s8, $0x3  }
0xf: {  	s22 =	sshrl.u32 s12, $0x3;
	s12 =	ssub.s32 s23, s24;
	[dreg:$0x4] =	wrdreg s2  }
0x10: {  	s26 =	sadd.s32 $0xF9400, s11;
	s11 =	sshll.u32 s16, $0x6;
	s18 =	sadd.s32 $0x12A600, s13  }
0x11: {  	s19 =	sadd.s32 s9, s15;
	s23 =	smul.u32 $0x3100, s7;
	s25 =	sor.u32 $0x80, s15  }
0x12: {  	s2 =	sadd.s32 s21, s10;
	s14 =	sadd.s32 s8, s0;
	[dreg:$0x5] =	wrdreg s26  }
0x13: {  	s0 =	sadd.s32 s22, s0;
	s8 =	sor.u32 $0x1C06, s11;
	[dreg:$0x7] =	wrdreg s18  }
0x14: {  	[dreg:$0x8] =	wrdreg s19;
	s22 =	sadd.s32 s10, s15;
	s24 =	smax.u32 s12, $0x1  }
0x15: {  	s26 =	sadd.s32 s21, s9;
	s9 =	sadd.s32 s9, s25;
	[dreg:$0xa] =	wrdreg s22  }
0x16: {  	s6 =	sadd.s32 s10, s25;
	s21 =	simm.s32 $0x800;
	[dreg:$0xc] =	wrdreg s24  }
0x17: {  	s25 =	simm.s32 $0x1D700;
	s20 =	sadd.s32 $0x133A00, s14;
	[dreg:$0xd] =	wrdreg s9  }
0x18: {  	s0 =	sadd.s32 $0x12D800, s0;
	s7 =	sadd.s32 s23, s26;
	[dreg:$0xe] =	wrdreg s6  }
0x19: {  	s22 =	simm.s32 $0x2;
	s24 =	simm.s32 $0x200;
	s26 =	simm.s32 $0xA00  }
0x1a: {  	s6 =	simm.s32 $0xE00;
	s9 =	simm.s32 $0x0;
	[dreg:$0x9] =	wrdreg s20  }
0x1b: {  	[dreg:$0xb] =	wrdreg s0;
	s18 =	sadd.s32 $0x100, s7;
	s0 =	sadd.s32 s23, s2  }
0x1c: {  	s20 =	simm.s32 $0x6;
	s23 =	simm.s32 $0xC00;
	s2 =	simm.s32 $0x5  }
0x1d: {  	v0 =	vimm.f32 $1.000000000e+00;
	s7 =	simm.s32 $0x400;
	s19 =	sadd.s32 $0x100, s0;
	s0 =	simm.s32 $0x4  }
.LBB2_1:
0x1e: {  	s10 =	rddreg [dreg:$0x4]  }
0x1f: {  	s11 =	rddreg [dreg:$0x5];
	s10 =	sshrl.u32 s10, $0x3  }
0x20: {  	[spmem:s10], [sflag:s8] =	dma.local [hbm:s11], $0x30E0  }
0x21: {  	_ =	swait.ge [sflag:s20], $0x30E0  }
0x22: {  	[sflag:s20] =	ssyncset.done $0x0;
	s14 =	rddreg [dreg:$0x6]  }
0x23: {  	s12 =	rddreg [dreg:$0x7];
	[sflag:s20] =	ssyncadd.s32 $0xFFFFCF20;
	s11 =	sshrl.u32 s14, $0x3  }
0x24: {  	[spmem:s11], [sflag:s8] =	dma.local [hbm:s12], $0x30E  }
0x25: {  	_ =	swait.ge [sflag:s20], $0x30E  }
0x26: {  	[sflag:s20] =	ssyncset.done $0x0  }
0x27: {  	[sflag:s20] =	ssyncadd.s32 $0xFFFFFCF2  }
0x28: {  	[tilespmem:$0x1D700] =	vst v0  }
0x29: {  	[tilespmem:$0x1D710] =	vst v0  }
0x2a: {  	[tilespmem:$0x1D720] =	vst v0  }
0x2b: {  	[tilespmem:$0x1D730] =	vst v0  }
0x2c: {  	[tilespmem:$0x1D740] =	vst v0  }
0x2d: {  	[tilespmem:$0x1D750] =	vst v0  }
0x2e: {  	[tilespmem:$0x1D760] =	vst v0  }
0x2f: {  	[tilespmem:$0x1D770] =	vst v0  }
0x30: {  	[tilespmem:$0x1D780] =	vst v0  }
0x31: {  	[tilespmem:$0x1D790] =	vst v0  }
0x32: {  	[tilespmem:$0x1D7A0] =	vst v0  }
0x33: {  	[tilespmem:$0x1D7B0] =	vst v0  }
0x34: {  	[tilespmem:$0x1D7C0] =	vst v0  }
0x35: {  	[tilespmem:$0x1D7D0] =	vst v0  }
0x36: {  	[tilespmem:$0x1D7E0] =	vst v0  }
0x37: {  	[tilespmem:$0x1D7F0] =	vst v0  }
0x38: {  	[tilespmem:$0x1D800] =	vst v0  }
0x39: {  	[tilespmem:$0x1D810] =	vst v0  }
0x3a: {  	[tilespmem:$0x1D820] =	vst v0  }
0x3b: {  	[tilespmem:$0x1D830] =	vst v0  }
0x3c: {  	[tilespmem:$0x1D840] =	vst v0  }
0x3d: {  	[tilespmem:$0x1D850] =	vst v0  }
0x3e: {  	[tilespmem:$0x1D860] =	vst v0  }
0x3f: {  	[tilespmem:$0x1D870] =	vst v0  }
0x40: {  	[tilespmem:$0x1D880] =	vst v0  }
0x41: {  	[tilespmem:$0x1D890] =	vst v0  }
0x42: {  	[tilespmem:$0x1D8A0] =	vst v0  }
0x43: {  	[tilespmem:$0x1D8B0] =	vst v0  }
0x44: {  	[tilespmem:$0x1D8C0] =	vst v0  }
0x45: {  	[tilespmem:$0x1D8D0] =	vst v0  }
0x46: {  	[tilespmem:$0x1D8E0] =	vst v0  }
0x47: {  	[tilespmem:$0x1D8F0] =	vst v0  }
0x48: {  	[bflag:$0x0] =	sbarrier.arrive $0xFFFF  }
0x49: {  	s15 =	rddreg [dreg:$0x8]  }
0x4a: {  	[tilespmem:s4], [sflag:$0x2] =	stream.linear.gather [hbm4b:s15+s4], $0x400, $0x38;
	[tilespmem:$0x1F170] =	vst v63  }
0x4b: {  	s16 =	rddreg [dreg:$0xa]  }
0x4c: {  	[tilespmem:s21], [sflag:$0x2] =	stream.linear.gather [hbm4b:s16+s4], $0x400, $0x38;
	[tilespmem:$0x1F170] =	vst v63  }
0x4d: {  	_ =	swait.ge [sflag:s22], $0x400  }
0x4e: {  	[sflag:s22] =	ssyncset.done $0x0  }
0x4f: {  	[sflag:s22] =	ssyncadd.s32 $0xFFFFFC00  }
0x50: {  	_ =	swait.ge [sflag:s22], $0x400  }
0x51: {  	[sflag:s22] =	ssyncset.done $0x0  }
0x52: {  	s17 =	rddreg [dreg:$0xd];
	[sflag:s22] =	ssyncadd.s32 $0xFFFFFC00  }
0x53: {  	[tilespmem:s7], [sflag:$0x2] =	stream.linear.gather [hbm4b:s17+s4], $0x400, $0x38;
	[tilespmem:$0x1F170] =	vst v63  }
0x54: {  	s13 =	rddreg [dreg:$0xe]  }
0x55: {  	[tilespmem:s23], [sflag:$0x2] =	stream.linear.gather [hbm4b:s13+s4], $0x400, $0x38;
	[tilespmem:$0x1F170] =	vst v63  }
0x56: {  	_ = 	snop  }
0x57: {  	[spmem:s3] =	stream.indirect.scatter.add.f32 [tilespmem:s25], [sflag:$0x5], $0x1, s21, s24, $0xb8;
	[tilespmem:$0x1F170] =	vst v63  }
0x58: {  	_ = 	snop  }
0x59: {  	[spmem:s3] =	stream.indirect.scatter.add.f32 [tilespmem:s25], [sflag:$0x5], $0x1, s26, s24, $0xb8;
	[tilespmem:$0x1F170] =	vst v63  }
0x5a: {  	_ = 	snop  }
0x5b: {  	[tilespmem:s28], [sflag:$0x1] =	stream.indirect.gather [hbm4b:s5+s24], $0x10, s4, s24, $0xb8;
	[tilespmem:$0x1F170] =	vst v63  }
0x5c: {  	_ =	swait.ge [sflag:s29], $0x2000  }
0x5d: {  	[sflag:s29] =	ssyncset.done $0x0  }
0x5e: {  	[sflag:s29] =	ssyncadd.s32 $0xFFFFE000  }
0x5f: {  	[spmem:s1] =	stream.indirect.scatter.add.f32 [tilespmem:s28], [sflag:$0x3], $0x10, s21, s24, $0xb8;
	[tilespmem:$0x1F170] =	vst v63  }
0x60: {  	_ = 	snop  }
0x61: {  	[tilespmem:s30], [sflag:$0x1] =	stream.indirect.gather [hbm4b:s5+s24], $0x10, s24, s24, $0xb8;
	[tilespmem:$0x1F170] =	vst v63  }
0x62: {  	_ =	swait.ge [sflag:s29], $0x2000  }
0x63: {  	[sflag:s29] =	ssyncset.done $0x0  }
0x64: {  	[sflag:s29] =	ssyncadd.s32 $0xFFFFE000  }
0x65: {  	[spmem:s1] =	stream.indirect.scatter.add.f32 [tilespmem:s30], [sflag:$0x4], $0x10, s26, s24, $0xb8;
	[tilespmem:$0x1F170] =	vst v63  }
0x66: {  	_ =	swait.ge [sflag:s22], $0x400  }
0x67: {  	[sflag:s22] =	ssyncset.done $0x0  }
0x68: {  	[sflag:s22] =	ssyncadd.s32 $0xFFFFFC00  }
0x69: {  	_ =	swait.ge [sflag:s22], $0x400  }
0x6a: {  	s14 =	sand.u32 $0x400, s7;
	[sflag:s22] =	ssyncset.done $0x0  }
0x6b: {  	s13 =	sxor.u32 $0x400, s14;
	[sflag:s22] =	ssyncadd.s32 $0xFFFFFC00  }
0x6c: {  	[tilespmem:s13], [sflag:$0x2] =	stream.linear.gather [hbm4b:s18+s4], $0x400, $0x38;
	[tilespmem:$0x1F170] =	vst v63  }
0x6d: {  	s16 =	sxor.u32 $0xC00, s14  }
0x6e: {  	[tilespmem:s16], [sflag:$0x2] =	stream.linear.gather [hbm4b:s19+s4], $0x400, $0x38;
	[tilespmem:$0x1F170] =	vst v63  }
0x6f: {  	_ =	swait.ge [sflag:s31], $0x2000  }
0x70: {  	[sflag:s31] =	ssyncset.done $0x0  }
0x71: {  	[sflag:s31] =	ssyncadd.s32 $0xFFFFE000  }
0x72: {  	_ =	swait.ge [sflag:s0], $0x2000  }
0x73: {  	[sflag:s0] =	ssyncset.done $0x0  }
0x74: {  	[sflag:s0] =	ssyncadd.s32 $0xFFFFE000  }
0x75: {  	_ =	swait.ge [sflag:s2], $0x200  }
0x76: {  	[sflag:s2] =	ssyncset.done $0x0  }
0x77: {  	[sflag:s2] =	ssyncadd.s32 $0xFFFFFE00  }
0x78: {  	_ =	swait.ge [sflag:s2], $0x200  }
0x79: {  	[sflag:s2] =	ssyncset.done $0x0  }
0x7a: {  	s17 =	sor.u32 $0x800, s14;
	[sflag:s2] =	ssyncadd.s32 $0xFFFFFE00  }
0x7b: {  	[spmem:s3] =	stream.indirect.scatter.add.f32 [tilespmem:s25], [sflag:$0x5], $0x1, s17, s24, $0xb8;
	[tilespmem:$0x1F170] =	vst v63  }
0x7c: {  	s15 =	sor.u32 $0xA00, s14  }
0x7d: {  	[spmem:s3] =	stream.indirect.scatter.add.f32 [tilespmem:s25], [sflag:$0x5], $0x1, s15, s24, $0xb8;
	[tilespmem:$0x1F170] =	vst v63  }
0x7e: {  	_ = 	snop  }
0x7f: {  	[tilespmem:s28], [sflag:$0x1] =	stream.indirect.gather [hbm4b:s5+s24], $0x10, s14, s24, $0xb8;
	[tilespmem:$0x1F170] =	vst v63  }
0x80: {  	_ =	swait.ge [sflag:s29], $0x2000  }
0x81: {  	[sflag:s29] =	ssyncset.done $0x0  }
0x82: {  	[sflag:s29] =	ssyncadd.s32 $0xFFFFE000  }
0x83: {  	[spmem:s1] =	stream.indirect.scatter.add.f32 [tilespmem:s28], [sflag:$0x3], $0x10, s17, s24, $0xb8;
	[tilespmem:$0x1F170] =	vst v63  }
0x84: {  	s12 =	sor.u32 $0x200, s14  }
0x85: {  	[tilespmem:s30], [sflag:$0x1] =	stream.indirect.gather [hbm4b:s5+s24], $0x10, s12, s24, $0xb8;
	[tilespmem:$0x1F170] =	vst v63  }
0x86: {  	_ =	swait.ge [sflag:s29], $0x2000  }
0x87: {  	s13 =	sadd.s32 $0x80, s18;
	[sflag:s29] =	ssyncset.done $0x0  }
0x88: {  	s14 =	sadd.s32 $0x80, s19;
	s12 =	simm.s32 $0x800;
	[sflag:s29] =	ssyncadd.s32 $0xFFFFE000  }
.LBB2_2:
0x89: {  	[spmem:s1] =	stream.indirect.scatter.add.f32 [tilespmem:s30], [sflag:$0x4], $0x10, s15, s24, $0xb8;
	[tilespmem:$0x1F170] =	vst v63  }
0x8a: {  	s15 =	smov.u32 s12  }
0x8b: {  	p0 =	sne.s32 s12, $0x18000;
	s12 =	sadd.s32 $0x400, s12;
	_ =	swait.ge [sflag:s22], $0x400  }
0x8c: {  	[sflag:s22] =	ssyncset.done $0x0  }
0x8d: {  	[sflag:s22] =	ssyncadd.s32 $0xFFFFFC00  }
0x8e: {  	_ =	swait.ge [sflag:s22], $0x400  }
0x8f: {  	s16 =	sand.u32 $0x400, s15;
	[sflag:s22] =	ssyncset.done $0x0  }
0x90: {  	s15 =	sxor.u32 $0x400, s16;
	[sflag:s22] =	ssyncadd.s32 $0xFFFFFC00  }
0x91: {  	[tilespmem:s15], [sflag:$0x2] =	stream.linear.gather [hbm4b:s13+s4], $0x400, $0x38;
	[tilespmem:$0x1F170] =	vst v63  }
0x92: {  	s15 =	sxor.u32 $0xC00, s16  }
0x93: {  	[tilespmem:s15], [sflag:$0x2] =	stream.linear.gather [hbm4b:s14+s4], $0x400, $0x38;
	[tilespmem:$0x1F170] =	vst v63  }
0x94: {  	_ =	swait.ge [sflag:s31], $0x2000  }
0x95: {  	[sflag:s31] =	ssyncset.done $0x0  }
0x96: {  	[sflag:s31] =	ssyncadd.s32 $0xFFFFE000  }
0x97: {  	_ =	swait.ge [sflag:s0], $0x2000  }
0x98: {  	[sflag:s0] =	ssyncset.done $0x0  }
0x99: {  	[sflag:s0] =	ssyncadd.s32 $0xFFFFE000  }
0x9a: {  	_ =	swait.ge [sflag:s2], $0x200  }
0x9b: {  	[sflag:s2] =	ssyncset.done $0x0  }
0x9c: {  	[sflag:s2] =	ssyncadd.s32 $0xFFFFFE00  }
0x9d: {  	_ =	swait.ge [sflag:s2], $0x200  }
0x9e: {  	[sflag:s2] =	ssyncset.done $0x0  }
0x9f: {  	s17 =	sor.u32 $0x800, s16;
	[sflag:s2] =	ssyncadd.s32 $0xFFFFFE00  }
0xa0: {  	[spmem:s3] =	stream.indirect.scatter.add.f32 [tilespmem:s25], [sflag:$0x5], $0x1, s17, s24, $0xb8;
	[tilespmem:$0x1F170] =	vst v63  }
0xa1: {  	s15 =	sor.u32 $0xA00, s16  }
0xa2: {  	[spmem:s3] =	stream.indirect.scatter.add.f32 [tilespmem:s25], [sflag:$0x5], $0x1, s15, s24, $0xb8;
	[tilespmem:$0x1F170] =	vst v63  }
0xa3: {  	_ = 	snop  }
0xa4: {  	[tilespmem:s28], [sflag:$0x1] =	stream.indirect.gather [hbm4b:s5+s24], $0x10, s16, s24, $0xb8;
	[tilespmem:$0x1F170] =	vst v63  }
0xa5: {  	_ =	swait.ge [sflag:s29], $0x2000  }
0xa6: {  	[sflag:s29] =	ssyncset.done $0x0  }
0xa7: {  	[sflag:s29] =	ssyncadd.s32 $0xFFFFE000  }
0xa8: {  	[spmem:s1] =	stream.indirect.scatter.add.f32 [tilespmem:s28], [sflag:$0x3], $0x10, s17, s24, $0xb8;
	[tilespmem:$0x1F170] =	vst v63  }
.Ltmp0:
0xa9: {  	s16 =	sor.u32 $0x200, s16;
	(pc) =	sbr.rel @p0 .LBB2_2-.Ltmp0, $4  }
0xaa: {  	[tilespmem:s30], [sflag:$0x1] =	stream.indirect.gather [hbm4b:s5+s24], $0x10, s16, s24, $0xb8;
	[tilespmem:$0x1F170] =	vst v63  }
0xab: {  	_ =	swait.ge [sflag:s29], $0x2000  }
0xac: {  	[sflag:s29] =	ssyncset.done $0x0  }
0xad: {  	s13 =	sadd.s32 $0x80, s13;
	s14 =	sadd.s32 $0x80, s14;
	[sflag:s29] =	ssyncadd.s32 $0xFFFFE000  }
0xae: {  	[spmem:s1] =	stream.indirect.scatter.add.f32 [tilespmem:s30], [sflag:$0x4], $0x10, s15, s24, $0xb8;
	[tilespmem:$0x1F170] =	vst v63  }
0xaf: {  	_ =	swait.ge [sflag:s22], $0x400  }
0xb0: {  	[sflag:s22] =	ssyncset.done $0x0  }
0xb1: {  	[sflag:s22] =	ssyncadd.s32 $0xFFFFFC00  }
0xb2: {  	_ =	swait.ge [sflag:s22], $0x400  }
0xb3: {  	[sflag:s22] =	ssyncset.done $0x0  }
0xb4: {  	[sflag:s22] =	ssyncadd.s32 $0xFFFFFC00  }
0xb5: {  	_ =	swait.ge [sflag:s31], $0x2000  }
0xb6: {  	[sflag:s31] =	ssyncset.done $0x0  }
0xb7: {  	[sflag:s31] =	ssyncadd.s32 $0xFFFFE000  }
0xb8: {  	_ =	swait.ge [sflag:s0], $0x2000  }
0xb9: {  	[sflag:s0] =	ssyncset.done $0x0  }
0xba: {  	[sflag:s0] =	ssyncadd.s32 $0xFFFFE000  }
0xbb: {  	_ =	swait.ge [sflag:s2], $0x200  }
0xbc: {  	[sflag:s2] =	ssyncset.done $0x0  }
0xbd: {  	[sflag:s2] =	ssyncadd.s32 $0xFFFFFE00  }
0xbe: {  	_ =	swait.ge [sflag:s2], $0x200  }
0xbf: {  	[sflag:s2] =	ssyncset.done $0x0  }
0xc0: {  	[sflag:s2] =	ssyncadd.s32 $0xFFFFFE00  }
0xc1: {  	[spmem:s3] =	stream.indirect.scatter.add.f32 [tilespmem:s25], [sflag:$0x5], $0x1, s23, s24, $0xb8;
	[tilespmem:$0x1F170] =	vst v63  }
0xc2: {  	_ = 	snop  }
0xc3: {  	[spmem:s3] =	stream.indirect.scatter.add.f32 [tilespmem:s25], [sflag:$0x5], $0x1, s6, s24, $0xb8;
	[tilespmem:$0x1F170] =	vst v63  }
0xc4: {  	_ = 	snop  }
0xc5: {  	[tilespmem:s28], [sflag:$0x1] =	stream.indirect.gather [hbm4b:s5+s24], $0x10, s7, s24, $0xb8;
	[tilespmem:$0x1F170] =	vst v63  }
0xc6: {  	_ =	swait.ge [sflag:s29], $0x2000  }
0xc7: {  	[sflag:s29] =	ssyncset.done $0x0  }
0xc8: {  	[sflag:s29] =	ssyncadd.s32 $0xFFFFE000  }
0xc9: {  	[spmem:s1] =	stream.indirect.scatter.add.f32 [tilespmem:s28], [sflag:$0x3], $0x10, s23, s24, $0xb8;
	[tilespmem:$0x1F170] =	vst v63  }
0xca: {  	s12 =	simm.s32 $0x600  }
0xcb: {  	[tilespmem:s30], [sflag:$0x1] =	stream.indirect.gather [hbm4b:s5+s24], $0x10, s12, s24, $0xb8;
	[tilespmem:$0x1F170] =	vst v63  }
0xcc: {  	_ =	swait.ge [sflag:s29], $0x2000  }
0xcd: {  	[sflag:s29] =	ssyncset.done $0x0  }
0xce: {  	[sflag:s29] =	ssyncadd.s32 $0xFFFFE000  }
0xcf: {  	[spmem:s1] =	stream.indirect.scatter.add.f32 [tilespmem:s30], [sflag:$0x4], $0x10, s6, s24, $0xb8;
	[tilespmem:$0x1F170] =	vst v63  }
0xd0: {  	_ =	swait.ge [sflag:s31], $0x2000  }
0xd1: {  	[sflag:s31] =	ssyncset.done $0x0  }
0xd2: {  	[sflag:s31] =	ssyncadd.s32 $0xFFFFE000  }
0xd3: {  	_ =	swait.ge [sflag:s0], $0x2000  }
0xd4: {  	[sflag:s0] =	ssyncset.done $0x0  }
0xd5: {  	[sflag:s0] =	ssyncadd.s32 $0xFFFFE000  }
0xd6: {  	_ =	swait.ge [sflag:s2], $0x200  }
0xd7: {  	[sflag:s2] =	ssyncset.done $0x0  }
0xd8: {  	[sflag:s2] =	ssyncadd.s32 $0xFFFFFE00  }
0xd9: {  	_ =	swait.ge [sflag:s2], $0x200  }
0xda: {  	[sflag:s2] =	ssyncset.done $0x0  }
0xdb: {  	[sflag:s2] =	ssyncadd.s32 $0xFFFFFE00  }
0xdc: {  	[bflag:$0x0] =	sbarrier.arrive $0xFFFF  }
0xdd: {  	s15 =	rddreg [dreg:$0x9]  }
0xde: {  	[hbm:s15], [sflag:s8] =	dma.local [spmem:s10], $0x30E0  }
0xdf: {  	_ =	swait.ge [sflag:s20], $0x30E0  }
0xe0: {  	[sflag:s20] =	ssyncset.done $0x0  }
0xe1: {  	s16 =	rddreg [dreg:$0xb];
	[sflag:s20] =	ssyncadd.s32 $0xFFFFCF20  }
0xe2: {  	[hbm:s16], [sflag:s8] =	dma.local [spmem:s11], $0x30E  }
0xe3: {  	_ =	swait.ge [sflag:s20], $0x30E  }
0xe4: {  	s9 =	sadd.s32 $0x1, s9;
	s17 =	rddreg [dreg:$0xc]  }
0xe5: {  	p0 =	sne.s32 s9, s17  }
.Ltmp1:
0xe6: {  	_ = 	snop;
	(pc) =	sbr.rel @p0 .LBB2_1-.Ltmp1, $3  }
0xe7: {  	_ =	sdelay $0x1  }
0xe8: {  	[sflag:s20] =	ssyncset.done $0x0  }
0xe9: {  	[sflag:s20] =	ssyncadd.s32 $0xFFFFFCF2  }
0xea: {  	_ =	sfence.sel $0x180000  }
0xeb: {  	[bflag:$0x0] =	sbarrier.arrive $0xFFFF  }
0xec: {  	_ =	strace $0x90000047  }
0xed: {  	s0 =	stileid.u32;
	[bflag:$0x2] =	sbarrier.arrive $0xFFFF  }
0xee: {  	p0 =	sne.s32 s0, $0x0;
	s0 =	rddreg [dreg:$0x3]  }
0xef: {  	s0 =	sadd.s32 @!p0 $0x100000, s0  }
0xf0: {  	[sflag:s0] =	ssyncadd.tile.s32 @!p0 $0x1;
	_ =	shalt  }
.Lfunc_end2:
_tile_overlayer_lowered:
.L_overlay_start_2:
0xf1: {  	(tag) =	ssettag $0x2  }
0xf2: {  	s0 =	rddreg [dreg:$0x0];
	s2 =	stileid.u32  }
0xf3: {  	s1 =	rddreg [dreg:$0x1];
	p0 =	sne.s32 s2, $0x0  }
0xf4: {  	s3 =	rddreg [dreg:$0x2];
	[bflag:$0x3] =	sbarrier.arrive $0xFFFF;
	s2 =	simm.s32 @!p0 $0x1C06  }
0xf5: {  	[timem:s3], [sflag:s2] =	dma.local @!p0 [hbm:s0], s1  }
0xf6: {  	s0 =	simm.s32 @!p0 $0x6  }
0xf7: {  	_ =	swait.ge @!p0 [sflag:s0], s1  }
0xf8: {  	s1 =	ssub.s32 @!p0 $0x0, s1;
	[sflag:s0] =	ssyncset.done @!p0 $0x0  }
0xf9: {  	[sflag:s0] =	ssyncadd.s32 @!p0 s1  }
0xfa: {  	[bflag:$0x3] =	sbarrier.arrive $0xFFFF  }
0xfb: {  	_ =	shalt  }

// kernel: kernel.13.cloned.1.call-start
scs
__scs_entry_jumppad:
0x0: {  	(pc) =	sbr.rel $0x88, $3  }
0x1: {  	(tag) =	ssettag $0x0;
	lr =	simm.s32 $0x1  }
0x2: {  	[smem:$0x3F94] =	sst lr;
	_ =	strace $0xD0000000  }
0x3: {  	_ = 	snop  }
0x4: {  	_ = 	snop  }
0x5: {  	_ = 	snop  }
0x6: {  	_ = 	snop  }
0x7: {  	_ = 	snop  }
__scs_overlays_trampoline_lowered:
0x8: {  	[smem:$0x3FA3] =	sst s0  }
0x9: {  	[smem:$0x3FA4] =	sst s1  }
0xa: {  	[smem:$0x3FA5] =	sst s2  }
0xb: {  	[smem:$0x3FA6] =	sst s3  }
0xc: {  	[smem:$0x3FA7] =	sst s4  }
0xd: {  	[smem:$0x3FA8] =	sst s5  }
0xe: {  	[smem:$0x3FA9] =	sst s6  }
0xf: {  	[smem:$0x3FAA] =	sst s7  }
0x10: {  	[smem:$0x3FAB] =	sst s8  }
0x11: {  	[smem:$0x3FAC] =	sst s9;
	s0 =	simm.s32 @!p0 $0x0  }
0x12: {  	s1 =	sld [smem:$0x3F92];
	s0 =	simm.s32 @p0 $0x1  }
0x13: {  	[smem:$0x3FAD] =	sst s0;
	s0 =	simm.s32 @!p1 $0x0  }
0x14: {  	s2 =	sld [smem:$0x3F91];
	s0 =	simm.s32 @p1 $0x1  }
0x15: {  	[smem:$0x3FAE] =	sst s0;
	s0 =	simm.s32 @!p2 $0x0  }
0x16: {  	s3 =	sld [smem:$0x3FDB];
	s0 =	simm.s32 @p2 $0x1  }
0x17: {  	s4 =	simm.s32 $0x1BF5;
	[smem:$0x3FB0] =	sst s0  }
0x18: {  	s0 =	sld [smem:$0x3F93];
	_ =	swait.ge [sflag:s4], $0x0  }
0x19: {  	s7 =	sld [smem:$0x3F94]  }
0x1a: {  	s8 =	sadd.s32 $0xFFFFE003, lr  }
0x1b: {  	s9 =	sadd.s32 $0xFFFFFEF7, lr;
	s5 =	simm.s32 $0xFFFFFFFF;
	p2 =	slt.u32 s8, $0xFFFFF086  }
0x1c: {  	p1 =	slt.u32 s9, $0xF7A;
	s5 =	simm.s32 @!p2 $0x0  }
0x1d: {  	s5 =	simm.s32 @p1 $0x1;
	p0 =	seq.s32 s7, s2  }
0x1e: {  	s7 =	smul.u32 @!p0 $0xF7A, s2;
	p2 =	seq.s32 @!p0 s5, $0x0  }
0x1f: {  	s9 =	smul.u32 $0xF7A, s1;
	s8 =	simm.s32 @!p0 $0x1BF5;
	p2 =	por !p2, p0  }
0x20: {  	[sflag:s8] =	ssyncset.s32 @!p0 $0xFFFFF086;
	s6 =	sadd.s32 @!p0 s3, s7;
	s7 =	simm.s32 @!p0 $0x108  }
0x21: {  	s3 =	sadd.s32 s3, s9;
	s6 =	sadd.s32 @!p0 $0x88, s6;
	s7 =	simm.s32 @p2 $0x1082  }
0x22: {  	[simem:s7], [sflag:s8] =	dma.local @!p0 [hbm:s6], $0xF7A  }
0x23: {  	s9 =	sor.u32 $0xD0000000, s2;
	s6 =	simm.s32 $0x108;
	_ =	swait.ge @!p0 [sflag:s8], $0x0  }
0x24: {  	s3 =	sadd.s32 $0x88, s3;
	s6 =	simm.s32 @!p1 $0x1082;
	[sflag:s4] =	ssyncset.s32 $0xFFFFF086  }
0x25: {  	[simem:s6], [sflag:s4] =	dma.local [hbm:s3], $0xF7A  }
0x26: {  	[smem:$0x3F94] =	sst s1;
	(tag) =	ssettag s2;
	_ =	strace s9  }
0x27: {  	s1 =	sld [smem:$0x3FA4]  }
0x28: {  	s2 =	sld [smem:$0x3FA5]  }
0x29: {  	s4 =	sld [smem:$0x3FA7]  }
0x2a: {  	p0 =	seq.s32 s5, $0x0;
	s5 =	sld [smem:$0x3FA8]  }
0x2b: {  	s6 =	sld [smem:$0x3FA9]  }
0x2c: {  	s7 =	sld [smem:$0x3FAA]  }
0x2d: {  	s3 =	simm.s32 $0x108;
	s8 =	sld [smem:$0x3FAB]  }
0x2e: {  	s3 =	simm.s32 @!p0 $0x1082;
	s9 =	sld [smem:$0x3FAC]  }
0x2f: {  	lr =	sadd.s32 s0, s3;
	s0 =	sld [smem:$0x3FA3]  }
0x30: {  	s3 =	sld [smem:$0x3FA6]  }
0x31: {  	[smem:$0x3FAF] =	sst s10  }
0x32: {  	s10 =	sld [smem:$0x3FAD];
	_ =	sdelay $0x3  }
0x33: {  	p0 =	seq.s32 s10, $0x1;
	s10 =	sld [smem:$0x3FAF];
	_ =	sdelay $0x3  }
0x34: {  	[smem:$0x3FAF] =	sst s10  }
0x35: {  	s10 =	sld [smem:$0x3FAE];
	_ =	sdelay $0x3  }
0x36: {  	p1 =	seq.s32 s10, $0x1;
	s10 =	sld [smem:$0x3FAF];
	_ =	sdelay $0x3  }
0x37: {  	[smem:$0x3FAF] =	sst s10  }
0x38: {  	s10 =	sld [smem:$0x3FB0]  }
0x39: {  	_ = 	snop;
	(pc) =	sbr.ind lr, $3  }
0x3a: {  	_ = 	snop  }
0x3b: {  	_ = 	snop  }
0x3c: {  	p2 =	seq.s32 s10, $0x1;
	s10 =	sld [smem:$0x3FAF]  }
0x3d: {  	_ =	shalt  }
0x3e: {  	_ =	shalt  }
0x3f: {  	_ =	shalt  }
0x40: {  	_ =	shalt  }
0x41: {  	_ =	shalt  }
0x42: {  	_ =	shalt  }
0x43: {  	_ =	shalt  }
0x44: {  	_ =	shalt  }
0x45: {  	_ =	shalt  }
0x46: {  	_ =	shalt  }
0x47: {  	_ =	shalt  }
0x48: {  	_ =	shalt  }
0x49: {  	_ =	shalt  }
0x4a: {  	_ =	shalt  }
0x4b: {  	_ =	shalt  }
0x4c: {  	_ =	shalt  }
0x4d: {  	_ =	shalt  }
0x4e: {  	_ =	shalt  }
0x4f: {  	_ =	shalt  }
0x50: {  	_ =	shalt  }
0x51: {  	_ =	shalt  }
0x52: {  	_ =	shalt  }
0x53: {  	_ =	shalt  }
0x54: {  	_ =	shalt  }
0x55: {  	_ =	shalt  }
0x56: {  	_ =	shalt  }
0x57: {  	_ =	shalt  }
0x58: {  	_ =	shalt  }
0x59: {  	_ =	shalt  }
0x5a: {  	_ =	shalt  }
0x5b: {  	_ =	shalt  }
0x5c: {  	_ =	shalt  }
0x5d: {  	_ =	shalt  }
0x5e: {  	_ =	shalt  }
0x5f: {  	_ =	shalt  }
0x60: {  	_ =	shalt  }
0x61: {  	_ =	shalt  }
0x62: {  	_ =	shalt  }
0x63: {  	_ =	shalt  }
0x64: {  	_ =	shalt  }
0x65: {  	_ =	shalt  }
0x66: {  	_ =	shalt  }
0x67: {  	_ =	shalt  }
0x68: {  	_ =	shalt  }
0x69: {  	_ =	shalt  }
0x6a: {  	_ =	shalt  }
0x6b: {  	_ =	shalt  }
0x6c: {  	_ =	shalt  }
0x6d: {  	_ =	shalt  }
0x6e: {  	_ =	shalt  }
0x6f: {  	_ =	shalt  }
0x70: {  	_ =	shalt  }
0x71: {  	_ =	shalt  }
0x72: {  	_ =	shalt  }
0x73: {  	_ =	shalt  }
0x74: {  	_ =	shalt  }
0x75: {  	_ =	shalt  }
0x76: {  	_ =	shalt  }
0x77: {  	_ =	shalt  }
0x78: {  	_ =	shalt  }
0x79: {  	_ =	shalt  }
0x7a: {  	_ =	shalt  }
0x7b: {  	_ =	shalt  }
0x7c: {  	_ =	shalt  }
0x7d: {  	_ =	shalt  }
0x7e: {  	_ =	shalt  }
0x7f: {  	_ =	shalt  }
0x80: {  	_ =	shalt  }
0x81: {  	_ =	shalt  }
0x82: {  	_ =	shalt  }
0x83: {  	_ =	shalt  }
0x84: {  	_ =	shalt  }
0x85: {  	_ =	shalt  }
0x86: {  	_ =	shalt  }
0x87: {  	_ =	shalt  }
.Lfunc_end0:
.L_simem_size_0:
called_computation.1_lowered:
.L_overlay_start_0:
0x88: {  	s2 =	sld [smem:$0x3FD9]  }
0x89: {  	s3 =	sld [smem:$0x3FFE];
	_ =	sdelay $0x1  }
0x8a: {  	s1 =	srdreg.scid  }
0x8b: {  	s0 =	sand.u32 $0x1, s1  }
0x8c: {  	s16 =	sshll.u32 s0, $0xA;
	s2 =	sadd.s32 s3, s2  }
0x8d: {  	s2 =	sadd.s32 s2, s16  }
0x8e: {  	[smem:$0x3FBB] =	sst s2  }
0x8f: {  	_ = 	snop  }
0x90: {  	(tm) =	ssettm $0x1  }
0x91: {  	s17 =	sld [smem:$0x3FFB];
	_ =	sdelay $0x3  }
0x92: {  	_ =	strace s17  }
0x93: {  	s2 =	sld [smem:$0x3FFC];
	_ =	sdelay $0x3  }
0x94: {  	_ =	strace s2  }
0x95: {  	s2 =	sld [smem:$0x3FFD];
	_ =	sdelay $0x3  }
0x96: {  	_ =	strace s2  }
0x97: {  	_ =	strace $0x8FFFFFFF  }
0x98: {  	s18 =	sld [smem:$0x3FDB];
	_ =	sdelay $0x1  }
0x99: {  	s19 =	simm.s32 $_scs_section_size  }
0x9a: {  	s4 =	simm.s32 $_size__tile_overlayer_lowered;
	s5 =	simm.s32 $_tile_overlayer_lowered  }
0x9b: {  	s22 =	simm.s32 $0x1BFF;
	s21 =	sshll.u32 s5, $0x1;
	s2 =	sadd.s32 s19, s18  }
0x9c: {  	s6 =	simm.s32 $0x0;
	s20 =	sshll.u32 s4, $0x1;
	s4 =	sadd.s32 s21, s2  }
0x9d: {  	[timem:s6], [sflag:s22] =	dma.local [hbm:s4], s20  }
0x9e: {  	_ =	swait.ge [sflag:s22], s20  }
0x9f: {  	s3 =	ssub.s32 $0x0, s20;
	[sflag:s22] =	ssyncset.done $0x0  }
0xa0: {  	[sflag:s22] =	ssyncadd.s32 s3;
	_ =	sdelay $0x1  }
0xa1: {  	s23 =	simm.s32 $0x1B8B  }
0xa2: {  	_ =	swait.ge [sflag:s23], $0x1  }
0xa3: {  	[sflag:s23] =	ssyncset.done $0x0  }
0xa4: {  	s25 =	simm.s32 $0x1B8E;
	s24 =	sld [smem:$0x3FFE];
	[sflag:s23] =	ssyncadd.s32 $0xFFFFFFFF  }
0xa5: {  	s26 =	simm.s32 $execute0_lowered;
	[smem:$0x3FD2] =	sst s25  }
0xa6: {  	s4 =	sshll.u32 s26, $0x1;
	_ =	strace $0x80000049;
	[dreg:$0x1] =	wrdreg $0xFFFFFFFF  }
0xa7: {  	s28 =	simm.s32 $_size_execute0_lowered;
	s2 =	sadd.s32 s2, s4;
	[dreg:$0x0] =	wrdreg $0x0  }
0xa8: {  	s4 =	sshll.u32 s28, $0x1;
	[dreg:$0x2] =	wrdreg s2  }
0xa9: {  	[dreg:$0x3] =	wrdreg s4  }
0xaa: {  	[dreg:$0x4] =	wrdreg $0xC0  }
0xab: {  	_ =	task [dreg:s6], $0x5FFFF  }
0xac: {  	[dreg:$0x1] =	wrdreg $0xFFFFFFFF  }
0xad: {  	[dreg:$0x0] =	wrdreg $0x60  }
0xae: {  	[dreg:$0x2] =	wrdreg s24  }
0xaf: {  	[dreg:$0x3] =	wrdreg $0x50000  }
0xb0: {  	[dreg:$0x4] =	wrdreg $0x9  }
0xb1: {  	_ =	task.clear_ibuf [dreg:s6], $0x5FFFF;
	_ =	strace $0x90000049  }
0xb2: {  	s29 =	simm.s32 $0x9;
	_ =	strace $0x8000004B  }
0xb3: {  	_ =	swait.ge [sflag:s29], $0x1  }
0xb4: {  	[sflag:s29] =	ssyncadd.s32 $0xFFFFFFFF  }
0xb5: {  	_ =	strace $0x9000004B  }
0xb6: {  	_ =	sfence  }
0xb7: {  	s30 =	sld [smem:$0x0];
	_ =	sdelay $0x2  }
0xb8: {  	s31 =	sshll.u32 s1, $0xD;
	s1 =	sshrl.u32 s1, $0x2  }
0xb9: {  	s3 =	sand.u32 $0x4000, s31;
	s1 =	sadd.s32 s1, s30  }
0xba: {  	s0 =	sor.u32 s3, s0;
	s1 =	sshll.u32 s1, $0x11  }
0xbb: {  	s0 =	sor.u32 s1, s0  }
0xbc: {  	s0 =	sadd.s32 $0x8F2B, s0  }
0xbd: {  	[sflag:s0] =	ssyncadd.remote.s32 $0x1  }
0xbe: {  	_ =	sfence.sel $0xFFFF  }
0xbf: {  	[dreg:$0x0] =	wrdreg $0xFFFFFFFF;
	(pc) =	sbr.abs _section_cstart, $3  }
0xc0: {  	[dreg:$0x1] =	wrdreg $0xFFFFFFFF  }
0xc1: {  	_ =	task.clear_ibuf [dreg:s6], $0x2FFFF;
	_ =	strace $0x9FFFFFFF  }
0xc2: {  	(tm) =	ssettm $0x7FFFFFFF  }
0xc3: {  	_ =	shalt  }
tec
execute0_lowered:
.L_overlay_start_1:
0x0: {  	(tag) =	ssettag $0x1  }
0x1: {  	s0 =	rddreg [dreg:$0x0]  }
0x2: {  	s2 =	rddreg [dreg:$0x1]  }
0x3: {  	s3 =	simm.s32 $0x0;
	s14 =	stileid.u32;
	s1 =	srdreg.scid  }
0x4: {  	s17 =	simm.s32 $0x800;
	s18 =	simm.s32 $0x2;
	s19 =	simm.s32 $0xC00  }
0x5: {  	s20 =	simm.s32 $0x200;
	s21 =	simm.s32 $0x1000;
	s22 =	simm.s32 $0x1  }
0x6: {  	s23 =	simm.s32 $0x3000;
	s28 =	simm.s32 $0x400;
	s31 =	simm.s32 $0x0  }
0x7: {  	[smem:$0x7FF] =	sst s3;
	s5 =	smul.u32 $0x18700, s14;
	s1 =	sand.u32 $0x1, s1  }
0x8: {  	s4 =	sadd.s32 $0x4600, s0;
	s12 =	sadd.s32 $0x35400, s0;
	s13 =	sadd.s32 $0x97400, s0  }
0x9: {  	s8 =	sshll.u32 s14, $0x1;
	s25 =	sshll.u32 s14, $0x6;
	s26 =	smul.u32 $0x6200, s14  }
0xa: {  	_ =	strace $0x8000004A;
	s6 =	smul.u32 $0x187000, s1;
	s9 =	ssub.s32 $0x2, s1  }
0xb: {  	s8 =	sor.u32 s1, s8;
	s1 =	smul.u32 $0x3100, s1;
	s7 =	sshrl.u32 s5, $0x3  }
0xc: {  	s24 =	sshrl.u32 s9, $0x1;
	s11 =	smul.u32 $0x3100, s8;
	s15 =	sadd.s32 s5, s2  }
0xd: {  	s16 =	sadd.s32 s26, s12;
	s7 =	sadd.s32 s7, s0;
	s6 =	sadd.s32 s5, s6  }
0xe: {  	s10 =	ssub.s32 s9, s24;
	s30 =	sadd.s32 s1, s16;
	s15 =	sshrl.u32 s15, $0x3  }
0xf: {  	s16 =	simm.s32 $0x5;
	s6 =	sshrl.u32 s6, $0x3;
	s5 =	sadd.s32 $0xF9400, s7  }
0x10: {  	s7 =	sadd.s32 s12, s11;
	s8 =	sadd.s32 s13, s11;
	s10 =	smax.u32 s10, $0x1  }
0x11: {  	s29 =	sor.u32 $0x80, s11;
	s0 =	sadd.s32 s6, s0;
	s6 =	sor.u32 $0x1C05, s25  }
0x12: {  	s11 =	sadd.s32 s12, s29;
	s9 =	sadd.s32 $0x12A600, s0;
	s0 =	sadd.s32 s26, s13  }
0x13: {  	s12 =	sadd.s32 s13, s29;
	s25 =	simm.s32 $0x3;
	s0 =	sadd.s32 s1, s0  }
0x14: {  	s13 =	sadd.s32 $0x100, s30;
	s26 =	simm.s32 $0x4;
	s14 =	sadd.s32 $0x100, s0  }
.LBB2_1:
0x15: {  	[spmem:s15], [sflag:s6] =	dma.local [hbm:s5], $0x30E0  }
0x16: {  	_ =	swait.ge [sflag:s16], $0x30E0  }
0x17: {  	[sflag:s16] =	ssyncset.done $0x0  }
0x18: {  	[sflag:s16] =	ssyncadd.s32 $0xFFFFCF20  }
0x19: {  	[bflag:$0x0] =	sbarrier.arrive $0xFFFF  }
0x1a: {  	[tilespmem:s3], [sflag:$0x2] =	stream.linear.gather [hbm4b:s7+s3], $0x400, $0x38;
	[tilespmem:$0x1D700] =	vst v63  }
0x1b: {  	_ = 	snop  }
0x1c: {  	[tilespmem:s17], [sflag:$0x2] =	stream.linear.gather [hbm4b:s8+s3], $0x400, $0x38;
	[tilespmem:$0x1D700] =	vst v63  }
0x1d: {  	_ =	swait.ge [sflag:s18], $0x400  }
0x1e: {  	[sflag:s18] =	ssyncset.done $0x0  }
0x1f: {  	[sflag:s18] =	ssyncadd.s32 $0xFFFFFC00  }
0x20: {  	_ =	swait.ge [sflag:s18], $0x400  }
0x21: {  	[sflag:s18] =	ssyncset.done $0x0  }
0x22: {  	[sflag:s18] =	ssyncadd.s32 $0xFFFFFC00  }
0x23: {  	[tilespmem:s28], [sflag:$0x2] =	stream.linear.gather [hbm4b:s11+s3], $0x400, $0x38;
	[tilespmem:$0x1D700] =	vst v63  }
0x24: {  	_ = 	snop  }
0x25: {  	[tilespmem:s19], [sflag:$0x2] =	stream.linear.gather [hbm4b:s12+s3], $0x400, $0x38;
	[tilespmem:$0x1D700] =	vst v63  }
0x26: {  	_ = 	snop  }
0x27: {  	[tilespmem:s21], [sflag:$0x1] =	stream.indirect.gather [hbm4b:s4+s20], $0x10, s3, s20, $0xb8;
	[tilespmem:$0x1D700] =	vst v63  }
0x28: {  	_ =	swait.ge [sflag:s22], $0x2000  }
0x29: {  	[sflag:s22] =	ssyncset.done $0x0  }
0x2a: {  	[sflag:s22] =	ssyncadd.s32 $0xFFFFE000  }
0x2b: {  	[spmem:s2] =	stream.indirect.scatter.add.f32 [tilespmem:s21], [sflag:$0x3], $0x10, s17, s20, $0xb8;
	[tilespmem:$0x1D700] =	vst v63  }
0x2c: {  	_ = 	snop  }
0x2d: {  	[tilespmem:s23], [sflag:$0x1] =	stream.indirect.gather [hbm4b:s4+s20], $0x10, s20, s20, $0xb8;
	[tilespmem:$0x1D700] =	vst v63  }
0x2e: {  	_ =	swait.ge [sflag:s22], $0x2000  }
0x2f: {  	[sflag:s22] =	ssyncset.done $0x0  }
0x30: {  	s0 =	simm.s32 $0xA00;
	[sflag:s22] =	ssyncadd.s32 $0xFFFFE000  }
0x31: {  	[spmem:s2] =	stream.indirect.scatter.add.f32 [tilespmem:s23], [sflag:$0x4], $0x10, s0, s20, $0xb8;
	[tilespmem:$0x1D700] =	vst v63  }
0x32: {  	_ =	swait.ge [sflag:s18], $0x400  }
0x33: {  	[sflag:s18] =	ssyncset.done $0x0  }
0x34: {  	[sflag:s18] =	ssyncadd.s32 $0xFFFFFC00  }
0x35: {  	_ =	swait.ge [sflag:s18], $0x400  }
0x36: {  	s24 =	sand.u32 $0x400, s28;
	[sflag:s18] =	ssyncset.done $0x0  }
0x37: {  	s1 =	sxor.u32 $0x400, s24;
	[sflag:s18] =	ssyncadd.s32 $0xFFFFFC00  }
0x38: {  	[tilespmem:s1], [sflag:$0x2] =	stream.linear.gather [hbm4b:s13+s3], $0x400, $0x38;
	[tilespmem:$0x1D700] =	vst v63  }
0x39: {  	s30 =	sxor.u32 $0xC00, s24  }
0x3a: {  	[tilespmem:s30], [sflag:$0x2] =	stream.linear.gather [hbm4b:s14+s3], $0x400, $0x38;
	[tilespmem:$0x1D700] =	vst v63  }
0x3b: {  	_ =	swait.ge [sflag:s25], $0x2000  }
0x3c: {  	[sflag:s25] =	ssyncset.done $0x0  }
0x3d: {  	[sflag:s25] =	ssyncadd.s32 $0xFFFFE000  }
0x3e: {  	_ =	swait.ge [sflag:s26], $0x2000  }
0x3f: {  	[sflag:s26] =	ssyncset.done $0x0  }
0x40: {  	[sflag:s26] =	ssyncadd.s32 $0xFFFFE000  }
0x41: {  	[tilespmem:s21], [sflag:$0x1] =	stream.indirect.gather [hbm4b:s4+s20], $0x10, s24, s20, $0xb8;
	[tilespmem:$0x1D700] =	vst v63  }
0x42: {  	_ =	swait.ge [sflag:s22], $0x2000  }
0x43: {  	[sflag:s22] =	ssyncset.done $0x0  }
0x44: {  	s1 =	sor.u32 $0x800, s24;
	[sflag:s22] =	ssyncadd.s32 $0xFFFFE000  }
0x45: {  	[spmem:s2] =	stream.indirect.scatter.add.f32 [tilespmem:s21], [sflag:$0x3], $0x10, s1, s20, $0xb8;
	[tilespmem:$0x1D700] =	vst v63  }
0x46: {  	s30 =	sor.u32 $0x200, s24  }
0x47: {  	[tilespmem:s23], [sflag:$0x1] =	stream.indirect.gather [hbm4b:s4+s20], $0x10, s30, s20, $0xb8;
	[tilespmem:$0x1D700] =	vst v63  }
0x48: {  	_ =	swait.ge [sflag:s22], $0x2000  }
0x49: {  	s29 =	sor.u32 $0xA00, s24;
	s0 =	simm.s32 $0x800;
	[sflag:s22] =	ssyncset.done $0x0  }
0x4a: {  	s24 =	sadd.s32 $0x80, s13;
	s1 =	sadd.s32 $0x80, s14;
	[sflag:s22] =	ssyncadd.s32 $0xFFFFE000  }
.LBB2_2:
0x4b: {  	[spmem:s2] =	stream.indirect.scatter.add.f32 [tilespmem:s23], [sflag:$0x4], $0x10, s29, s20, $0xb8;
	[tilespmem:$0x1D700] =	vst v63  }
0x4c: {  	s29 =	smov.u32 s0  }
0x4d: {  	p0 =	sne.s32 s0, $0x18000;
	s0 =	sadd.s32 $0x400, s0;
	_ =	swait.ge [sflag:s18], $0x400  }
0x4e: {  	[sflag:s18] =	ssyncset.done $0x0  }
0x4f: {  	[sflag:s18] =	ssyncadd.s32 $0xFFFFFC00  }
0x50: {  	_ =	swait.ge [sflag:s18], $0x400  }
0x51: {  	s29 =	sand.u32 $0x400, s29;
	[sflag:s18] =	ssyncset.done $0x0  }
0x52: {  	s30 =	sxor.u32 $0x400, s29;
	[sflag:s18] =	ssyncadd.s32 $0xFFFFFC00  }
0x53: {  	[tilespmem:s30], [sflag:$0x2] =	stream.linear.gather [hbm4b:s24+s3], $0x400, $0x38;
	[tilespmem:$0x1D700] =	vst v63  }
0x54: {  	s30 =	sxor.u32 $0xC00, s29  }
0x55: {  	[tilespmem:s30], [sflag:$0x2] =	stream.linear.gather [hbm4b:s1+s3], $0x400, $0x38;
	[tilespmem:$0x1D700] =	vst v63  }
0x56: {  	_ =	swait.ge [sflag:s25], $0x2000  }
0x57: {  	[sflag:s25] =	ssyncset.done $0x0  }
0x58: {  	[sflag:s25] =	ssyncadd.s32 $0xFFFFE000  }
0x59: {  	_ =	swait.ge [sflag:s26], $0x2000  }
0x5a: {  	[sflag:s26] =	ssyncset.done $0x0  }
0x5b: {  	[sflag:s26] =	ssyncadd.s32 $0xFFFFE000  }
0x5c: {  	[tilespmem:s21], [sflag:$0x1] =	stream.indirect.gather [hbm4b:s4+s20], $0x10, s29, s20, $0xb8;
	[tilespmem:$0x1D700] =	vst v63  }
0x5d: {  	_ =	swait.ge [sflag:s22], $0x2000  }
0x5e: {  	[sflag:s22] =	ssyncset.done $0x0  }
0x5f: {  	s30 =	sor.u32 $0x800, s29;
	[sflag:s22] =	ssyncadd.s32 $0xFFFFE000  }
0x60: {  	[spmem:s2] =	stream.indirect.scatter.add.f32 [tilespmem:s21], [sflag:$0x3], $0x10, s30, s20, $0xb8;
	[tilespmem:$0x1D700] =	vst v63  }
.Ltmp0:
0x61: {  	s30 =	sor.u32 $0x200, s29;
	(pc) =	sbr.rel @p0 .LBB2_2-.Ltmp0, $4  }
0x62: {  	[tilespmem:s23], [sflag:$0x1] =	stream.indirect.gather [hbm4b:s4+s20], $0x10, s30, s20, $0xb8;
	[tilespmem:$0x1D700] =	vst v63  }
0x63: {  	_ =	swait.ge [sflag:s22], $0x2000  }
0x64: {  	s1 =	sadd.s32 $0x80, s1;
	[sflag:s22] =	ssyncset.done $0x0  }
0x65: {  	s24 =	sadd.s32 $0x80, s24;
	s29 =	sor.u32 $0xA00, s29;
	[sflag:s22] =	ssyncadd.s32 $0xFFFFE000  }
0x66: {  	[spmem:s2] =	stream.indirect.scatter.add.f32 [tilespmem:s23], [sflag:$0x4], $0x10, s29, s20, $0xb8;
	[tilespmem:$0x1D700] =	vst v63  }
0x67: {  	_ =	swait.ge [sflag:s18], $0x400  }
0x68: {  	[sflag:s18] =	ssyncset.done $0x0  }
0x69: {  	[sflag:s18] =	ssyncadd.s32 $0xFFFFFC00  }
0x6a: {  	_ =	swait.ge [sflag:s18], $0x400  }
0x6b: {  	[sflag:s18] =	ssyncset.done $0x0  }
0x6c: {  	[sflag:s18] =	ssyncadd.s32 $0xFFFFFC00  }
0x6d: {  	_ =	swait.ge [sflag:s25], $0x2000  }
0x6e: {  	[sflag:s25] =	ssyncset.done $0x0  }
0x6f: {  	[sflag:s25] =	ssyncadd.s32 $0xFFFFE000  }
0x70: {  	_ =	swait.ge [sflag:s26], $0x2000  }
0x71: {  	[sflag:s26] =	ssyncset.done $0x0  }
0x72: {  	[sflag:s26] =	ssyncadd.s32 $0xFFFFE000  }
0x73: {  	[tilespmem:s21], [sflag:$0x1] =	stream.indirect.gather [hbm4b:s4+s20], $0x10, s28, s20, $0xb8;
	[tilespmem:$0x1D700] =	vst v63  }
0x74: {  	_ =	swait.ge [sflag:s22], $0x2000  }
0x75: {  	[sflag:s22] =	ssyncset.done $0x0  }
0x76: {  	[sflag:s22] =	ssyncadd.s32 $0xFFFFE000  }
0x77: {  	[spmem:s2] =	stream.indirect.scatter.add.f32 [tilespmem:s21], [sflag:$0x3], $0x10, s19, s20, $0xb8;
	[tilespmem:$0x1D700] =	vst v63  }
0x78: {  	s0 =	simm.s32 $0x600  }
0x79: {  	[tilespmem:s23], [sflag:$0x1] =	stream.indirect.gather [hbm4b:s4+s20], $0x10, s0, s20, $0xb8;
	[tilespmem:$0x1D700] =	vst v63  }
0x7a: {  	_ =	swait.ge [sflag:s22], $0x2000  }
0x7b: {  	[sflag:s22] =	ssyncset.done $0x0  }
0x7c: {  	s30 =	simm.s32 $0xE00;
	[sflag:s22] =	ssyncadd.s32 $0xFFFFE000  }
0x7d: {  	[spmem:s2] =	stream.indirect.scatter.add.f32 [tilespmem:s23], [sflag:$0x4], $0x10, s30, s20, $0xb8;
	[tilespmem:$0x1D700] =	vst v63  }
0x7e: {  	_ =	swait.ge [sflag:s25], $0x2000  }
0x7f: {  	[sflag:s25] =	ssyncset.done $0x0  }
0x80: {  	[sflag:s25] =	ssyncadd.s32 $0xFFFFE000  }
0x81: {  	_ =	swait.ge [sflag:s26], $0x2000  }
0x82: {  	s31 =	sadd.s32 $0x1, s31;
	[sflag:s26] =	ssyncset.done $0x0  }
0x83: {  	p0 =	sne.s32 s31, s10;
	[sflag:s26] =	ssyncadd.s32 $0xFFFFE000  }
.Ltmp1:
0x84: {  	[bflag:$0x0] =	sbarrier.arrive $0xFFFF;
	(pc) =	sbr.rel @p0 .LBB2_1-.Ltmp1, $4  }
0x85: {  	[hbm:s9], [sflag:s6] =	dma.local [spmem:s15], $0x30E0  }
0x86: {  	_ =	swait.ge [sflag:s16], $0x30E0  }
0x87: {  	[sflag:s16] =	ssyncset.done $0x0  }
0x88: {  	[sflag:s16] =	ssyncadd.s32 $0xFFFFCF20  }
0x89: {  	_ =	sfence.sel $0x180000  }
0x8a: {  	[bflag:$0x0] =	sbarrier.arrive $0xFFFF  }
0x8b: {  	_ =	strace $0x9000004A  }
0x8c: {  	s0 =	stileid.u32;
	[bflag:$0x2] =	sbarrier.arrive $0xFFFF  }
0x8d: {  	p0 =	sne.s32 s0, $0x0;
	s0 =	rddreg [dreg:$0x2]  }
0x8e: {  	s0 =	sadd.s32 @!p0 $0x100000, s0  }
0x8f: {  	[sflag:s0] =	ssyncadd.tile.s32 @!p0 $0x1;
	_ =	shalt  }
.Lfunc_end2:
_tile_overlayer_lowered:
.L_overlay_start_2:
0x90: {  	(tag) =	ssettag $0x2  }
0x91: {  	s0 =	rddreg [dreg:$0x0];
	s2 =	stileid.u32  }
0x92: {  	s1 =	rddreg [dreg:$0x1];
	p0 =	sne.s32 s2, $0x0  }
0x93: {  	s3 =	rddreg [dreg:$0x2];
	[bflag:$0x3] =	sbarrier.arrive $0xFFFF;
	s2 =	simm.s32 @!p0 $0x1C05  }
0x94: {  	[timem:s3], [sflag:s2] =	dma.local @!p0 [hbm:s0], s1  }
0x95: {  	s0 =	simm.s32 @!p0 $0x5  }
0x96: {  	_ =	swait.ge @!p0 [sflag:s0], s1  }
0x97: {  	s1 =	ssub.s32 @!p0 $0x0, s1;
	[sflag:s0] =	ssyncset.done @!p0 $0x0  }
0x98: {  	[sflag:s0] =	ssyncadd.s32 @!p0 s1  }
0x99: {  	[bflag:$0x3] =	sbarrier.arrive $0xFFFF  }
0x9a: {  	_ =	shalt  }

// kernel: kernel.16.cloned.1.call-start
scs
__scs_entry_jumppad:
0x0: {  	(pc) =	sbr.rel $0x88, $3  }
0x1: {  	(tag) =	ssettag $0x0;
	lr =	simm.s32 $0x1  }
0x2: {  	[smem:$0x3F94] =	sst lr;
	_ =	strace $0xD0000000  }
0x3: {  	_ = 	snop  }
0x4: {  	_ = 	snop  }
0x5: {  	_ = 	snop  }
0x6: {  	_ = 	snop  }
0x7: {  	_ = 	snop  }
__scs_overlays_trampoline_lowered:
0x8: {  	[smem:$0x3FA3] =	sst s0  }
0x9: {  	[smem:$0x3FA4] =	sst s1  }
0xa: {  	[smem:$0x3FA5] =	sst s2  }
0xb: {  	[smem:$0x3FA6] =	sst s3  }
0xc: {  	[smem:$0x3FA7] =	sst s4  }
0xd: {  	[smem:$0x3FA8] =	sst s5  }
0xe: {  	[smem:$0x3FA9] =	sst s6  }
0xf: {  	[smem:$0x3FAA] =	sst s7  }
0x10: {  	[smem:$0x3FAB] =	sst s8  }
0x11: {  	[smem:$0x3FAC] =	sst s9;
	s0 =	simm.s32 @!p0 $0x0  }
0x12: {  	s1 =	sld [smem:$0x3F92];
	s0 =	simm.s32 @p0 $0x1  }
0x13: {  	[smem:$0x3FAD] =	sst s0;
	s0 =	simm.s32 @!p1 $0x0  }
0x14: {  	s2 =	sld [smem:$0x3F91];
	s0 =	simm.s32 @p1 $0x1  }
0x15: {  	[smem:$0x3FAE] =	sst s0;
	s0 =	simm.s32 @!p2 $0x0  }
0x16: {  	s3 =	sld [smem:$0x3FDB];
	s0 =	simm.s32 @p2 $0x1  }
0x17: {  	s4 =	simm.s32 $0x1BF5;
	[smem:$0x3FB0] =	sst s0  }
0x18: {  	s0 =	sld [smem:$0x3F93];
	_ =	swait.ge [sflag:s4], $0x0  }
0x19: {  	s7 =	sld [smem:$0x3F94]  }
0x1a: {  	s8 =	sadd.s32 $0xFFFFE003, lr  }
0x1b: {  	s9 =	sadd.s32 $0xFFFFFEF7, lr;
	s5 =	simm.s32 $0xFFFFFFFF;
	p2 =	slt.u32 s8, $0xFFFFF086  }
0x1c: {  	p1 =	slt.u32 s9, $0xF7A;
	s5 =	simm.s32 @!p2 $0x0  }
0x1d: {  	s5 =	simm.s32 @p1 $0x1;
	p0 =	seq.s32 s7, s2  }
0x1e: {  	s7 =	smul.u32 @!p0 $0xF7A, s2;
	p2 =	seq.s32 @!p0 s5, $0x0  }
0x1f: {  	s9 =	smul.u32 $0xF7A, s1;
	s8 =	simm.s32 @!p0 $0x1BF5;
	p2 =	por !p2, p0  }
0x20: {  	[sflag:s8] =	ssyncset.s32 @!p0 $0xFFFFF086;
	s6 =	sadd.s32 @!p0 s3, s7;
	s7 =	simm.s32 @!p0 $0x108  }
0x21: {  	s3 =	sadd.s32 s3, s9;
	s6 =	sadd.s32 @!p0 $0x88, s6;
	s7 =	simm.s32 @p2 $0x1082  }
0x22: {  	[simem:s7], [sflag:s8] =	dma.local @!p0 [hbm:s6], $0xF7A  }
0x23: {  	s9 =	sor.u32 $0xD0000000, s2;
	s6 =	simm.s32 $0x108;
	_ =	swait.ge @!p0 [sflag:s8], $0x0  }
0x24: {  	s3 =	sadd.s32 $0x88, s3;
	s6 =	simm.s32 @!p1 $0x1082;
	[sflag:s4] =	ssyncset.s32 $0xFFFFF086  }
0x25: {  	[simem:s6], [sflag:s4] =	dma.local [hbm:s3], $0xF7A  }
0x26: {  	[smem:$0x3F94] =	sst s1;
	(tag) =	ssettag s2;
	_ =	strace s9  }
0x27: {  	s1 =	sld [smem:$0x3FA4]  }
0x28: {  	s2 =	sld [smem:$0x3FA5]  }
0x29: {  	s4 =	sld [smem:$0x3FA7]  }
0x2a: {  	p0 =	seq.s32 s5, $0x0;
	s5 =	sld [smem:$0x3FA8]  }
0x2b: {  	s6 =	sld [smem:$0x3FA9]  }
0x2c: {  	s7 =	sld [smem:$0x3FAA]  }
0x2d: {  	s3 =	simm.s32 $0x108;
	s8 =	sld [smem:$0x3FAB]  }
0x2e: {  	s3 =	simm.s32 @!p0 $0x1082;
	s9 =	sld [smem:$0x3FAC]  }
0x2f: {  	lr =	sadd.s32 s0, s3;
	s0 =	sld [smem:$0x3FA3]  }
0x30: {  	s3 =	sld [smem:$0x3FA6]  }
0x31: {  	[smem:$0x3FAF] =	sst s10  }
0x32: {  	s10 =	sld [smem:$0x3FAD];
	_ =	sdelay $0x3  }
0x33: {  	p0 =	seq.s32 s10, $0x1;
	s10 =	sld [smem:$0x3FAF];
	_ =	sdelay $0x3  }
0x34: {  	[smem:$0x3FAF] =	sst s10  }
0x35: {  	s10 =	sld [smem:$0x3FAE];
	_ =	sdelay $0x3  }
0x36: {  	p1 =	seq.s32 s10, $0x1;
	s10 =	sld [smem:$0x3FAF];
	_ =	sdelay $0x3  }
0x37: {  	[smem:$0x3FAF] =	sst s10  }
0x38: {  	s10 =	sld [smem:$0x3FB0]  }
0x39: {  	_ = 	snop;
	(pc) =	sbr.ind lr, $3  }
0x3a: {  	_ = 	snop  }
0x3b: {  	_ = 	snop  }
0x3c: {  	p2 =	seq.s32 s10, $0x1;
	s10 =	sld [smem:$0x3FAF]  }
0x3d: {  	_ =	shalt  }
0x3e: {  	_ =	shalt  }
0x3f: {  	_ =	shalt  }
0x40: {  	_ =	shalt  }
0x41: {  	_ =	shalt  }
0x42: {  	_ =	shalt  }
0x43: {  	_ =	shalt  }
0x44: {  	_ =	shalt  }
0x45: {  	_ =	shalt  }
0x46: {  	_ =	shalt  }
0x47: {  	_ =	shalt  }
0x48: {  	_ =	shalt  }
0x49: {  	_ =	shalt  }
0x4a: {  	_ =	shalt  }
0x4b: {  	_ =	shalt  }
0x4c: {  	_ =	shalt  }
0x4d: {  	_ =	shalt  }
0x4e: {  	_ =	shalt  }
0x4f: {  	_ =	shalt  }
0x50: {  	_ =	shalt  }
0x51: {  	_ =	shalt  }
0x52: {  	_ =	shalt  }
0x53: {  	_ =	shalt  }
0x54: {  	_ =	shalt  }
0x55: {  	_ =	shalt  }
0x56: {  	_ =	shalt  }
0x57: {  	_ =	shalt  }
0x58: {  	_ =	shalt  }
0x59: {  	_ =	shalt  }
0x5a: {  	_ =	shalt  }
0x5b: {  	_ =	shalt  }
0x5c: {  	_ =	shalt  }
0x5d: {  	_ =	shalt  }
0x5e: {  	_ =	shalt  }
0x5f: {  	_ =	shalt  }
0x60: {  	_ =	shalt  }
0x61: {  	_ =	shalt  }
0x62: {  	_ =	shalt  }
0x63: {  	_ =	shalt  }
0x64: {  	_ =	shalt  }
0x65: {  	_ =	shalt  }
0x66: {  	_ =	shalt  }
0x67: {  	_ =	shalt  }
0x68: {  	_ =	shalt  }
0x69: {  	_ =	shalt  }
0x6a: {  	_ =	shalt  }
0x6b: {  	_ =	shalt  }
0x6c: {  	_ =	shalt  }
0x6d: {  	_ =	shalt  }
0x6e: {  	_ =	shalt  }
0x6f: {  	_ =	shalt  }
0x70: {  	_ =	shalt  }
0x71: {  	_ =	shalt  }
0x72: {  	_ =	shalt  }
0x73: {  	_ =	shalt  }
0x74: {  	_ =	shalt  }
0x75: {  	_ =	shalt  }
0x76: {  	_ =	shalt  }
0x77: {  	_ =	shalt  }
0x78: {  	_ =	shalt  }
0x79: {  	_ =	shalt  }
0x7a: {  	_ =	shalt  }
0x7b: {  	_ =	shalt  }
0x7c: {  	_ =	shalt  }
0x7d: {  	_ =	shalt  }
0x7e: {  	_ =	shalt  }
0x7f: {  	_ =	shalt  }
0x80: {  	_ =	shalt  }
0x81: {  	_ =	shalt  }
0x82: {  	_ =	shalt  }
0x83: {  	_ =	shalt  }
0x84: {  	_ =	shalt  }
0x85: {  	_ =	shalt  }
0x86: {  	_ =	shalt  }
0x87: {  	_ =	shalt  }
.Lfunc_end0:
.L_simem_size_0:
called_computation.2_lowered:
.L_overlay_start_0:
0x88: {  	s2 =	sld [smem:$0x3FD9]  }
0x89: {  	s3 =	sld [smem:$0x3FFE];
	_ =	sdelay $0x1  }
0x8a: {  	s1 =	srdreg.scid  }
0x8b: {  	s0 =	sand.u32 $0x1, s1  }
0x8c: {  	s16 =	sshll.u32 s0, $0xA;
	s2 =	sadd.s32 s3, s2  }
0x8d: {  	s2 =	sadd.s32 s2, s16  }
0x8e: {  	[smem:$0x3FBB] =	sst s2  }
0x8f: {  	_ = 	snop  }
0x90: {  	(tm) =	ssettm $0x1  }
0x91: {  	s17 =	sld [smem:$0x3FFB];
	_ =	sdelay $0x3  }
0x92: {  	_ =	strace s17  }
0x93: {  	s2 =	sld [smem:$0x3FFC];
	_ =	sdelay $0x3  }
0x94: {  	_ =	strace s2  }
0x95: {  	s2 =	sld [smem:$0x3FFD];
	_ =	sdelay $0x3  }
0x96: {  	_ =	strace s2  }
0x97: {  	_ =	strace $0x8FFFFFFF  }
0x98: {  	s18 =	sld [smem:$0x3FDB];
	_ =	sdelay $0x1  }
0x99: {  	s19 =	simm.s32 $_scs_section_size  }
0x9a: {  	s4 =	simm.s32 $_size__tile_overlayer_lowered;
	s5 =	simm.s32 $_tile_overlayer_lowered  }
0x9b: {  	s22 =	simm.s32 $0x1BFF;
	s21 =	sshll.u32 s5, $0x1;
	s2 =	sadd.s32 s19, s18  }
0x9c: {  	s6 =	simm.s32 $0x0;
	s20 =	sshll.u32 s4, $0x1;
	s4 =	sadd.s32 s21, s2  }
0x9d: {  	[timem:s6], [sflag:s22] =	dma.local [hbm:s4], s20  }
0x9e: {  	_ =	swait.ge [sflag:s22], s20  }
0x9f: {  	s3 =	ssub.s32 $0x0, s20;
	[sflag:s22] =	ssyncset.done $0x0  }
0xa0: {  	[sflag:s22] =	ssyncadd.s32 s3;
	_ =	sdelay $0x1  }
0xa1: {  	s23 =	simm.s32 $0x1B8B  }
0xa2: {  	_ =	swait.ge [sflag:s23], $0x1  }
0xa3: {  	[sflag:s23] =	ssyncset.done $0x0  }
0xa4: {  	s25 =	simm.s32 $0x1B8E;
	s24 =	sld [smem:$0x3FFE];
	[sflag:s23] =	ssyncadd.s32 $0xFFFFFFFF  }
0xa5: {  	s26 =	simm.s32 $execute0_lowered;
	[smem:$0x3FD2] =	sst s25  }
0xa6: {  	s4 =	sshll.u32 s26, $0x1;
	_ =	strace $0x8000004C;
	[dreg:$0x1] =	wrdreg $0xFFFFFFFF  }
0xa7: {  	s28 =	simm.s32 $_size_execute0_lowered;
	s2 =	sadd.s32 s2, s4;
	[dreg:$0x0] =	wrdreg $0x0  }
0xa8: {  	s4 =	sshll.u32 s28, $0x1;
	[dreg:$0x2] =	wrdreg s2  }
0xa9: {  	[dreg:$0x3] =	wrdreg s4  }
0xaa: {  	[dreg:$0x4] =	wrdreg $0xC0  }
0xab: {  	_ =	task [dreg:s6], $0x5FFFF  }
0xac: {  	[dreg:$0x1] =	wrdreg $0xFFFFFFFF  }
0xad: {  	[dreg:$0x0] =	wrdreg $0x60  }
0xae: {  	[dreg:$0x2] =	wrdreg s24  }
0xaf: {  	[dreg:$0x3] =	wrdreg $0x50000  }
0xb0: {  	[dreg:$0x4] =	wrdreg $0x9  }
0xb1: {  	_ =	task.clear_ibuf [dreg:s6], $0x5FFFF;
	_ =	strace $0x9000004C  }
0xb2: {  	s29 =	simm.s32 $0x9;
	_ =	strace $0x8000004E  }
0xb3: {  	_ =	swait.ge [sflag:s29], $0x1  }
0xb4: {  	[sflag:s29] =	ssyncadd.s32 $0xFFFFFFFF  }
0xb5: {  	_ =	strace $0x9000004E  }
0xb6: {  	_ =	sfence  }
0xb7: {  	s30 =	sld [smem:$0x0];
	_ =	sdelay $0x2  }
0xb8: {  	s31 =	sshll.u32 s1, $0xD;
	s1 =	sshrl.u32 s1, $0x2  }
0xb9: {  	s3 =	sand.u32 $0x4000, s31;
	s1 =	sadd.s32 s1, s30  }
0xba: {  	s0 =	sor.u32 s3, s0;
	s1 =	sshll.u32 s1, $0x11  }
0xbb: {  	s0 =	sor.u32 s1, s0  }
0xbc: {  	s0 =	sadd.s32 $0x8F2B, s0  }
0xbd: {  	[sflag:s0] =	ssyncadd.remote.s32 $0x1  }
0xbe: {  	_ =	sfence.sel $0xFFFF  }
0xbf: {  	[dreg:$0x0] =	wrdreg $0xFFFFFFFF;
	(pc) =	sbr.abs _section_cstart, $3  }
0xc0: {  	[dreg:$0x1] =	wrdreg $0xFFFFFFFF  }
0xc1: {  	_ =	task.clear_ibuf [dreg:s6], $0x2FFFF;
	_ =	strace $0x9FFFFFFF  }
0xc2: {  	(tm) =	ssettm $0x7FFFFFFF  }
0xc3: {  	_ =	shalt  }
tec
execute0_lowered:
.L_overlay_start_1:
0x0: {  	(tag) =	ssettag $0x1  }
0x1: {  	s0 =	rddreg [dreg:$0x0]  }
0x2: {  	s2 =	rddreg [dreg:$0x1]  }
0x3: {  	s3 =	simm.s32 $0x0;
	s14 =	stileid.u32;
	s1 =	srdreg.scid  }
0x4: {  	s17 =	simm.s32 $0x800;
	s18 =	simm.s32 $0x2;
	s19 =	simm.s32 $0xC00  }
0x5: {  	s20 =	simm.s32 $0x200;
	s21 =	simm.s32 $0x1000;
	s22 =	simm.s32 $0x1  }
0x6: {  	s23 =	simm.s32 $0x3000;
	s28 =	simm.s32 $0x400;
	s31 =	simm.s32 $0x0  }
0x7: {  	[smem:$0x7FF] =	sst s3;
	s5 =	smul.u32 $0x18700, s14;
	s1 =	sand.u32 $0x1, s1  }
0x8: {  	s4 =	sadd.s32 $0x4600, s0;
	s12 =	sadd.s32 $0x35400, s0;
	s13 =	sadd.s32 $0x97400, s0  }
0x9: {  	s8 =	sshll.u32 s14, $0x1;
	s25 =	sshll.u32 s14, $0x6;
	s26 =	smul.u32 $0x6200, s14  }
0xa: {  	_ =	strace $0x8000004D;
	s6 =	smul.u32 $0x187000, s1;
	s9 =	ssub.s32 $0x2, s1  }
0xb: {  	s8 =	sor.u32 s1, s8;
	s1 =	smul.u32 $0x3100, s1;
	s7 =	sshrl.u32 s5, $0x3  }
0xc: {  	s24 =	sshrl.u32 s9, $0x1;
	s11 =	smul.u32 $0x3100, s8;
	s15 =	sadd.s32 s5, s2  }
0xd: {  	s16 =	sadd.s32 s26, s12;
	s7 =	sadd.s32 s7, s0;
	s6 =	sadd.s32 s5, s6  }
0xe: {  	s10 =	ssub.s32 s9, s24;
	s30 =	sadd.s32 s1, s16;
	s15 =	sshrl.u32 s15, $0x3  }
0xf: {  	s16 =	simm.s32 $0x5;
	s6 =	sshrl.u32 s6, $0x3;
	s5 =	sadd.s32 $0xF9400, s7  }
0x10: {  	s7 =	sadd.s32 s12, s11;
	s8 =	sadd.s32 s13, s11;
	s10 =	smax.u32 s10, $0x1  }
0x11: {  	s29 =	sor.u32 $0x80, s11;
	s0 =	sadd.s32 s6, s0;
	s6 =	sor.u32 $0x1C05, s25  }
0x12: {  	s11 =	sadd.s32 s12, s29;
	s9 =	sadd.s32 $0x12A600, s0;
	s0 =	sadd.s32 s26, s13  }
0x13: {  	s12 =	sadd.s32 s13, s29;
	s25 =	simm.s32 $0x3;
	s0 =	sadd.s32 s1, s0  }
0x14: {  	s13 =	sadd.s32 $0x100, s30;
	s26 =	simm.s32 $0x4;
	s14 =	sadd.s32 $0x100, s0  }
.LBB2_1:
0x15: {  	[spmem:s15], [sflag:s6] =	dma.local [hbm:s5], $0x30E0  }
0x16: {  	_ =	swait.ge [sflag:s16], $0x30E0  }
0x17: {  	[sflag:s16] =	ssyncset.done $0x0  }
0x18: {  	[sflag:s16] =	ssyncadd.s32 $0xFFFFCF20  }
0x19: {  	[bflag:$0x0] =	sbarrier.arrive $0xFFFF  }
0x1a: {  	[tilespmem:s3], [sflag:$0x2] =	stream.linear.gather [hbm4b:s7+s3], $0x400, $0x38;
	[tilespmem:$0x1D700] =	vst v63  }
0x1b: {  	_ = 	snop  }
0x1c: {  	[tilespmem:s17], [sflag:$0x2] =	stream.linear.gather [hbm4b:s8+s3], $0x400, $0x38;
	[tilespmem:$0x1D700] =	vst v63  }
0x1d: {  	_ =	swait.ge [sflag:s18], $0x400  }
0x1e: {  	[sflag:s18] =	ssyncset.done $0x0  }
0x1f: {  	[sflag:s18] =	ssyncadd.s32 $0xFFFFFC00  }
0x20: {  	_ =	swait.ge [sflag:s18], $0x400  }
0x21: {  	[sflag:s18] =	ssyncset.done $0x0  }
0x22: {  	[sflag:s18] =	ssyncadd.s32 $0xFFFFFC00  }
0x23: {  	[tilespmem:s28], [sflag:$0x2] =	stream.linear.gather [hbm4b:s11+s3], $0x400, $0x38;
	[tilespmem:$0x1D700] =	vst v63  }
0x24: {  	_ = 	snop  }
0x25: {  	[tilespmem:s19], [sflag:$0x2] =	stream.linear.gather [hbm4b:s12+s3], $0x400, $0x38;
	[tilespmem:$0x1D700] =	vst v63  }
0x26: {  	_ = 	snop  }
0x27: {  	[tilespmem:s21], [sflag:$0x1] =	stream.indirect.gather [hbm4b:s4+s20], $0x10, s3, s20, $0xb8;
	[tilespmem:$0x1D700] =	vst v63  }
0x28: {  	_ =	swait.ge [sflag:s22], $0x2000  }
0x29: {  	[sflag:s22] =	ssyncset.done $0x0  }
0x2a: {  	[sflag:s22] =	ssyncadd.s32 $0xFFFFE000  }
0x2b: {  	[spmem:s2] =	stream.indirect.scatter.add.f32 [tilespmem:s21], [sflag:$0x3], $0x10, s17, s20, $0xb8;
	[tilespmem:$0x1D700] =	vst v63  }
0x2c: {  	_ = 	snop  }
0x2d: {  	[tilespmem:s23], [sflag:$0x1] =	stream.indirect.gather [hbm4b:s4+s20], $0x10, s20, s20, $0xb8;
	[tilespmem:$0x1D700] =	vst v63  }
0x2e: {  	_ =	swait.ge [sflag:s22], $0x2000  }
0x2f: {  	[sflag:s22] =	ssyncset.done $0x0  }
0x30: {  	s0 =	simm.s32 $0xA00;
	[sflag:s22] =	ssyncadd.s32 $0xFFFFE000  }
0x31: {  	[spmem:s2] =	stream.indirect.scatter.add.f32 [tilespmem:s23], [sflag:$0x4], $0x10, s0, s20, $0xb8;
	[tilespmem:$0x1D700] =	vst v63  }
0x32: {  	_ =	swait.ge [sflag:s18], $0x400  }
0x33: {  	[sflag:s18] =	ssyncset.done $0x0  }
0x34: {  	[sflag:s18] =	ssyncadd.s32 $0xFFFFFC00  }
0x35: {  	_ =	swait.ge [sflag:s18], $0x400  }
0x36: {  	s24 =	sand.u32 $0x400, s28;
	[sflag:s18] =	ssyncset.done $0x0  }
0x37: {  	s1 =	sxor.u32 $0x400, s24;
	[sflag:s18] =	ssyncadd.s32 $0xFFFFFC00  }
0x38: {  	[tilespmem:s1], [sflag:$0x2] =	stream.linear.gather [hbm4b:s13+s3], $0x400, $0x38;
	[tilespmem:$0x1D700] =	vst v63  }
0x39: {  	s30 =	sxor.u32 $0xC00, s24  }
0x3a: {  	[tilespmem:s30], [sflag:$0x2] =	stream.linear.gather [hbm4b:s14+s3], $0x400, $0x38;
	[tilespmem:$0x1D700] =	vst v63  }
0x3b: {  	_ =	swait.ge [sflag:s25], $0x2000  }
0x3c: {  	[sflag:s25] =	ssyncset.done $0x0  }
0x3d: {  	[sflag:s25] =	ssyncadd.s32 $0xFFFFE000  }
0x3e: {  	_ =	swait.ge [sflag:s26], $0x2000  }
0x3f: {  	[sflag:s26] =	ssyncset.done $0x0  }
0x40: {  	[sflag:s26] =	ssyncadd.s32 $0xFFFFE000  }
0x41: {  	[tilespmem:s21], [sflag:$0x1] =	stream.indirect.gather [hbm4b:s4+s20], $0x10, s24, s20, $0xb8;
	[tilespmem:$0x1D700] =	vst v63  }
0x42: {  	_ =	swait.ge [sflag:s22], $0x2000  }
0x43: {  	[sflag:s22] =	ssyncset.done $0x0  }
0x44: {  	s1 =	sor.u32 $0x800, s24;
	[sflag:s22] =	ssyncadd.s32 $0xFFFFE000  }
0x45: {  	[spmem:s2] =	stream.indirect.scatter.add.f32 [tilespmem:s21], [sflag:$0x3], $0x10, s1, s20, $0xb8;
	[tilespmem:$0x1D700] =	vst v63  }
0x46: {  	s30 =	sor.u32 $0x200, s24  }
0x47: {  	[tilespmem:s23], [sflag:$0x1] =	stream.indirect.gather [hbm4b:s4+s20], $0x10, s30, s20, $0xb8;
	[tilespmem:$0x1D700] =	vst v63  }
0x48: {  	_ =	swait.ge [sflag:s22], $0x2000  }
0x49: {  	s29 =	sor.u32 $0xA00, s24;
	s0 =	simm.s32 $0x800;
	[sflag:s22] =	ssyncset.done $0x0  }
0x4a: {  	s24 =	sadd.s32 $0x80, s13;
	s1 =	sadd.s32 $0x80, s14;
	[sflag:s22] =	ssyncadd.s32 $0xFFFFE000  }
.LBB2_2:
0x4b: {  	[spmem:s2] =	stream.indirect.scatter.add.f32 [tilespmem:s23], [sflag:$0x4], $0x10, s29, s20, $0xb8;
	[tilespmem:$0x1D700] =	vst v63  }
0x4c: {  	s29 =	smov.u32 s0  }
0x4d: {  	p0 =	sne.s32 s0, $0x18000;
	s0 =	sadd.s32 $0x400, s0;
	_ =	swait.ge [sflag:s18], $0x400  }
0x4e: {  	[sflag:s18] =	ssyncset.done $0x0  }
0x4f: {  	[sflag:s18] =	ssyncadd.s32 $0xFFFFFC00  }
0x50: {  	_ =	swait.ge [sflag:s18], $0x400  }
0x51: {  	s29 =	sand.u32 $0x400, s29;
	[sflag:s18] =	ssyncset.done $0x0  }
0x52: {  	s30 =	sxor.u32 $0x400, s29;
	[sflag:s18] =	ssyncadd.s32 $0xFFFFFC00  }
0x53: {  	[tilespmem:s30], [sflag:$0x2] =	stream.linear.gather [hbm4b:s24+s3], $0x400, $0x38;
	[tilespmem:$0x1D700] =	vst v63  }
0x54: {  	s30 =	sxor.u32 $0xC00, s29  }
0x55: {  	[tilespmem:s30], [sflag:$0x2] =	stream.linear.gather [hbm4b:s1+s3], $0x400, $0x38;
	[tilespmem:$0x1D700] =	vst v63  }
0x56: {  	_ =	swait.ge [sflag:s25], $0x2000  }
0x57: {  	[sflag:s25] =	ssyncset.done $0x0  }
0x58: {  	[sflag:s25] =	ssyncadd.s32 $0xFFFFE000  }
0x59: {  	_ =	swait.ge [sflag:s26], $0x2000  }
0x5a: {  	[sflag:s26] =	ssyncset.done $0x0  }
0x5b: {  	[sflag:s26] =	ssyncadd.s32 $0xFFFFE000  }
0x5c: {  	[tilespmem:s21], [sflag:$0x1] =	stream.indirect.gather [hbm4b:s4+s20], $0x10, s29, s20, $0xb8;
	[tilespmem:$0x1D700] =	vst v63  }
0x5d: {  	_ =	swait.ge [sflag:s22], $0x2000  }
0x5e: {  	[sflag:s22] =	ssyncset.done $0x0  }
0x5f: {  	s30 =	sor.u32 $0x800, s29;
	[sflag:s22] =	ssyncadd.s32 $0xFFFFE000  }
0x60: {  	[spmem:s2] =	stream.indirect.scatter.add.f32 [tilespmem:s21], [sflag:$0x3], $0x10, s30, s20, $0xb8;
	[tilespmem:$0x1D700] =	vst v63  }
.Ltmp0:
0x61: {  	s30 =	sor.u32 $0x200, s29;
	(pc) =	sbr.rel @p0 .LBB2_2-.Ltmp0, $4  }
0x62: {  	[tilespmem:s23], [sflag:$0x1] =	stream.indirect.gather [hbm4b:s4+s20], $0x10, s30, s20, $0xb8;
	[tilespmem:$0x1D700] =	vst v63  }
0x63: {  	_ =	swait.ge [sflag:s22], $0x2000  }
0x64: {  	s1 =	sadd.s32 $0x80, s1;
	[sflag:s22] =	ssyncset.done $0x0  }
0x65: {  	s24 =	sadd.s32 $0x80, s24;
	s29 =	sor.u32 $0xA00, s29;
	[sflag:s22] =	ssyncadd.s32 $0xFFFFE000  }
0x66: {  	[spmem:s2] =	stream.indirect.scatter.add.f32 [tilespmem:s23], [sflag:$0x4], $0x10, s29, s20, $0xb8;
	[tilespmem:$0x1D700] =	vst v63  }
0x67: {  	_ =	swait.ge [sflag:s18], $0x400  }
0x68: {  	[sflag:s18] =	ssyncset.done $0x0  }
0x69: {  	[sflag:s18] =	ssyncadd.s32 $0xFFFFFC00  }
0x6a: {  	_ =	swait.ge [sflag:s18], $0x400  }
0x6b: {  	[sflag:s18] =	ssyncset.done $0x0  }
0x6c: {  	[sflag:s18] =	ssyncadd.s32 $0xFFFFFC00  }
0x6d: {  	_ =	swait.ge [sflag:s25], $0x2000  }
0x6e: {  	[sflag:s25] =	ssyncset.done $0x0  }
0x6f: {  	[sflag:s25] =	ssyncadd.s32 $0xFFFFE000  }
0x70: {  	_ =	swait.ge [sflag:s26], $0x2000  }
0x71: {  	[sflag:s26] =	ssyncset.done $0x0  }
0x72: {  	[sflag:s26] =	ssyncadd.s32 $0xFFFFE000  }
0x73: {  	[tilespmem:s21], [sflag:$0x1] =	stream.indirect.gather [hbm4b:s4+s20], $0x10, s28, s20, $0xb8;
	[tilespmem:$0x1D700] =	vst v63  }
0x74: {  	_ =	swait.ge [sflag:s22], $0x2000  }
0x75: {  	[sflag:s22] =	ssyncset.done $0x0  }
0x76: {  	[sflag:s22] =	ssyncadd.s32 $0xFFFFE000  }
0x77: {  	[spmem:s2] =	stream.indirect.scatter.add.f32 [tilespmem:s21], [sflag:$0x3], $0x10, s19, s20, $0xb8;
	[tilespmem:$0x1D700] =	vst v63  }
0x78: {  	s0 =	simm.s32 $0x600  }
0x79: {  	[tilespmem:s23], [sflag:$0x1] =	stream.indirect.gather [hbm4b:s4+s20], $0x10, s0, s20, $0xb8;
	[tilespmem:$0x1D700] =	vst v63  }
0x7a: {  	_ =	swait.ge [sflag:s22], $0x2000  }
0x7b: {  	[sflag:s22] =	ssyncset.done $0x0  }
0x7c: {  	s30 =	simm.s32 $0xE00;
	[sflag:s22] =	ssyncadd.s32 $0xFFFFE000  }
0x7d: {  	[spmem:s2] =	stream.indirect.scatter.add.f32 [tilespmem:s23], [sflag:$0x4], $0x10, s30, s20, $0xb8;
	[tilespmem:$0x1D700] =	vst v63  }
0x7e: {  	_ =	swait.ge [sflag:s25], $0x2000  }
0x7f: {  	[sflag:s25] =	ssyncset.done $0x0  }
0x80: {  	[sflag:s25] =	ssyncadd.s32 $0xFFFFE000  }
0x81: {  	_ =	swait.ge [sflag:s26], $0x2000  }
0x82: {  	s31 =	sadd.s32 $0x1, s31;
	[sflag:s26] =	ssyncset.done $0x0  }
0x83: {  	p0 =	sne.s32 s31, s10;
	[sflag:s26] =	ssyncadd.s32 $0xFFFFE000  }
.Ltmp1:
0x84: {  	[bflag:$0x0] =	sbarrier.arrive $0xFFFF;
	(pc) =	sbr.rel @p0 .LBB2_1-.Ltmp1, $4  }
0x85: {  	[hbm:s9], [sflag:s6] =	dma.local [spmem:s15], $0x30E0  }
0x86: {  	_ =	swait.ge [sflag:s16], $0x30E0  }
0x87: {  	[sflag:s16] =	ssyncset.done $0x0  }
0x88: {  	[sflag:s16] =	ssyncadd.s32 $0xFFFFCF20  }
0x89: {  	_ =	sfence.sel $0x180000  }
0x8a: {  	[bflag:$0x0] =	sbarrier.arrive $0xFFFF  }
0x8b: {  	_ =	strace $0x9000004D  }
0x8c: {  	s0 =	stileid.u32;
	[bflag:$0x2] =	sbarrier.arrive $0xFFFF  }
0x8d: {  	p0 =	sne.s32 s0, $0x0;
	s0 =	rddreg [dreg:$0x2]  }
0x8e: {  	s0 =	sadd.s32 @!p0 $0x100000, s0  }
0x8f: {  	[sflag:s0] =	ssyncadd.tile.s32 @!p0 $0x1;
	_ =	shalt  }
.Lfunc_end2:
_tile_overlayer_lowered:
.L_overlay_start_2:
0x90: {  	(tag) =	ssettag $0x2  }
0x91: {  	s0 =	rddreg [dreg:$0x0];
	s2 =	stileid.u32  }
0x92: {  	s1 =	rddreg [dreg:$0x1];
	p0 =	sne.s32 s2, $0x0  }
0x93: {  	s3 =	rddreg [dreg:$0x2];
	[bflag:$0x3] =	sbarrier.arrive $0xFFFF;
	s2 =	simm.s32 @!p0 $0x1C05  }
0x94: {  	[timem:s3], [sflag:s2] =	dma.local @!p0 [hbm:s0], s1  }
0x95: {  	s0 =	simm.s32 @!p0 $0x5  }
0x96: {  	_ =	swait.ge @!p0 [sflag:s0], s1  }
0x97: {  	s1 =	ssub.s32 @!p0 $0x0, s1;
	[sflag:s0] =	ssyncset.done @!p0 $0x0  }
0x98: {  	[sflag:s0] =	ssyncadd.s32 @!p0 s1  }
0x99: {  	[bflag:$0x3] =	sbarrier.arrive $0xFFFF  }
0x9a: {  	_ =	shalt  }

</sc_bundles>
